<compile_context>
chip_gen: v7x
topology: tpu7x:2x2x1
jax: 0.10.2.dev20260603
libtpu: 0.0.44.dev20260713+nightly
codegen_flags: <defaults>
</compile_context>

<pallas_src>
import functools

import jax
import jax.numpy as jnp
from jax import lax
from jax.experimental import pallas as pl
from jax.experimental.pallas import tpu as pltpu
from jax.experimental.pallas import tpu_sc as plsc

DEADE = -(1 << 28)
MANT_MASK = 0x007FFFFF
ONE_BITS = 0x3F800000
LN2HI = 0.69314575195
LN2LO = 1.42860677e-06

NCHUNK = 9
BUFLEN = 160


def _gather_kernel(lp_ref, cls_ref, w_ref):
    x = lp_ref[0]
    m = jnp.max(x, axis=1, keepdims=True)
    e = jnp.exp(x - m)
    z = jnp.sum(e, axis=1, keepdims=True)
    C = x.shape[1]
    cls = cls_ref[0]
    cidx = jax.lax.broadcasted_iota(jnp.int32, (C, 128), 0)
    oh = (cidx == cls).astype(jnp.float32)
    g = jnp.dot(e, oh, preferred_element_type=jnp.float32)
    w_ref[0] = g * (1.0 / z)


def _vdecomp(p):
    bits = lax.bitcast_convert_type(p, jnp.int32)
    e = lax.shift_right_logical(bits, 23) - 127
    m = lax.bitcast_convert_type(
        lax.bitwise_or(lax.bitwise_and(bits, MANT_MASK), ONE_BITS),
        jnp.float32)
    return m, e


def _vscale(d):
    return lax.bitcast_convert_type(
        lax.shift_left(jnp.maximum(d + 127, 0), 23), jnp.float32)


def _sc_dp_build(B, T):
    mesh = plsc.VectorSubcoreMesh(core_axis_name="c", subcore_axis_name="s")

    @functools.partial(
        pl.kernel,
        mesh=mesh,
        out_type=[
            jax.ShapeDtypeStruct((B, BUFLEN), jnp.float32),
            jax.ShapeDtypeStruct((B, BUFLEN), jnp.int32),
        ],
        scratch_types=[
            pltpu.VMEM((T, 128), jnp.float32),
            pltpu.VMEM((BUFLEN,), jnp.float32),
            pltpu.VMEM((16,), jnp.int32),
            pltpu.VMEM((BUFLEN,), jnp.float32),
            pltpu.VMEM((BUFLEN,), jnp.int32),
            pltpu.VMEM((BUFLEN,), jnp.float32),
            pltpu.VMEM((BUFLEN,), jnp.int32),
        ],
    )
    def sc_dp(w_hbm, skip_hbm, len_hbm, m_out, e_out,
              w_v, skip_v, len_v, bmA, beA, bmB, beB):
        wid = lax.axis_index("s") * 2 + lax.axis_index("c")
        pltpu.sync_copy(w_hbm.at[wid], w_v)
        pltpu.sync_copy(skip_hbm.at[wid], skip_v)
        pltpu.sync_copy(len_hbm.at[wid], len_v)

        ones = jnp.full((16,), 1.0, jnp.float32)
        deade = jnp.full((16,), DEADE, jnp.int32)
        for off in range(0, BUFLEN, 16):
            bmA[pl.ds(off, 16)] = ones
            beA[pl.ds(off, 16)] = deade
            bmB[pl.ds(off, 16)] = ones
            beB[pl.ds(off, 16)] = deade
        p0 = w_v[0, pl.ds(0, 16)]
        m_i, e_i = _vdecomp(p0)
        lane16 = lax.broadcasted_iota(jnp.int32, (16,), 0)
        bmA[pl.ds(2, 16)] = jnp.where(lane16 < 2, m_i, 1.0)
        beA[pl.ds(2, 16)] = jnp.where(lane16 < 2, e_i, DEADE)

        lenv = len_v[...]
        skv = [skip_v[pl.ds(16 * c, 16)] for c in range(NCHUNK)]

        def step(t, src_m, src_e, dst_m, dst_e):
            act = jnp.full((16,), t, jnp.int32) < lenv
            for c in range(NCHUNK):
                base = 16 * c
                prow = min(base, 127 - 15)
                pch = w_v[t, pl.ds(prow, 16)]
                mS = src_m[pl.ds(base + 2, 16)]
                eS = src_e[pl.ds(base + 2, 16)]
                m1 = src_m[pl.ds(base + 1, 16)]
                e1 = src_e[pl.ds(base + 1, 16)]
                m2 = src_m[pl.ds(base, 16)]
                e2 = src_e[pl.ds(base, 16)]
                e2 = jnp.where(skv[c] > 0, e2, DEADE)
                E = jnp.maximum(jnp.maximum(eS, e1), e2)
                msum = (mS * _vscale(eS - E) + m1 * _vscale(e1 - E)
                        + m2 * _vscale(e2 - E)) * pch
                bits = lax.bitcast_convert_type(msum, jnp.int32)
                eb = lax.shift_right_logical(bits, 23)
                mN = lax.bitcast_convert_type(
                    lax.bitwise_or(lax.bitwise_and(bits, MANT_MASK),
                                   ONE_BITS), jnp.float32)
                eN = E + (eb - 127)
                dst_m[pl.ds(base + 2, 16)] = jnp.where(act, mN, mS)
                dst_e[pl.ds(base + 2, 16)] = jnp.where(act, eN, eS)

        def pair(k, carry):
            step(1 + 2 * k, bmA, beA, bmB, beB)
            step(2 + 2 * k, bmB, beB, bmA, beA)
            return carry

        lax.fori_loop(0, (T - 2) // 2, pair, 0)
        step(T - 1, bmA, beA, bmB, beB)

        pltpu.sync_copy(bmB, m_out.at[wid])
        pltpu.sync_copy(beB, e_out.at[wid])

    return sc_dp


@jax.jit
def kernel(log_probs, targets, input_lengths, target_lengths):
    B, T, C = log_probs.shape
    L = targets.shape[1]
    targets = targets.astype(jnp.int32)
    input_lengths = input_lengths.astype(jnp.int32)
    target_lengths = target_lengths.astype(jnp.int32)

    lane = jnp.arange(128, dtype=jnp.int32)[None, :]
    j64 = jnp.arange(L, dtype=jnp.int32)[:, None]
    lab = (lane - 1) // 2
    is_lab = lane % 2 == 1
    sel_cur = (is_lab & (lab == j64)).astype(jnp.float32)
    sel_prv = (is_lab & (lane >= 3) & (lab - 1 == j64)).astype(jnp.float32)
    tgtf = targets.astype(jnp.float32)
    tat = jnp.dot(tgtf, sel_cur,
                  precision=jax.lax.Precision.HIGHEST)
    pat = jnp.dot(tgtf, sel_prv, precision=jax.lax.Precision.HIGHEST)
    cls = tat.astype(jnp.int32)[:, None, :]
    skip = is_lab & (lane >= 3) & (tat != pat)
    skipf = jnp.pad(skip.astype(jnp.float32),
                    ((0, 0), (0, BUFLEN - 128)))
    len16 = jnp.broadcast_to(input_lengths[:, None], (B, 16))

    w = pl.pallas_call(
        _gather_kernel,
        grid=(B,),
        in_specs=[
            pl.BlockSpec((1, T, C), lambda i: (i, 0, 0)),
            pl.BlockSpec((1, 1, 128), lambda i: (i, 0, 0)),
        ],
        out_specs=pl.BlockSpec((1, T, 128), lambda i: (i, 0, 0)),
        out_shape=jax.ShapeDtypeStruct((B, T, 128), jnp.float32),
        compiler_params=pltpu.CompilerParams(
            dimension_semantics=("arbitrary",)),
    )(log_probs, cls)

    m_all, e_all = _sc_dp_build(B, T)(w, skipf, len16)

    s_last = 2 * target_lengths
    lane_b = jnp.arange(BUFLEN, dtype=jnp.int32)[None, :]
    sel1 = (lane_b == (s_last + 2)[:, None]).astype(jnp.float32)
    sel2 = (lane_b == (s_last + 1)[:, None]).astype(jnp.float32)
    eaf = e_all.astype(jnp.float32)
    m1 = jnp.sum(m_all * sel1, axis=1)
    e1 = jnp.sum(eaf * sel1, axis=1)
    m2 = jnp.sum(m_all * sel2, axis=1)
    e2 = jnp.sum(eaf * sel2, axis=1)
    E = jnp.maximum(e1, e2)
    v = m1 * jnp.exp2((e1 - E).astype(jnp.float32)) + \
        m2 * jnp.exp2((e2 - E).astype(jnp.float32))
    ef = E.astype(jnp.float32)
    return -(jnp.log(v) + ef * LN2HI + ef * LN2LO)

# --- scband reference (transcript-rebuilt; emitter-appended) ---
"""Pipeline reference for scband-ctcloss-67216238182819 (READ-ONLY COPY).

The authoritative reference and input builder live on the scoring server;
editing this copy changes nothing except your own understanding.
"""

import jax, jax.numpy as jnp
import numpy as np

NEG = -1e30

def _ctc_loss(log_probs, targets, input_lengths, target_lengths, blank_idx=0):
    # Faithful CTC: gtn computes loss = -(forward_score(intersect(emissions, ctc_graph)) - forward_score(emissions)).
    # forward_score(emissions) = sum_t logsumexp_c(w[t,c]); subtracting it is exactly per-frame log_softmax.
    B, T, C = log_probs.shape
    lp = jax.nn.log_softmax(log_probs, axis=-1)
    L = targets.shape[1]
    S = 2 * L + 1
    # extended target: blank, y1, blank, y2, ..., blank
    ext = jnp.full((B, S), blank_idx, dtype=targets.dtype)
    ext = ext.at[:, 1::2].set(targets)
    ext_shift2 = jnp.pad(ext, ((0, 0), (2, 0)), constant_values=blank_idx)[:, :S]
    pos = jnp.arange(S)
    # skip transition s-2 -> s allowed iff label is non-blank and differs from label at s-2
    allow_skip = (ext != blank_idx) & (ext != ext_shift2) & (pos[None, :] >= 2)
    # t = 0 init
    lp0 = jnp.take_along_axis(lp[:, 0, :], ext, axis=1)
    alpha = jnp.full((B, S), NEG, dtype=lp.dtype)
    alpha = alpha.at[:, 0].set(lp0[:, 0])
    alpha = alpha.at[:, 1].set(lp0[:, 1])

    def step(alpha, t):
        lpt = jnp.take_along_axis(lp[:, t, :], ext, axis=1)
        a1 = jnp.pad(alpha, ((0, 0), (1, 0)), constant_values=NEG)[:, :S]
        a2 = jnp.pad(alpha, ((0, 0), (2, 0)), constant_values=NEG)[:, :S]
        a2 = jnp.where(allow_skip, a2, NEG)
        new = jnp.logaddexp(jnp.logaddexp(alpha, a1), a2) + lpt
        active = (t < input_lengths)[:, None]
        return jnp.where(active, new, alpha), None

    T_ = lp.shape[1]
    alpha, _ = jax.lax.scan(step, alpha, jnp.arange(1, T_))
    s_last = 2 * target_lengths
    a_last = jnp.take_along_axis(alpha, s_last[:, None], axis=1)[:, 0]
    a_prev = jnp.take_along_axis(alpha, jnp.maximum(s_last - 1, 0)[:, None], axis=1)[:, 0]
    # reduction='none': per-utterance loss, scale = 1.0
    return -jnp.logaddexp(a_last, a_prev)


def setup_inputs(seed: int = 0) -> dict:
    key = jax.random.key(seed)
    k1, k2, k3, k4 = jax.random.split(key, 4)
    B, T, C, L = 32, 512, 1024, 64
    log_probs = jax.random.normal(k1, (B, T, C), dtype=jnp.float32)
    # labels in [1, C): avoid blank_idx=0 inside targets
    targets = jax.random.randint(k2, (B, L), 1, C)
    # lengths kept feasible: input_lengths >= T/2 >> 2*target_length+1
    input_lengths = jax.random.randint(k3, (B,), T // 2, T + 1)
    target_lengths = jax.random.randint(k4, (B,), L // 2, L + 1)
    return {"log_probs": log_probs, "targets": targets, "input_lengths": input_lengths, "target_lengths": target_lengths}


def reference(log_probs, targets, input_lengths, target_lengths):
    return _ctc_loss(log_probs, targets, input_lengths, target_lengths, blank_idx=0)

if __name__ == "__main__":
    import jax
    _d = setup_inputs()
    print(jax.jit(kernel)(*tuple(_d.values())))

</pallas_src>

<mosaic_0001>
#map = affine_map<(d0, d1) -> (0, 0, 0)>
#map1 = affine_map<(d0, d1) -> (0, 0)>
module attributes {stable_mosaic.version = 14 : i64} {
  func.func @sc_dp(%arg0: i32, %arg1: i32, %arg2: memref<32x512x128xf32, #tpu.memory_space<hbm>>, %arg3: memref<32x160xf32, #tpu.memory_space<hbm>>, %arg4: memref<32x16xi32, #tpu.memory_space<hbm>>, %arg5: memref<32x160xf32, #tpu.memory_space<hbm>>, %arg6: memref<32x160xi32, #tpu.memory_space<hbm>>, %arg7: memref<512x128xf32, #tpu.memory_space<vmem>>, %arg8: memref<160xf32, #tpu.memory_space<vmem>>, %arg9: memref<16xi32, #tpu.memory_space<vmem>>, %arg10: memref<160xf32, #tpu.memory_space<vmem>>, %arg11: memref<160xi32, #tpu.memory_space<vmem>>, %arg12: memref<160xf32, #tpu.memory_space<vmem>>, %arg13: memref<160xi32, #tpu.memory_space<vmem>>) attributes {dimension_semantics = [#tpu.dimension_semantics<core_parallel>, #tpu.dimension_semantics<subcore_parallel>], iteration_bounds = array<i64: 2, 16>, scalar_prefetch = 0 : i64, scratch_operands = 7 : i64, tpu.core_type = #tpu.core_type<sc_vector_subcore>, window_params = [{transform_indices = #map}, {transform_indices = #map1}, {transform_indices = #map1}, {transform_indices = #map1}, {transform_indices = #map1}]} {
    %mul3A = arith.constant 2 : i32
    %mul3A_0 = arith.muli %arg1, %mul3A : i32
    %add3A = arith.addi %mul3A_0, %arg0 : i32
    "tpu.region"() ({
      %run_scoped3A = tpu.sem_alloc : memref<!tpu.dma_semaphore, #tpu.memory_space<semaphore_mem>>
      %dma_start3A = arith.constant 0 : i32
      %dma_start3A_1083 = arith.constant 0 : i32
      %dma_start3A_1084 = tpu.memref_slice %arg2[%add3A, %dma_start3A, %dma_start3A_1083] : memref<32x512x128xf32, #tpu.memory_space<hbm>> -> memref<1x512x128xf32, #tpu.memory_space<hbm>>
      %dma_start3A_1085 = tpu.memref_squeeze %dma_start3A_1084 : memref<1x512x128xf32, #tpu.memory_space<hbm>> -> memref<512x128xf32, #tpu.memory_space<hbm>>
      %dma_start3A_1086 = arith.constant 0 : i32
      %dma_start3A_1087 = arith.constant 0 : i32
      %dma_start3A_1088 = tpu.memref_slice %arg2[%add3A, %dma_start3A_1086, %dma_start3A_1087] : memref<32x512x128xf32, #tpu.memory_space<hbm>> -> memref<1x512x128xf32, #tpu.memory_space<hbm>>
      %dma_start3A_1089 = tpu.memref_squeeze %dma_start3A_1088 : memref<1x512x128xf32, #tpu.memory_space<hbm>> -> memref<512x128xf32, #tpu.memory_space<hbm>>
      tpu.enqueue_dma source(%dma_start3A_1089 : memref<512x128xf32, #tpu.memory_space<hbm>>) target(%arg7 : memref<512x128xf32, #tpu.memory_space<vmem>>) target_semaphore(%run_scoped3A : memref<!tpu.dma_semaphore, #tpu.memory_space<semaphore_mem>>)
      %dma_wait3A = arith.constant 0 : i32
      %dma_wait3A_1090 = arith.constant 0 : i32
      %dma_wait3A_1091 = tpu.memref_slice %arg2[%add3A, %dma_wait3A, %dma_wait3A_1090] : memref<32x512x128xf32, #tpu.memory_space<hbm>> -> memref<1x512x128xf32, #tpu.memory_space<hbm>>
      %dma_wait3A_1092 = tpu.memref_squeeze %dma_wait3A_1091 : memref<1x512x128xf32, #tpu.memory_space<hbm>> -> memref<512x128xf32, #tpu.memory_space<hbm>>
      %dma_wait3A_1093 = arith.constant 0 : i32
      %dma_wait3A_1094 = arith.constant 0 : i32
      %dma_wait3A_1095 = tpu.memref_slice %arg2[%add3A, %dma_wait3A_1093, %dma_wait3A_1094] : memref<32x512x128xf32, #tpu.memory_space<hbm>> -> memref<1x512x128xf32, #tpu.memory_space<hbm>>
      %dma_wait3A_1096 = tpu.memref_squeeze %dma_wait3A_1095 : memref<1x512x128xf32, #tpu.memory_space<hbm>> -> memref<512x128xf32, #tpu.memory_space<hbm>>
      tpu.wait_dma2 semaphore(%run_scoped3A : memref<!tpu.dma_semaphore, #tpu.memory_space<semaphore_mem>>) src(%dma_wait3A_1096 : memref<512x128xf32, #tpu.memory_space<hbm>>) dst(%arg7 : memref<512x128xf32, #tpu.memory_space<vmem>>)
      tpu.yield
    }) : () -> ()
    "tpu.region"() ({
      %run_scoped3A = tpu.sem_alloc : memref<!tpu.dma_semaphore, #tpu.memory_space<semaphore_mem>>
      %dma_start3A = arith.constant 0 : i32
      %dma_start3A_1083 = tpu.memref_slice %arg3[%add3A, %dma_start3A] : memref<32x160xf32, #tpu.memory_space<hbm>> -> memref<1x160xf32, #tpu.memory_space<hbm>>
      %dma_start3A_1084 = tpu.memref_squeeze %dma_start3A_1083 : memref<1x160xf32, #tpu.memory_space<hbm>> -> memref<160xf32, #tpu.memory_space<hbm>>
      %dma_start3A_1085 = arith.constant 0 : i32
      %dma_start3A_1086 = tpu.memref_slice %arg3[%add3A, %dma_start3A_1085] : memref<32x160xf32, #tpu.memory_space<hbm>> -> memref<1x160xf32, #tpu.memory_space<hbm>>
      %dma_start3A_1087 = tpu.memref_squeeze %dma_start3A_1086 : memref<1x160xf32, #tpu.memory_space<hbm>> -> memref<160xf32, #tpu.memory_space<hbm>>
      tpu.enqueue_dma source(%dma_start3A_1087 : memref<160xf32, #tpu.memory_space<hbm>>) target(%arg8 : memref<160xf32, #tpu.memory_space<vmem>>) target_semaphore(%run_scoped3A : memref<!tpu.dma_semaphore, #tpu.memory_space<semaphore_mem>>)
      %dma_wait3A = arith.constant 0 : i32
      %dma_wait3A_1088 = tpu.memref_slice %arg3[%add3A, %dma_wait3A] : memref<32x160xf32, #tpu.memory_space<hbm>> -> memref<1x160xf32, #tpu.memory_space<hbm>>
      %dma_wait3A_1089 = tpu.memref_squeeze %dma_wait3A_1088 : memref<1x160xf32, #tpu.memory_space<hbm>> -> memref<160xf32, #tpu.memory_space<hbm>>
      %dma_wait3A_1090 = arith.constant 0 : i32
      %dma_wait3A_1091 = tpu.memref_slice %arg3[%add3A, %dma_wait3A_1090] : memref<32x160xf32, #tpu.memory_space<hbm>> -> memref<1x160xf32, #tpu.memory_space<hbm>>
      %dma_wait3A_1092 = tpu.memref_squeeze %dma_wait3A_1091 : memref<1x160xf32, #tpu.memory_space<hbm>> -> memref<160xf32, #tpu.memory_space<hbm>>
      tpu.wait_dma2 semaphore(%run_scoped3A : memref<!tpu.dma_semaphore, #tpu.memory_space<semaphore_mem>>) src(%dma_wait3A_1092 : memref<160xf32, #tpu.memory_space<hbm>>) dst(%arg8 : memref<160xf32, #tpu.memory_space<vmem>>)
      tpu.yield
    }) : () -> ()
    "tpu.region"() ({
      %run_scoped3A = tpu.sem_alloc : memref<!tpu.dma_semaphore, #tpu.memory_space<semaphore_mem>>
      %dma_start3A = arith.constant 0 : i32
      %dma_start3A_1083 = tpu.memref_slice %arg4[%add3A, %dma_start3A] : memref<32x16xi32, #tpu.memory_space<hbm>> -> memref<1x16xi32, #tpu.memory_space<hbm>>
      %dma_start3A_1084 = tpu.memref_squeeze %dma_start3A_1083 : memref<1x16xi32, #tpu.memory_space<hbm>> -> memref<16xi32, #tpu.memory_space<hbm>>
      %dma_start3A_1085 = arith.constant 0 : i32
      %dma_start3A_1086 = tpu.memref_slice %arg4[%add3A, %dma_start3A_1085] : memref<32x16xi32, #tpu.memory_space<hbm>> -> memref<1x16xi32, #tpu.memory_space<hbm>>
      %dma_start3A_1087 = tpu.memref_squeeze %dma_start3A_1086 : memref<1x16xi32, #tpu.memory_space<hbm>> -> memref<16xi32, #tpu.memory_space<hbm>>
      tpu.enqueue_dma source(%dma_start3A_1087 : memref<16xi32, #tpu.memory_space<hbm>>) target(%arg9 : memref<16xi32, #tpu.memory_space<vmem>>) target_semaphore(%run_scoped3A : memref<!tpu.dma_semaphore, #tpu.memory_space<semaphore_mem>>)
      %dma_wait3A = arith.constant 0 : i32
      %dma_wait3A_1088 = tpu.memref_slice %arg4[%add3A, %dma_wait3A] : memref<32x16xi32, #tpu.memory_space<hbm>> -> memref<1x16xi32, #tpu.memory_space<hbm>>
      %dma_wait3A_1089 = tpu.memref_squeeze %dma_wait3A_1088 : memref<1x16xi32, #tpu.memory_space<hbm>> -> memref<16xi32, #tpu.memory_space<hbm>>
      %dma_wait3A_1090 = arith.constant 0 : i32
      %dma_wait3A_1091 = tpu.memref_slice %arg4[%add3A, %dma_wait3A_1090] : memref<32x16xi32, #tpu.memory_space<hbm>> -> memref<1x16xi32, #tpu.memory_space<hbm>>
      %dma_wait3A_1092 = tpu.memref_squeeze %dma_wait3A_1091 : memref<1x16xi32, #tpu.memory_space<hbm>> -> memref<16xi32, #tpu.memory_space<hbm>>
      tpu.wait_dma2 semaphore(%run_scoped3A : memref<!tpu.dma_semaphore, #tpu.memory_space<semaphore_mem>>) src(%dma_wait3A_1092 : memref<16xi32, #tpu.memory_space<hbm>>) dst(%arg9 : memref<16xi32, #tpu.memory_space<vmem>>)
      tpu.yield
    }) : () -> ()
    %broadcast_in_dim3A = arith.constant 1.000000e+00 : f32
    %broadcast_in_dim3A_1 = vector.broadcast %broadcast_in_dim3A : f32 to vector<16xf32>
    %broadcast_in_dim3A_2 = arith.constant -268435456 : i32
    %broadcast_in_dim3A_3 = vector.broadcast %broadcast_in_dim3A_2 : i32 to vector<16xi32>
    %swap3A = arith.constant 0 : index
    %swap3A_4 = tpu.vector_load %arg10[%swap3A] {strides = array<i32>} : memref<160xf32, #tpu.memory_space<vmem>>, vector<16xf32>,
    %swap3A_5 = vector.shape_cast %swap3A_4 : vector<16xf32> to vector<16xf32>
    %swap3A_6 = vector.shape_cast %broadcast_in_dim3A_1 : vector<16xf32> to vector<16xf32>
    tpu.vector_store %arg10[%swap3A], %swap3A_6 {strides = array<i32>} : memref<160xf32, #tpu.memory_space<vmem>>, vector<16xf32>,
    %swap3A_7 = arith.constant 0 : index
    %swap3A_8 = tpu.vector_load %arg11[%swap3A_7] {strides = array<i32>} : memref<160xi32, #tpu.memory_space<vmem>>, vector<16xi32>,
    %swap3A_9 = vector.shape_cast %swap3A_8 : vector<16xi32> to vector<16xi32>
    %swap3A_10 = vector.shape_cast %broadcast_in_dim3A_3 : vector<16xi32> to vector<16xi32>
    tpu.vector_store %arg11[%swap3A_7], %swap3A_10 {strides = array<i32>} : memref<160xi32, #tpu.memory_space<vmem>>, vector<16xi32>,
    %swap3A_11 = arith.constant 0 : index
    %swap3A_12 = tpu.vector_load %arg12[%swap3A_11] {strides = array<i32>} : memref<160xf32, #tpu.memory_space<vmem>>, vector<16xf32>,
    %swap3A_13 = vector.shape_cast %swap3A_12 : vector<16xf32> to vector<16xf32>
    %swap3A_14 = vector.shape_cast %broadcast_in_dim3A_1 : vector<16xf32> to vector<16xf32>
    tpu.vector_store %arg12[%swap3A_11], %swap3A_14 {strides = array<i32>} : memref<160xf32, #tpu.memory_space<vmem>>, vector<16xf32>,
    %swap3A_15 = arith.constant 0 : index
    %swap3A_16 = tpu.vector_load %arg13[%swap3A_15] {strides = array<i32>} : memref<160xi32, #tpu.memory_space<vmem>>, vector<16xi32>,
    %swap3A_17 = vector.shape_cast %swap3A_16 : vector<16xi32> to vector<16xi32>
    %swap3A_18 = vector.shape_cast %broadcast_in_dim3A_3 : vector<16xi32> to vector<16xi32>
    tpu.vector_store %arg13[%swap3A_15], %swap3A_18 {strides = array<i32>} : memref<160xi32, #tpu.memory_space<vmem>>, vector<16xi32>,
    %swap3A_19 = arith.constant 16 : index
    %swap3A_20 = tpu.vector_load %arg10[%swap3A_19] {strides = array<i32>} : memref<160xf32, #tpu.memory_space<vmem>>, vector<16xf32>,
    %swap3A_21 = vector.shape_cast %swap3A_20 : vector<16xf32> to vector<16xf32>
    %swap3A_22 = vector.shape_cast %broadcast_in_dim3A_1 : vector<16xf32> to vector<16xf32>
    tpu.vector_store %arg10[%swap3A_19], %swap3A_22 {strides = array<i32>} : memref<160xf32, #tpu.memory_space<vmem>>, vector<16xf32>,
    %swap3A_23 = arith.constant 16 : index
    %swap3A_24 = tpu.vector_load %arg11[%swap3A_23] {strides = array<i32>} : memref<160xi32, #tpu.memory_space<vmem>>, vector<16xi32>,
    %swap3A_25 = vector.shape_cast %swap3A_24 : vector<16xi32> to vector<16xi32>
    %swap3A_26 = vector.shape_cast %broadcast_in_dim3A_3 : vector<16xi32> to vector<16xi32>
    tpu.vector_store %arg11[%swap3A_23], %swap3A_26 {strides = array<i32>} : memref<160xi32, #tpu.memory_space<vmem>>, vector<16xi32>,
    %swap3A_27 = arith.constant 16 : index
    %swap3A_28 = tpu.vector_load %arg12[%swap3A_27] {strides = array<i32>} : memref<160xf32, #tpu.memory_space<vmem>>, vector<16xf32>,
    %swap3A_29 = vector.shape_cast %swap3A_28 : vector<16xf32> to vector<16xf32>
    %swap3A_30 = vector.shape_cast %broadcast_in_dim3A_1 : vector<16xf32> to vector<16xf32>
    tpu.vector_store %arg12[%swap3A_27], %swap3A_30 {strides = array<i32>} : memref<160xf32, #tpu.memory_space<vmem>>, vector<16xf32>,
    %swap3A_31 = arith.constant 16 : index
    %swap3A_32 = tpu.vector_load %arg13[%swap3A_31] {strides = array<i32>} : memref<160xi32, #tpu.memory_space<vmem>>, vector<16xi32>,
    %swap3A_33 = vector.shape_cast %swap3A_32 : vector<16xi32> to vector<16xi32>
    %swap3A_34 = vector.shape_cast %broadcast_in_dim3A_3 : vector<16xi32> to vector<16xi32>
    tpu.vector_store %arg13[%swap3A_31], %swap3A_34 {strides = array<i32>} : memref<160xi32, #tpu.memory_space<vmem>>, vector<16xi32>,
    %swap3A_35 = arith.constant 32 : index
    %swap3A_36 = tpu.vector_load %arg10[%swap3A_35] {strides = array<i32>} : memref<160xf32, #tpu.memory_space<vmem>>, vector<16xf32>,
    %swap3A_37 = vector.shape_cast %swap3A_36 : vector<16xf32> to vector<16xf32>
    %swap3A_38 = vector.shape_cast %broadcast_in_dim3A_1 : vector<16xf32> to vector<16xf32>
    tpu.vector_store %arg10[%swap3A_35], %swap3A_38 {strides = array<i32>} : memref<160xf32, #tpu.memory_space<vmem>>, vector<16xf32>,
    %swap3A_39 = arith.constant 32 : index
    %swap3A_40 = tpu.vector_load %arg11[%swap3A_39] {strides = array<i32>} : memref<160xi32, #tpu.memory_space<vmem>>, vector<16xi32>,
    %swap3A_41 = vector.shape_cast %swap3A_40 : vector<16xi32> to vector<16xi32>
    %swap3A_42 = vector.shape_cast %broadcast_in_dim3A_3 : vector<16xi32> to vector<16xi32>
    tpu.vector_store %arg11[%swap3A_39], %swap3A_42 {strides = array<i32>} : memref<160xi32, #tpu.memory_space<vmem>>, vector<16xi32>,
    %swap3A_43 = arith.constant 32 : index
    %swap3A_44 = tpu.vector_load %arg12[%swap3A_43] {strides = array<i32>} : memref<160xf32, #tpu.memory_space<vmem>>, vector<16xf32>,
    %swap3A_45 = vector.shape_cast %swap3A_44 : vector<16xf32> to vector<16xf32>
    %swap3A_46 = vector.shape_cast %broadcast_in_dim3A_1 : vector<16xf32> to vector<16xf32>
    tpu.vector_store %arg12[%swap3A_43], %swap3A_46 {strides = array<i32>} : memref<160xf32, #tpu.memory_space<vmem>>, vector<16xf32>,
    %swap3A_47 = arith.constant 32 : index
    %swap3A_48 = tpu.vector_load %arg13[%swap3A_47] {strides = array<i32>} : memref<160xi32, #tpu.memory_space<vmem>>, vector<16xi32>,
    %swap3A_49 = vector.shape_cast %swap3A_48 : vector<16xi32> to vector<16xi32>
    %swap3A_50 = vector.shape_cast %broadcast_in_dim3A_3 : vector<16xi32> to vector<16xi32>
    tpu.vector_store %arg13[%swap3A_47], %swap3A_50 {strides = array<i32>} : memref<160xi32, #tpu.memory_space<vmem>>, vector<16xi32>,
    %swap3A_51 = arith.constant 48 : index
    %swap3A_52 = tpu.vector_load %arg10[%swap3A_51] {strides = array<i32>} : memref<160xf32, #tpu.memory_space<vmem>>, vector<16xf32>,
    %swap3A_53 = vector.shape_cast %swap3A_52 : vector<16xf32> to vector<16xf32>
    %swap3A_54 = vector.shape_cast %broadcast_in_dim3A_1 : vector<16xf32> to vector<16xf32>
    tpu.vector_store %arg10[%swap3A_51], %swap3A_54 {strides = array<i32>} : memref<160xf32, #tpu.memory_space<vmem>>, vector<16xf32>,
    %swap3A_55 = arith.constant 48 : index
    %swap3A_56 = tpu.vector_load %arg11[%swap3A_55] {strides = array<i32>} : memref<160xi32, #tpu.memory_space<vmem>>, vector<16xi32>,
    %swap3A_57 = vector.shape_cast %swap3A_56 : vector<16xi32> to vector<16xi32>
    %swap3A_58 = vector.shape_cast %broadcast_in_dim3A_3 : vector<16xi32> to vector<16xi32>
    tpu.vector_store %arg11[%swap3A_55], %swap3A_58 {strides = array<i32>} : memref<160xi32, #tpu.memory_space<vmem>>, vector<16xi32>,
    %swap3A_59 = arith.constant 48 : index
    %swap3A_60 = tpu.vector_load %arg12[%swap3A_59] {strides = array<i32>} : memref<160xf32, #tpu.memory_space<vmem>>, vector<16xf32>,
    %swap3A_61 = vector.shape_cast %swap3A_60 : vector<16xf32> to vector<16xf32>
    %swap3A_62 = vector.shape_cast %broadcast_in_dim3A_1 : vector<16xf32> to vector<16xf32>
    tpu.vector_store %arg12[%swap3A_59], %swap3A_62 {strides = array<i32>} : memref<160xf32, #tpu.memory_space<vmem>>, vector<16xf32>,
    %swap3A_63 = arith.constant 48 : index
    %swap3A_64 = tpu.vector_load %arg13[%swap3A_63] {strides = array<i32>} : memref<160xi32, #tpu.memory_space<vmem>>, vector<16xi32>,
    %swap3A_65 = vector.shape_cast %swap3A_64 : vector<16xi32> to vector<16xi32>
    %swap3A_66 = vector.shape_cast %broadcast_in_dim3A_3 : vector<16xi32> to vector<16xi32>
    tpu.vector_store %arg13[%swap3A_63], %swap3A_66 {strides = array<i32>} : memref<160xi32, #tpu.memory_space<vmem>>, vector<16xi32>,
    %swap3A_67 = arith.constant 64 : index
    %swap3A_68 = tpu.vector_load %arg10[%swap3A_67] {strides = array<i32>} : memref<160xf32, #tpu.memory_space<vmem>>, vector<16xf32>,
    %swap3A_69 = vector.shape_cast %swap3A_68 : vector<16xf32> to vector<16xf32>
    %swap3A_70 = vector.shape_cast %broadcast_in_dim3A_1 : vector<16xf32> to vector<16xf32>
    tpu.vector_store %arg10[%swap3A_67], %swap3A_70 {strides = array<i32>} : memref<160xf32, #tpu.memory_space<vmem>>, vector<16xf32>,
    %swap3A_71 = arith.constant 64 : index
    %swap3A_72 = tpu.vector_load %arg11[%swap3A_71] {strides = array<i32>} : memref<160xi32, #tpu.memory_space<vmem>>, vector<16xi32>,
    %swap3A_73 = vector.shape_cast %swap3A_72 : vector<16xi32> to vector<16xi32>
    %swap3A_74 = vector.shape_cast %broadcast_in_dim3A_3 : vector<16xi32> to vector<16xi32>
    tpu.vector_store %arg11[%swap3A_71], %swap3A_74 {strides = array<i32>} : memref<160xi32, #tpu.memory_space<vmem>>, vector<16xi32>,
    %swap3A_75 = arith.constant 64 : index
    %swap3A_76 = tpu.vector_load %arg12[%swap3A_75] {strides = array<i32>} : memref<160xf32, #tpu.memory_space<vmem>>, vector<16xf32>,
    %swap3A_77 = vector.shape_cast %swap3A_76 : vector<16xf32> to vector<16xf32>
    %swap3A_78 = vector.shape_cast %broadcast_in_dim3A_1 : vector<16xf32> to vector<16xf32>
    tpu.vector_store %arg12[%swap3A_75], %swap3A_78 {strides = array<i32>} : memref<160xf32, #tpu.memory_space<vmem>>, vector<16xf32>,
    %swap3A_79 = arith.constant 64 : index
    %swap3A_80 = tpu.vector_load %arg13[%swap3A_79] {strides = array<i32>} : memref<160xi32, #tpu.memory_space<vmem>>, vector<16xi32>,
    %swap3A_81 = vector.shape_cast %swap3A_80 : vector<16xi32> to vector<16xi32>
    %swap3A_82 = vector.shape_cast %broadcast_in_dim3A_3 : vector<16xi32> to vector<16xi32>
    tpu.vector_store %arg13[%swap3A_79], %swap3A_82 {strides = array<i32>} : memref<160xi32, #tpu.memory_space<vmem>>, vector<16xi32>,
    %swap3A_83 = arith.constant 80 : index
    %swap3A_84 = tpu.vector_load %arg10[%swap3A_83] {strides = array<i32>} : memref<160xf32, #tpu.memory_space<vmem>>, vector<16xf32>,
    %swap3A_85 = vector.shape_cast %swap3A_84 : vector<16xf32> to vector<16xf32>
    %swap3A_86 = vector.shape_cast %broadcast_in_dim3A_1 : vector<16xf32> to vector<16xf32>
    tpu.vector_store %arg10[%swap3A_83], %swap3A_86 {strides = array<i32>} : memref<160xf32, #tpu.memory_space<vmem>>, vector<16xf32>,
    %swap3A_87 = arith.constant 80 : index
    %swap3A_88 = tpu.vector_load %arg11[%swap3A_87] {strides = array<i32>} : memref<160xi32, #tpu.memory_space<vmem>>, vector<16xi32>,
    %swap3A_89 = vector.shape_cast %swap3A_88 : vector<16xi32> to vector<16xi32>
    %swap3A_90 = vector.shape_cast %broadcast_in_dim3A_3 : vector<16xi32> to vector<16xi32>
    tpu.vector_store %arg11[%swap3A_87], %swap3A_90 {strides = array<i32>} : memref<160xi32, #tpu.memory_space<vmem>>, vector<16xi32>,
    %swap3A_91 = arith.constant 80 : index
    %swap3A_92 = tpu.vector_load %arg12[%swap3A_91] {strides = array<i32>} : memref<160xf32, #tpu.memory_space<vmem>>, vector<16xf32>,
    %swap3A_93 = vector.shape_cast %swap3A_92 : vector<16xf32> to vector<16xf32>
    %swap3A_94 = vector.shape_cast %broadcast_in_dim3A_1 : vector<16xf32> to vector<16xf32>
    tpu.vector_store %arg12[%swap3A_91], %swap3A_94 {strides = array<i32>} : memref<160xf32, #tpu.memory_space<vmem>>, vector<16xf32>,
    %swap3A_95 = arith.constant 80 : index
    %swap3A_96 = tpu.vector_load %arg13[%swap3A_95] {strides = array<i32>} : memref<160xi32, #tpu.memory_space<vmem>>, vector<16xi32>,
    %swap3A_97 = vector.shape_cast %swap3A_96 : vector<16xi32> to vector<16xi32>
    %swap3A_98 = vector.shape_cast %broadcast_in_dim3A_3 : vector<16xi32> to vector<16xi32>
    tpu.vector_store %arg13[%swap3A_95], %swap3A_98 {strides = array<i32>} : memref<160xi32, #tpu.memory_space<vmem>>, vector<16xi32>,
    %swap3A_99 = arith.constant 96 : index
    %swap3A_100 = tpu.vector_load %arg10[%swap3A_99] {strides = array<i32>} : memref<160xf32, #tpu.memory_space<vmem>>, vector<16xf32>,
    %swap3A_101 = vector.shape_cast %swap3A_100 : vector<16xf32> to vector<16xf32>
    %swap3A_102 = vector.shape_cast %broadcast_in_dim3A_1 : vector<16xf32> to vector<16xf32>
    tpu.vector_store %arg10[%swap3A_99], %swap3A_102 {strides = array<i32>} : memref<160xf32, #tpu.memory_space<vmem>>, vector<16xf32>,
    %swap3A_103 = arith.constant 96 : index
    %swap3A_104 = tpu.vector_load %arg11[%swap3A_103] {strides = array<i32>} : memref<160xi32, #tpu.memory_space<vmem>>, vector<16xi32>,
    %swap3A_105 = vector.shape_cast %swap3A_104 : vector<16xi32> to vector<16xi32>
    %swap3A_106 = vector.shape_cast %broadcast_in_dim3A_3 : vector<16xi32> to vector<16xi32>
    tpu.vector_store %arg11[%swap3A_103], %swap3A_106 {strides = array<i32>} : memref<160xi32, #tpu.memory_space<vmem>>, vector<16xi32>,
    %swap3A_107 = arith.constant 96 : index
    %swap3A_108 = tpu.vector_load %arg12[%swap3A_107] {strides = array<i32>} : memref<160xf32, #tpu.memory_space<vmem>>, vector<16xf32>,
    %swap3A_109 = vector.shape_cast %swap3A_108 : vector<16xf32> to vector<16xf32>
    %swap3A_110 = vector.shape_cast %broadcast_in_dim3A_1 : vector<16xf32> to vector<16xf32>
    tpu.vector_store %arg12[%swap3A_107], %swap3A_110 {strides = array<i32>} : memref<160xf32, #tpu.memory_space<vmem>>, vector<16xf32>,
    %swap3A_111 = arith.constant 96 : index
    %swap3A_112 = tpu.vector_load %arg13[%swap3A_111] {strides = array<i32>} : memref<160xi32, #tpu.memory_space<vmem>>, vector<16xi32>,
    %swap3A_113 = vector.shape_cast %swap3A_112 : vector<16xi32> to vector<16xi32>
    %swap3A_114 = vector.shape_cast %broadcast_in_dim3A_3 : vector<16xi32> to vector<16xi32>
    tpu.vector_store %arg13[%swap3A_111], %swap3A_114 {strides = array<i32>} : memref<160xi32, #tpu.memory_space<vmem>>, vector<16xi32>,
    %swap3A_115 = arith.constant 112 : index
    %swap3A_116 = tpu.vector_load %arg10[%swap3A_115] {strides = array<i32>} : memref<160xf32, #tpu.memory_space<vmem>>, vector<16xf32>,
    %swap3A_117 = vector.shape_cast %swap3A_116 : vector<16xf32> to vector<16xf32>
    %swap3A_118 = vector.shape_cast %broadcast_in_dim3A_1 : vector<16xf32> to vector<16xf32>
    tpu.vector_store %arg10[%swap3A_115], %swap3A_118 {strides = array<i32>} : memref<160xf32, #tpu.memory_space<vmem>>, vector<16xf32>,
    %swap3A_119 = arith.constant 112 : index
    %swap3A_120 = tpu.vector_load %arg11[%swap3A_119] {strides = array<i32>} : memref<160xi32, #tpu.memory_space<vmem>>, vector<16xi32>,
    %swap3A_121 = vector.shape_cast %swap3A_120 : vector<16xi32> to vector<16xi32>
    %swap3A_122 = vector.shape_cast %broadcast_in_dim3A_3 : vector<16xi32> to vector<16xi32>
    tpu.vector_store %arg11[%swap3A_119], %swap3A_122 {strides = array<i32>} : memref<160xi32, #tpu.memory_space<vmem>>, vector<16xi32>,
    %swap3A_123 = arith.constant 112 : index
    %swap3A_124 = tpu.vector_load %arg12[%swap3A_123] {strides = array<i32>} : memref<160xf32, #tpu.memory_space<vmem>>, vector<16xf32>,
    %swap3A_125 = vector.shape_cast %swap3A_124 : vector<16xf32> to vector<16xf32>
    %swap3A_126 = vector.shape_cast %broadcast_in_dim3A_1 : vector<16xf32> to vector<16xf32>
    tpu.vector_store %arg12[%swap3A_123], %swap3A_126 {strides = array<i32>} : memref<160xf32, #tpu.memory_space<vmem>>, vector<16xf32>,
    %swap3A_127 = arith.constant 112 : index
    %swap3A_128 = tpu.vector_load %arg13[%swap3A_127] {strides = array<i32>} : memref<160xi32, #tpu.memory_space<vmem>>, vector<16xi32>,
    %swap3A_129 = vector.shape_cast %swap3A_128 : vector<16xi32> to vector<16xi32>
    %swap3A_130 = vector.shape_cast %broadcast_in_dim3A_3 : vector<16xi32> to vector<16xi32>
    tpu.vector_store %arg13[%swap3A_127], %swap3A_130 {strides = array<i32>} : memref<160xi32, #tpu.memory_space<vmem>>, vector<16xi32>,
    %swap3A_131 = arith.constant 128 : index
    %swap3A_132 = tpu.vector_load %arg10[%swap3A_131] {strides = array<i32>} : memref<160xf32, #tpu.memory_space<vmem>>, vector<16xf32>,
    %swap3A_133 = vector.shape_cast %swap3A_132 : vector<16xf32> to vector<16xf32>
    %swap3A_134 = vector.shape_cast %broadcast_in_dim3A_1 : vector<16xf32> to vector<16xf32>
    tpu.vector_store %arg10[%swap3A_131], %swap3A_134 {strides = array<i32>} : memref<160xf32, #tpu.memory_space<vmem>>, vector<16xf32>,
    %swap3A_135 = arith.constant 128 : index
    %swap3A_136 = tpu.vector_load %arg11[%swap3A_135] {strides = array<i32>} : memref<160xi32, #tpu.memory_space<vmem>>, vector<16xi32>,
    %swap3A_137 = vector.shape_cast %swap3A_136 : vector<16xi32> to vector<16xi32>
    %swap3A_138 = vector.shape_cast %broadcast_in_dim3A_3 : vector<16xi32> to vector<16xi32>
    tpu.vector_store %arg11[%swap3A_135], %swap3A_138 {strides = array<i32>} : memref<160xi32, #tpu.memory_space<vmem>>, vector<16xi32>,
    %swap3A_139 = arith.constant 128 : index
    %swap3A_140 = tpu.vector_load %arg12[%swap3A_139] {strides = array<i32>} : memref<160xf32, #tpu.memory_space<vmem>>, vector<16xf32>,
    %swap3A_141 = vector.shape_cast %swap3A_140 : vector<16xf32> to vector<16xf32>
    %swap3A_142 = vector.shape_cast %broadcast_in_dim3A_1 : vector<16xf32> to vector<16xf32>
    tpu.vector_store %arg12[%swap3A_139], %swap3A_142 {strides = array<i32>} : memref<160xf32, #tpu.memory_space<vmem>>, vector<16xf32>,
    %swap3A_143 = arith.constant 128 : index
    %swap3A_144 = tpu.vector_load %arg13[%swap3A_143] {strides = array<i32>} : memref<160xi32, #tpu.memory_space<vmem>>, vector<16xi32>,
    %swap3A_145 = vector.shape_cast %swap3A_144 : vector<16xi32> to vector<16xi32>
    %swap3A_146 = vector.shape_cast %broadcast_in_dim3A_3 : vector<16xi32> to vector<16xi32>
    tpu.vector_store %arg13[%swap3A_143], %swap3A_146 {strides = array<i32>} : memref<160xi32, #tpu.memory_space<vmem>>, vector<16xi32>,
    %swap3A_147 = arith.constant 144 : index
    %swap3A_148 = tpu.vector_load %arg10[%swap3A_147] {strides = array<i32>} : memref<160xf32, #tpu.memory_space<vmem>>, vector<16xf32>,
    %swap3A_149 = vector.shape_cast %swap3A_148 : vector<16xf32> to vector<16xf32>
    %swap3A_150 = vector.shape_cast %broadcast_in_dim3A_1 : vector<16xf32> to vector<16xf32>
    tpu.vector_store %arg10[%swap3A_147], %swap3A_150 {strides = array<i32>} : memref<160xf32, #tpu.memory_space<vmem>>, vector<16xf32>,
    %swap3A_151 = arith.constant 144 : index
    %swap3A_152 = tpu.vector_load %arg11[%swap3A_151] {strides = array<i32>} : memref<160xi32, #tpu.memory_space<vmem>>, vector<16xi32>,
    %swap3A_153 = vector.shape_cast %swap3A_152 : vector<16xi32> to vector<16xi32>
    %swap3A_154 = vector.shape_cast %broadcast_in_dim3A_3 : vector<16xi32> to vector<16xi32>
    tpu.vector_store %arg11[%swap3A_151], %swap3A_154 {strides = array<i32>} : memref<160xi32, #tpu.memory_space<vmem>>, vector<16xi32>,
    %swap3A_155 = arith.constant 144 : index
    %swap3A_156 = tpu.vector_load %arg12[%swap3A_155] {strides = array<i32>} : memref<160xf32, #tpu.memory_space<vmem>>, vector<16xf32>,
    %swap3A_157 = vector.shape_cast %swap3A_156 : vector<16xf32> to vector<16xf32>
    %swap3A_158 = vector.shape_cast %broadcast_in_dim3A_1 : vector<16xf32> to vector<16xf32>
    tpu.vector_store %arg12[%swap3A_155], %swap3A_158 {strides = array<i32>} : memref<160xf32, #tpu.memory_space<vmem>>, vector<16xf32>,
    %swap3A_159 = arith.constant 144 : index
    %swap3A_160 = tpu.vector_load %arg13[%swap3A_159] {strides = array<i32>} : memref<160xi32, #tpu.memory_space<vmem>>, vector<16xi32>,
    %swap3A_161 = vector.shape_cast %swap3A_160 : vector<16xi32> to vector<16xi32>
    %swap3A_162 = vector.shape_cast %broadcast_in_dim3A_3 : vector<16xi32> to vector<16xi32>
    tpu.vector_store %arg13[%swap3A_159], %swap3A_162 {strides = array<i32>} : memref<160xi32, #tpu.memory_space<vmem>>, vector<16xi32>,
    %get3A = arith.constant 0 : i32
    %get3A_163 = arith.index_cast %get3A : i32 to index
    %get3A_164 = arith.constant 0 : index
    %get3A_165 = tpu.vector_load %arg7[%get3A_163, %get3A_164] {strides = array<i32>} : memref<512x128xf32, #tpu.memory_space<vmem>>, vector<1x16xf32>,
    %get3A_166 = vector.shape_cast %get3A_165 : vector<1x16xf32> to vector<16xf32>
    %bitcast_convert_type3A = tpu.bitcast %get3A_166 : vector<16xf32> -> vector<16xi32>
    %shift_right_logical3A = arith.constant 23 : i32
    %shift_right_logical3A_167 = vector.broadcast %shift_right_logical3A : i32 to vector<16xi32>
    %shift_right_logical3A_168 = arith.shrui %bitcast_convert_type3A, %shift_right_logical3A_167 : vector<16xi32>
    %sub3A = arith.constant 127 : i32
    %sub3A_169 = vector.broadcast %sub3A : i32 to vector<16xi32>
    %sub3A_170 = arith.subi %shift_right_logical3A_168, %sub3A_169 : vector<16xi32>
    %and3A = arith.constant 8388607 : i32
    %and3A_171 = vector.broadcast %and3A : i32 to vector<16xi32>
    %and3A_172 = arith.andi %bitcast_convert_type3A, %and3A_171 : vector<16xi32>
    %or3A = arith.constant 1065353216 : i32
    %or3A_173 = vector.broadcast %or3A : i32 to vector<16xi32>
    %or3A_174 = arith.ori %and3A_172, %or3A_173 : vector<16xi32>
    %bitcast_convert_type3A_175 = tpu.bitcast %or3A_174 : vector<16xi32> -> vector<16xf32>
    %iota3A = tpu.iota {dimensions = array<i32: 0>} : vector<16xi32>
    %lt3A = arith.constant 2 : i32
    %lt3A_176 = vector.broadcast %lt3A : i32 to vector<16xi32>
    %lt3A_177 = arith.cmpi slt, %iota3A, %lt3A_176 : vector<16xi32>
    %jit3A = arith.constant 1.000000e+00 : f32
    %broadcast_in_dim3A_178 = vector.broadcast %jit3A : f32 to vector<16xf32>
    %select_n3A = arith.select %lt3A_177, %bitcast_convert_type3A_175, %broadcast_in_dim3A_178 : vector<16xi1>, vector<16xf32>
    %swap3A_179 = arith.constant 2 : index
    %swap3A_180 = tpu.vector_load %arg10[%swap3A_179] {strides = array<i32>} : memref<160xf32, #tpu.memory_space<vmem>>, vector<16xf32>,
    %swap3A_181 = vector.shape_cast %swap3A_180 : vector<16xf32> to vector<16xf32>
    %swap3A_182 = vector.shape_cast %select_n3A : vector<16xf32> to vector<16xf32>
    tpu.vector_store %arg10[%swap3A_179], %swap3A_182 {strides = array<i32>} : memref<160xf32, #tpu.memory_space<vmem>>, vector<16xf32>,
    %lt3A_183 = arith.constant 2 : i32
    %lt3A_184 = vector.broadcast %lt3A_183 : i32 to vector<16xi32>
    %lt3A_185 = arith.cmpi slt, %iota3A, %lt3A_184 : vector<16xi32>
    %jit3A_186 = arith.constant -268435456 : i32
    %broadcast_in_dim3A_187 = vector.broadcast %jit3A_186 : i32 to vector<16xi32>
    %select_n3A_188 = arith.select %lt3A_185, %sub3A_170, %broadcast_in_dim3A_187 : vector<16xi1>, vector<16xi32>
    %swap3A_189 = arith.constant 2 : index
    %swap3A_190 = tpu.vector_load %arg11[%swap3A_189] {strides = array<i32>} : memref<160xi32, #tpu.memory_space<vmem>>, vector<16xi32>,
    %swap3A_191 = vector.shape_cast %swap3A_190 : vector<16xi32> to vector<16xi32>
    %swap3A_192 = vector.shape_cast %select_n3A_188 : vector<16xi32> to vector<16xi32>
    tpu.vector_store %arg11[%swap3A_189], %swap3A_192 {strides = array<i32>} : memref<160xi32, #tpu.memory_space<vmem>>, vector<16xi32>,
    %get3A_193 = arith.constant 0 : index
    %get3A_194 = tpu.vector_load %arg9[%get3A_193] {strides = array<i32>} : memref<16xi32, #tpu.memory_space<vmem>>, vector<16xi32>,
    %get3A_195 = vector.shape_cast %get3A_194 : vector<16xi32> to vector<16xi32>
    %get3A_196 = arith.constant 0 : index
    %get3A_197 = tpu.vector_load %arg8[%get3A_196] {strides = array<i32>} : memref<160xf32, #tpu.memory_space<vmem>>, vector<16xf32>,
    %get3A_198 = vector.shape_cast %get3A_197 : vector<16xf32> to vector<16xf32>
    %get3A_199 = arith.constant 16 : index
    %get3A_200 = tpu.vector_load %arg8[%get3A_199] {strides = array<i32>} : memref<160xf32, #tpu.memory_space<vmem>>, vector<16xf32>,
    %get3A_201 = vector.shape_cast %get3A_200 : vector<16xf32> to vector<16xf32>
    %get3A_202 = arith.constant 32 : index
    %get3A_203 = tpu.vector_load %arg8[%get3A_202] {strides = array<i32>} : memref<160xf32, #tpu.memory_space<vmem>>, vector<16xf32>,
    %get3A_204 = vector.shape_cast %get3A_203 : vector<16xf32> to vector<16xf32>
    %get3A_205 = arith.constant 48 : index
    %get3A_206 = tpu.vector_load %arg8[%get3A_205] {strides = array<i32>} : memref<160xf32, #tpu.memory_space<vmem>>, vector<16xf32>,
    %get3A_207 = vector.shape_cast %get3A_206 : vector<16xf32> to vector<16xf32>
    %get3A_208 = arith.constant 64 : index
    %get3A_209 = tpu.vector_load %arg8[%get3A_208] {strides = array<i32>} : memref<160xf32, #tpu.memory_space<vmem>>, vector<16xf32>,
    %get3A_210 = vector.shape_cast %get3A_209 : vector<16xf32> to vector<16xf32>
    %get3A_211 = arith.constant 80 : index
    %get3A_212 = tpu.vector_load %arg8[%get3A_211] {strides = array<i32>} : memref<160xf32, #tpu.memory_space<vmem>>, vector<16xf32>,
    %get3A_213 = vector.shape_cast %get3A_212 : vector<16xf32> to vector<16xf32>
    %get3A_214 = arith.constant 96 : index
    %get3A_215 = tpu.vector_load %arg8[%get3A_214] {strides = array<i32>} : memref<160xf32, #tpu.memory_space<vmem>>, vector<16xf32>,
    %get3A_216 = vector.shape_cast %get3A_215 : vector<16xf32> to vector<16xf32>
    %get3A_217 = arith.constant 112 : index
    %get3A_218 = tpu.vector_load %arg8[%get3A_217] {strides = array<i32>} : memref<160xf32, #tpu.memory_space<vmem>>, vector<16xf32>,
    %get3A_219 = vector.shape_cast %get3A_218 : vector<16xf32> to vector<16xf32>
    %get3A_220 = arith.constant 128 : index
    %get3A_221 = tpu.vector_load %arg8[%get3A_220] {strides = array<i32>} : memref<160xf32, #tpu.memory_space<vmem>>, vector<16xf32>,
    %get3A_222 = vector.shape_cast %get3A_221 : vector<16xf32> to vector<16xf32>
    %scan3A = arith.constant 0 : i32
    %scan3A_223 = arith.constant 0 : i32
    %scan3A_224 = arith.constant 255 : i32
    %scan3A_225 = arith.addi %scan3A_223, %scan3A_224 : i32
    %scan3A_226 = arith.constant 1 : i32
    scf.for %scan3A_1083 = %scan3A_223 to %scan3A_225 step %scan3A_226  : i32 {
      %mul3A_1084 = arith.constant 2 : i32
      %mul3A_1085 = arith.muli %mul3A_1084, %scan3A_1083 : i32
      %add3A_1086 = arith.constant 1 : i32
      %add3A_1087 = arith.addi %add3A_1086, %mul3A_1085 : i32
      %broadcast_in_dim3A_1088 = vector.broadcast %add3A_1087 : i32 to vector<16xi32>
      %lt3A_1089 = arith.cmpi slt, %broadcast_in_dim3A_1088, %get3A_195 : vector<16xi32>
      %get3A_1090 = arith.index_cast %add3A_1087 : i32 to index
      %get3A_1091 = arith.constant 0 : index
      %get3A_1092 = tpu.vector_load %arg7[%get3A_1090, %get3A_1091] {strides = array<i32>} : memref<512x128xf32, #tpu.memory_space<vmem>>, vector<1x16xf32>,
      %get3A_1093 = vector.shape_cast %get3A_1092 : vector<1x16xf32> to vector<16xf32>
      %get3A_1094 = arith.constant 2 : index
      %get3A_1095 = tpu.vector_load %arg10[%get3A_1094] {strides = array<i32>} : memref<160xf32, #tpu.memory_space<vmem>>, vector<16xf32>,
      %get3A_1096 = vector.shape_cast %get3A_1095 : vector<16xf32> to vector<16xf32>
      %get3A_1097 = arith.constant 2 : index
      %get3A_1098 = tpu.vector_load %arg11[%get3A_1097] {strides = array<i32>} : memref<160xi32, #tpu.memory_space<vmem>>, vector<16xi32>,
      %get3A_1099 = vector.shape_cast %get3A_1098 : vector<16xi32> to vector<16xi32>
      %get3A_1100 = arith.constant 1 : index
      %get3A_1101 = tpu.vector_load %arg10[%get3A_1100] {strides = array<i32>} : memref<160xf32, #tpu.memory_space<vmem>>, vector<16xf32>,
      %get3A_1102 = vector.shape_cast %get3A_1101 : vector<16xf32> to vector<16xf32>
      %get3A_1103 = arith.constant 1 : index
      %get3A_1104 = tpu.vector_load %arg11[%get3A_1103] {strides = array<i32>} : memref<160xi32, #tpu.memory_space<vmem>>, vector<16xi32>,
      %get3A_1105 = vector.shape_cast %get3A_1104 : vector<16xi32> to vector<16xi32>
      %get3A_1106 = arith.constant 0 : index
      %get3A_1107 = tpu.vector_load %arg10[%get3A_1106] {strides = array<i32>} : memref<160xf32, #tpu.memory_space<vmem>>, vector<16xf32>,
      %get3A_1108 = vector.shape_cast %get3A_1107 : vector<16xf32> to vector<16xf32>
      %get3A_1109 = arith.constant 0 : index
      %get3A_1110 = tpu.vector_load %arg11[%get3A_1109] {strides = array<i32>} : memref<160xi32, #tpu.memory_space<vmem>>, vector<16xi32>,
      %get3A_1111 = vector.shape_cast %get3A_1110 : vector<16xi32> to vector<16xi32>
      %gt3A_1112 = arith.constant 0.000000e+00 : f32
      %gt3A_1113 = vector.broadcast %gt3A_1112 : f32 to vector<16xf32>
      %gt3A_1114 = arith.cmpf ogt, %get3A_198, %gt3A_1113 : vector<16xf32>
      %jit3A_1115 = arith.constant -268435456 : i32
      %broadcast_in_dim3A_1116 = vector.broadcast %jit3A_1115 : i32 to vector<16xi32>
      %select_n3A_1117 = arith.select %gt3A_1114, %get3A_1111, %broadcast_in_dim3A_1116 : vector<16xi1>, vector<16xi32>
      %max3A_1118 = arith.maxsi %get3A_1099, %get3A_1105 : vector<16xi32>
      %max3A_1119 = arith.maxsi %max3A_1118, %select_n3A_1117 : vector<16xi32>
      %sub3A_1120 = arith.subi %get3A_1099, %max3A_1119 : vector<16xi32>
      %add3A_1121 = arith.constant 127 : i32
      %add3A_1122 = vector.broadcast %add3A_1121 : i32 to vector<16xi32>
      %add3A_1123 = arith.addi %sub3A_1120, %add3A_1122 : vector<16xi32>
      %max3A_1124 = arith.constant 0 : i32
      %max3A_1125 = vector.broadcast %max3A_1124 : i32 to vector<16xi32>
      %max3A_1126 = arith.maxsi %add3A_1123, %max3A_1125 : vector<16xi32>
      %shift_left3A_1127 = arith.constant 23 : i32
      %shift_left3A_1128 = vector.broadcast %shift_left3A_1127 : i32 to vector<16xi32>
      %shift_left3A_1129 = arith.shli %max3A_1126, %shift_left3A_1128 : vector<16xi32>
      %bitcast_convert_type3A_1130 = tpu.bitcast %shift_left3A_1129 : vector<16xi32> -> vector<16xf32>
      %mul3A_1131 = arith.mulf %get3A_1096, %bitcast_convert_type3A_1130 : vector<16xf32>
      %sub3A_1132 = arith.subi %get3A_1105, %max3A_1119 : vector<16xi32>
      %add3A_1133 = arith.constant 127 : i32
      %add3A_1134 = vector.broadcast %add3A_1133 : i32 to vector<16xi32>
      %add3A_1135 = arith.addi %sub3A_1132, %add3A_1134 : vector<16xi32>
      %max3A_1136 = arith.constant 0 : i32
      %max3A_1137 = vector.broadcast %max3A_1136 : i32 to vector<16xi32>
      %max3A_1138 = arith.maxsi %add3A_1135, %max3A_1137 : vector<16xi32>
      %shift_left3A_1139 = arith.constant 23 : i32
      %shift_left3A_1140 = vector.broadcast %shift_left3A_1139 : i32 to vector<16xi32>
      %shift_left3A_1141 = arith.shli %max3A_1138, %shift_left3A_1140 : vector<16xi32>
      %bitcast_convert_type3A_1142 = tpu.bitcast %shift_left3A_1141 : vector<16xi32> -> vector<16xf32>
      %mul3A_1143 = arith.mulf %get3A_1102, %bitcast_convert_type3A_1142 : vector<16xf32>
      %add3A_1144 = arith.addf %mul3A_1131, %mul3A_1143 : vector<16xf32>
      %sub3A_1145 = arith.subi %select_n3A_1117, %max3A_1119 : vector<16xi32>
      %add3A_1146 = arith.constant 127 : i32
      %add3A_1147 = vector.broadcast %add3A_1146 : i32 to vector<16xi32>
      %add3A_1148 = arith.addi %sub3A_1145, %add3A_1147 : vector<16xi32>
      %max3A_1149 = arith.constant 0 : i32
      %max3A_1150 = vector.broadcast %max3A_1149 : i32 to vector<16xi32>
      %max3A_1151 = arith.maxsi %add3A_1148, %max3A_1150 : vector<16xi32>
      %shift_left3A_1152 = arith.constant 23 : i32
      %shift_left3A_1153 = vector.broadcast %shift_left3A_1152 : i32 to vector<16xi32>
      %shift_left3A_1154 = arith.shli %max3A_1151, %shift_left3A_1153 : vector<16xi32>
      %bitcast_convert_type3A_1155 = tpu.bitcast %shift_left3A_1154 : vector<16xi32> -> vector<16xf32>
      %mul3A_1156 = arith.mulf %get3A_1108, %bitcast_convert_type3A_1155 : vector<16xf32>
      %add3A_1157 = arith.addf %add3A_1144, %mul3A_1156 : vector<16xf32>
      %mul3A_1158 = arith.mulf %add3A_1157, %get3A_1093 : vector<16xf32>
      %bitcast_convert_type3A_1159 = tpu.bitcast %mul3A_1158 : vector<16xf32> -> vector<16xi32>
      %shift_right_logical3A_1160 = arith.constant 23 : i32
      %shift_right_logical3A_1161 = vector.broadcast %shift_right_logical3A_1160 : i32 to vector<16xi32>
      %shift_right_logical3A_1162 = arith.shrui %bitcast_convert_type3A_1159, %shift_right_logical3A_1161 : vector<16xi32>
      %and3A_1163 = arith.constant 8388607 : i32
      %and3A_1164 = vector.broadcast %and3A_1163 : i32 to vector<16xi32>
      %and3A_1165 = arith.andi %bitcast_convert_type3A_1159, %and3A_1164 : vector<16xi32>
      %or3A_1166 = arith.constant 1065353216 : i32
      %or3A_1167 = vector.broadcast %or3A_1166 : i32 to vector<16xi32>
      %or3A_1168 = arith.ori %and3A_1165, %or3A_1167 : vector<16xi32>
      %bitcast_convert_type3A_1169 = tpu.bitcast %or3A_1168 : vector<16xi32> -> vector<16xf32>
      %sub3A_1170 = arith.constant 127 : i32
      %sub3A_1171 = vector.broadcast %sub3A_1170 : i32 to vector<16xi32>
      %sub3A_1172 = arith.subi %shift_right_logical3A_1162, %sub3A_1171 : vector<16xi32>
      %add3A_1173 = arith.addi %max3A_1119, %sub3A_1172 : vector<16xi32>
      %select_n3A_1174 = arith.select %lt3A_1089, %bitcast_convert_type3A_1169, %get3A_1096 : vector<16xi1>, vector<16xf32>
      %swap3A_1175 = arith.constant 2 : index
      %swap3A_1176 = tpu.vector_load %arg12[%swap3A_1175] {strides = array<i32>} : memref<160xf32, #tpu.memory_space<vmem>>, vector<16xf32>,
      %swap3A_1177 = vector.shape_cast %swap3A_1176 : vector<16xf32> to vector<16xf32>
      %swap3A_1178 = vector.shape_cast %select_n3A_1174 : vector<16xf32> to vector<16xf32>
      tpu.vector_store %arg12[%swap3A_1175], %swap3A_1178 {strides = array<i32>} : memref<160xf32, #tpu.memory_space<vmem>>, vector<16xf32>,
      %select_n3A_1179 = arith.select %lt3A_1089, %add3A_1173, %get3A_1099 : vector<16xi1>, vector<16xi32>
      %swap3A_1180 = arith.constant 2 : index
      %swap3A_1181 = tpu.vector_load %arg13[%swap3A_1180] {strides = array<i32>} : memref<160xi32, #tpu.memory_space<vmem>>, vector<16xi32>,
      %swap3A_1182 = vector.shape_cast %swap3A_1181 : vector<16xi32> to vector<16xi32>
      %swap3A_1183 = vector.shape_cast %select_n3A_1179 : vector<16xi32> to vector<16xi32>
      tpu.vector_store %arg13[%swap3A_1180], %swap3A_1183 {strides = array<i32>} : memref<160xi32, #tpu.memory_space<vmem>>, vector<16xi32>,
      %get3A_1184 = arith.index_cast %add3A_1087 : i32 to index
      %get3A_1185 = arith.constant 16 : index
      %get3A_1186 = tpu.vector_load %arg7[%get3A_1184, %get3A_1185] {strides = array<i32>} : memref<512x128xf32, #tpu.memory_space<vmem>>, vector<1x16xf32>,
      %get3A_1187 = vector.shape_cast %get3A_1186 : vector<1x16xf32> to vector<16xf32>
      %get3A_1188 = arith.constant 18 : index
      %get3A_1189 = tpu.vector_load %arg10[%get3A_1188] {strides = array<i32>} : memref<160xf32, #tpu.memory_space<vmem>>, vector<16xf32>,
      %get3A_1190 = vector.shape_cast %get3A_1189 : vector<16xf32> to vector<16xf32>
      %get3A_1191 = arith.constant 18 : index
      %get3A_1192 = tpu.vector_load %arg11[%get3A_1191] {strides = array<i32>} : memref<160xi32, #tpu.memory_space<vmem>>, vector<16xi32>,
      %get3A_1193 = vector.shape_cast %get3A_1192 : vector<16xi32> to vector<16xi32>
      %get3A_1194 = arith.constant 17 : index
      %get3A_1195 = tpu.vector_load %arg10[%get3A_1194] {strides = array<i32>} : memref<160xf32, #tpu.memory_space<vmem>>, vector<16xf32>,
      %get3A_1196 = vector.shape_cast %get3A_1195 : vector<16xf32> to vector<16xf32>
      %get3A_1197 = arith.constant 17 : index
      %get3A_1198 = tpu.vector_load %arg11[%get3A_1197] {strides = array<i32>} : memref<160xi32, #tpu.memory_space<vmem>>, vector<16xi32>,
      %get3A_1199 = vector.shape_cast %get3A_1198 : vector<16xi32> to vector<16xi32>
      %get3A_1200 = arith.constant 16 : index
      %get3A_1201 = tpu.vector_load %arg10[%get3A_1200] {strides = array<i32>} : memref<160xf32, #tpu.memory_space<vmem>>, vector<16xf32>,
      %get3A_1202 = vector.shape_cast %get3A_1201 : vector<16xf32> to vector<16xf32>
      %get3A_1203 = arith.constant 16 : index
      %get3A_1204 = tpu.vector_load %arg11[%get3A_1203] {strides = array<i32>} : memref<160xi32, #tpu.memory_space<vmem>>, vector<16xi32>,
      %get3A_1205 = vector.shape_cast %get3A_1204 : vector<16xi32> to vector<16xi32>
      %gt3A_1206 = arith.constant 0.000000e+00 : f32
      %gt3A_1207 = vector.broadcast %gt3A_1206 : f32 to vector<16xf32>
      %gt3A_1208 = arith.cmpf ogt, %get3A_201, %gt3A_1207 : vector<16xf32>
      %jit3A_1209 = arith.constant -268435456 : i32
      %broadcast_in_dim3A_1210 = vector.broadcast %jit3A_1209 : i32 to vector<16xi32>
      %select_n3A_1211 = arith.select %gt3A_1208, %get3A_1205, %broadcast_in_dim3A_1210 : vector<16xi1>, vector<16xi32>
      %max3A_1212 = arith.maxsi %get3A_1193, %get3A_1199 : vector<16xi32>
      %max3A_1213 = arith.maxsi %max3A_1212, %select_n3A_1211 : vector<16xi32>
      %sub3A_1214 = arith.subi %get3A_1193, %max3A_1213 : vector<16xi32>
      %add3A_1215 = arith.constant 127 : i32
      %add3A_1216 = vector.broadcast %add3A_1215 : i32 to vector<16xi32>
      %add3A_1217 = arith.addi %sub3A_1214, %add3A_1216 : vector<16xi32>
      %max3A_1218 = arith.constant 0 : i32
      %max3A_1219 = vector.broadcast %max3A_1218 : i32 to vector<16xi32>
      %max3A_1220 = arith.maxsi %add3A_1217, %max3A_1219 : vector<16xi32>
      %shift_left3A_1221 = arith.constant 23 : i32
      %shift_left3A_1222 = vector.broadcast %shift_left3A_1221 : i32 to vector<16xi32>
      %shift_left3A_1223 = arith.shli %max3A_1220, %shift_left3A_1222 : vector<16xi32>
      %bitcast_convert_type3A_1224 = tpu.bitcast %shift_left3A_1223 : vector<16xi32> -> vector<16xf32>
      %mul3A_1225 = arith.mulf %get3A_1190, %bitcast_convert_type3A_1224 : vector<16xf32>
      %sub3A_1226 = arith.subi %get3A_1199, %max3A_1213 : vector<16xi32>
      %add3A_1227 = arith.constant 127 : i32
      %add3A_1228 = vector.broadcast %add3A_1227 : i32 to vector<16xi32>
      %add3A_1229 = arith.addi %sub3A_1226, %add3A_1228 : vector<16xi32>
      %max3A_1230 = arith.constant 0 : i32
      %max3A_1231 = vector.broadcast %max3A_1230 : i32 to vector<16xi32>
      %max3A_1232 = arith.maxsi %add3A_1229, %max3A_1231 : vector<16xi32>
      %shift_left3A_1233 = arith.constant 23 : i32
      %shift_left3A_1234 = vector.broadcast %shift_left3A_1233 : i32 to vector<16xi32>
      %shift_left3A_1235 = arith.shli %max3A_1232, %shift_left3A_1234 : vector<16xi32>
      %bitcast_convert_type3A_1236 = tpu.bitcast %shift_left3A_1235 : vector<16xi32> -> vector<16xf32>
      %mul3A_1237 = arith.mulf %get3A_1196, %bitcast_convert_type3A_1236 : vector<16xf32>
      %add3A_1238 = arith.addf %mul3A_1225, %mul3A_1237 : vector<16xf32>
      %sub3A_1239 = arith.subi %select_n3A_1211, %max3A_1213 : vector<16xi32>
      %add3A_1240 = arith.constant 127 : i32
      %add3A_1241 = vector.broadcast %add3A_1240 : i32 to vector<16xi32>
      %add3A_1242 = arith.addi %sub3A_1239, %add3A_1241 : vector<16xi32>
      %max3A_1243 = arith.constant 0 : i32
      %max3A_1244 = vector.broadcast %max3A_1243 : i32 to vector<16xi32>
      %max3A_1245 = arith.maxsi %add3A_1242, %max3A_1244 : vector<16xi32>
      %shift_left3A_1246 = arith.constant 23 : i32
      %shift_left3A_1247 = vector.broadcast %shift_left3A_1246 : i32 to vector<16xi32>
      %shift_left3A_1248 = arith.shli %max3A_1245, %shift_left3A_1247 : vector<16xi32>
      %bitcast_convert_type3A_1249 = tpu.bitcast %shift_left3A_1248 : vector<16xi32> -> vector<16xf32>
      %mul3A_1250 = arith.mulf %get3A_1202, %bitcast_convert_type3A_1249 : vector<16xf32>
      %add3A_1251 = arith.addf %add3A_1238, %mul3A_1250 : vector<16xf32>
      %mul3A_1252 = arith.mulf %add3A_1251, %get3A_1187 : vector<16xf32>
      %bitcast_convert_type3A_1253 = tpu.bitcast %mul3A_1252 : vector<16xf32> -> vector<16xi32>
      %shift_right_logical3A_1254 = arith.constant 23 : i32
      %shift_right_logical3A_1255 = vector.broadcast %shift_right_logical3A_1254 : i32 to vector<16xi32>
      %shift_right_logical3A_1256 = arith.shrui %bitcast_convert_type3A_1253, %shift_right_logical3A_1255 : vector<16xi32>
      %and3A_1257 = arith.constant 8388607 : i32
      %and3A_1258 = vector.broadcast %and3A_1257 : i32 to vector<16xi32>
      %and3A_1259 = arith.andi %bitcast_convert_type3A_1253, %and3A_1258 : vector<16xi32>
      %or3A_1260 = arith.constant 1065353216 : i32
      %or3A_1261 = vector.broadcast %or3A_1260 : i32 to vector<16xi32>
      %or3A_1262 = arith.ori %and3A_1259, %or3A_1261 : vector<16xi32>
      %bitcast_convert_type3A_1263 = tpu.bitcast %or3A_1262 : vector<16xi32> -> vector<16xf32>
      %sub3A_1264 = arith.constant 127 : i32
      %sub3A_1265 = vector.broadcast %sub3A_1264 : i32 to vector<16xi32>
      %sub3A_1266 = arith.subi %shift_right_logical3A_1256, %sub3A_1265 : vector<16xi32>
      %add3A_1267 = arith.addi %max3A_1213, %sub3A_1266 : vector<16xi32>
      %select_n3A_1268 = arith.select %lt3A_1089, %bitcast_convert_type3A_1263, %get3A_1190 : vector<16xi1>, vector<16xf32>
      %swap3A_1269 = arith.constant 18 : index
      %swap3A_1270 = tpu.vector_load %arg12[%swap3A_1269] {strides = array<i32>} : memref<160xf32, #tpu.memory_space<vmem>>, vector<16xf32>,
      %swap3A_1271 = vector.shape_cast %swap3A_1270 : vector<16xf32> to vector<16xf32>
      %swap3A_1272 = vector.shape_cast %select_n3A_1268 : vector<16xf32> to vector<16xf32>
      tpu.vector_store %arg12[%swap3A_1269], %swap3A_1272 {strides = array<i32>} : memref<160xf32, #tpu.memory_space<vmem>>, vector<16xf32>,
      %select_n3A_1273 = arith.select %lt3A_1089, %add3A_1267, %get3A_1193 : vector<16xi1>, vector<16xi32>
      %swap3A_1274 = arith.constant 18 : index
      %swap3A_1275 = tpu.vector_load %arg13[%swap3A_1274] {strides = array<i32>} : memref<160xi32, #tpu.memory_space<vmem>>, vector<16xi32>,
      %swap3A_1276 = vector.shape_cast %swap3A_1275 : vector<16xi32> to vector<16xi32>
      %swap3A_1277 = vector.shape_cast %select_n3A_1273 : vector<16xi32> to vector<16xi32>
      tpu.vector_store %arg13[%swap3A_1274], %swap3A_1277 {strides = array<i32>} : memref<160xi32, #tpu.memory_space<vmem>>, vector<16xi32>,
      %get3A_1278 = arith.index_cast %add3A_1087 : i32 to index
      %get3A_1279 = arith.constant 32 : index
      %get3A_1280 = tpu.vector_load %arg7[%get3A_1278, %get3A_1279] {strides = array<i32>} : memref<512x128xf32, #tpu.memory_space<vmem>>, vector<1x16xf32>,
      %get3A_1281 = vector.shape_cast %get3A_1280 : vector<1x16xf32> to vector<16xf32>
      %get3A_1282 = arith.constant 34 : index
      %get3A_1283 = tpu.vector_load %arg10[%get3A_1282] {strides = array<i32>} : memref<160xf32, #tpu.memory_space<vmem>>, vector<16xf32>,
      %get3A_1284 = vector.shape_cast %get3A_1283 : vector<16xf32> to vector<16xf32>
      %get3A_1285 = arith.constant 34 : index
      %get3A_1286 = tpu.vector_load %arg11[%get3A_1285] {strides = array<i32>} : memref<160xi32, #tpu.memory_space<vmem>>, vector<16xi32>,
      %get3A_1287 = vector.shape_cast %get3A_1286 : vector<16xi32> to vector<16xi32>
      %get3A_1288 = arith.constant 33 : index
      %get3A_1289 = tpu.vector_load %arg10[%get3A_1288] {strides = array<i32>} : memref<160xf32, #tpu.memory_space<vmem>>, vector<16xf32>,
      %get3A_1290 = vector.shape_cast %get3A_1289 : vector<16xf32> to vector<16xf32>
      %get3A_1291 = arith.constant 33 : index
      %get3A_1292 = tpu.vector_load %arg11[%get3A_1291] {strides = array<i32>} : memref<160xi32, #tpu.memory_space<vmem>>, vector<16xi32>,
      %get3A_1293 = vector.shape_cast %get3A_1292 : vector<16xi32> to vector<16xi32>
      %get3A_1294 = arith.constant 32 : index
      %get3A_1295 = tpu.vector_load %arg10[%get3A_1294] {strides = array<i32>} : memref<160xf32, #tpu.memory_space<vmem>>, vector<16xf32>,
      %get3A_1296 = vector.shape_cast %get3A_1295 : vector<16xf32> to vector<16xf32>
      %get3A_1297 = arith.constant 32 : index
      %get3A_1298 = tpu.vector_load %arg11[%get3A_1297] {strides = array<i32>} : memref<160xi32, #tpu.memory_space<vmem>>, vector<16xi32>,
      %get3A_1299 = vector.shape_cast %get3A_1298 : vector<16xi32> to vector<16xi32>
      %gt3A_1300 = arith.constant 0.000000e+00 : f32
      %gt3A_1301 = vector.broadcast %gt3A_1300 : f32 to vector<16xf32>
      %gt3A_1302 = arith.cmpf ogt, %get3A_204, %gt3A_1301 : vector<16xf32>
      %jit3A_1303 = arith.constant -268435456 : i32
      %broadcast_in_dim3A_1304 = vector.broadcast %jit3A_1303 : i32 to vector<16xi32>
      %select_n3A_1305 = arith.select %gt3A_1302, %get3A_1299, %broadcast_in_dim3A_1304 : vector<16xi1>, vector<16xi32>
      %max3A_1306 = arith.maxsi %get3A_1287, %get3A_1293 : vector<16xi32>
      %max3A_1307 = arith.maxsi %max3A_1306, %select_n3A_1305 : vector<16xi32>
      %sub3A_1308 = arith.subi %get3A_1287, %max3A_1307 : vector<16xi32>
      %add3A_1309 = arith.constant 127 : i32
      %add3A_1310 = vector.broadcast %add3A_1309 : i32 to vector<16xi32>
      %add3A_1311 = arith.addi %sub3A_1308, %add3A_1310 : vector<16xi32>
      %max3A_1312 = arith.constant 0 : i32
      %max3A_1313 = vector.broadcast %max3A_1312 : i32 to vector<16xi32>
      %max3A_1314 = arith.maxsi %add3A_1311, %max3A_1313 : vector<16xi32>
      %shift_left3A_1315 = arith.constant 23 : i32
      %shift_left3A_1316 = vector.broadcast %shift_left3A_1315 : i32 to vector<16xi32>
      %shift_left3A_1317 = arith.shli %max3A_1314, %shift_left3A_1316 : vector<16xi32>
      %bitcast_convert_type3A_1318 = tpu.bitcast %shift_left3A_1317 : vector<16xi32> -> vector<16xf32>
      %mul3A_1319 = arith.mulf %get3A_1284, %bitcast_convert_type3A_1318 : vector<16xf32>
      %sub3A_1320 = arith.subi %get3A_1293, %max3A_1307 : vector<16xi32>
      %add3A_1321 = arith.constant 127 : i32
      %add3A_1322 = vector.broadcast %add3A_1321 : i32 to vector<16xi32>
      %add3A_1323 = arith.addi %sub3A_1320, %add3A_1322 : vector<16xi32>
      %max3A_1324 = arith.constant 0 : i32
      %max3A_1325 = vector.broadcast %max3A_1324 : i32 to vector<16xi32>
      %max3A_1326 = arith.maxsi %add3A_1323, %max3A_1325 : vector<16xi32>
      %shift_left3A_1327 = arith.constant 23 : i32
      %shift_left3A_1328 = vector.broadcast %shift_left3A_1327 : i32 to vector<16xi32>
      %shift_left3A_1329 = arith.shli %max3A_1326, %shift_left3A_1328 : vector<16xi32>
      %bitcast_convert_type3A_1330 = tpu.bitcast %shift_left3A_1329 : vector<16xi32> -> vector<16xf32>
      %mul3A_1331 = arith.mulf %get3A_1290, %bitcast_convert_type3A_1330 : vector<16xf32>
      %add3A_1332 = arith.addf %mul3A_1319, %mul3A_1331 : vector<16xf32>
      %sub3A_1333 = arith.subi %select_n3A_1305, %max3A_1307 : vector<16xi32>
      %add3A_1334 = arith.constant 127 : i32
      %add3A_1335 = vector.broadcast %add3A_1334 : i32 to vector<16xi32>
      %add3A_1336 = arith.addi %sub3A_1333, %add3A_1335 : vector<16xi32>
      %max3A_1337 = arith.constant 0 : i32
      %max3A_1338 = vector.broadcast %max3A_1337 : i32 to vector<16xi32>
      %max3A_1339 = arith.maxsi %add3A_1336, %max3A_1338 : vector<16xi32>
      %shift_left3A_1340 = arith.constant 23 : i32
      %shift_left3A_1341 = vector.broadcast %shift_left3A_1340 : i32 to vector<16xi32>
      %shift_left3A_1342 = arith.shli %max3A_1339, %shift_left3A_1341 : vector<16xi32>
      %bitcast_convert_type3A_1343 = tpu.bitcast %shift_left3A_1342 : vector<16xi32> -> vector<16xf32>
      %mul3A_1344 = arith.mulf %get3A_1296, %bitcast_convert_type3A_1343 : vector<16xf32>
      %add3A_1345 = arith.addf %add3A_1332, %mul3A_1344 : vector<16xf32>
      %mul3A_1346 = arith.mulf %add3A_1345, %get3A_1281 : vector<16xf32>
      %bitcast_convert_type3A_1347 = tpu.bitcast %mul3A_1346 : vector<16xf32> -> vector<16xi32>
      %shift_right_logical3A_1348 = arith.constant 23 : i32
      %shift_right_logical3A_1349 = vector.broadcast %shift_right_logical3A_1348 : i32 to vector<16xi32>
      %shift_right_logical3A_1350 = arith.shrui %bitcast_convert_type3A_1347, %shift_right_logical3A_1349 : vector<16xi32>
      %and3A_1351 = arith.constant 8388607 : i32
      %and3A_1352 = vector.broadcast %and3A_1351 : i32 to vector<16xi32>
      %and3A_1353 = arith.andi %bitcast_convert_type3A_1347, %and3A_1352 : vector<16xi32>
      %or3A_1354 = arith.constant 1065353216 : i32
      %or3A_1355 = vector.broadcast %or3A_1354 : i32 to vector<16xi32>
      %or3A_1356 = arith.ori %and3A_1353, %or3A_1355 : vector<16xi32>
      %bitcast_convert_type3A_1357 = tpu.bitcast %or3A_1356 : vector<16xi32> -> vector<16xf32>
      %sub3A_1358 = arith.constant 127 : i32
      %sub3A_1359 = vector.broadcast %sub3A_1358 : i32 to vector<16xi32>
      %sub3A_1360 = arith.subi %shift_right_logical3A_1350, %sub3A_1359 : vector<16xi32>
      %add3A_1361 = arith.addi %max3A_1307, %sub3A_1360 : vector<16xi32>
      %select_n3A_1362 = arith.select %lt3A_1089, %bitcast_convert_type3A_1357, %get3A_1284 : vector<16xi1>, vector<16xf32>
      %swap3A_1363 = arith.constant 34 : index
      %swap3A_1364 = tpu.vector_load %arg12[%swap3A_1363] {strides = array<i32>} : memref<160xf32, #tpu.memory_space<vmem>>, vector<16xf32>,
      %swap3A_1365 = vector.shape_cast %swap3A_1364 : vector<16xf32> to vector<16xf32>
      %swap3A_1366 = vector.shape_cast %select_n3A_1362 : vector<16xf32> to vector<16xf32>
      tpu.vector_store %arg12[%swap3A_1363], %swap3A_1366 {strides = array<i32>} : memref<160xf32, #tpu.memory_space<vmem>>, vector<16xf32>,
      %select_n3A_1367 = arith.select %lt3A_1089, %add3A_1361, %get3A_1287 : vector<16xi1>, vector<16xi32>
      %swap3A_1368 = arith.constant 34 : index
      %swap3A_1369 = tpu.vector_load %arg13[%swap3A_1368] {strides = array<i32>} : memref<160xi32, #tpu.memory_space<vmem>>, vector<16xi32>,
      %swap3A_1370 = vector.shape_cast %swap3A_1369 : vector<16xi32> to vector<16xi32>
      %swap3A_1371 = vector.shape_cast %select_n3A_1367 : vector<16xi32> to vector<16xi32>
      tpu.vector_store %arg13[%swap3A_1368], %swap3A_1371 {strides = array<i32>} : memref<160xi32, #tpu.memory_space<vmem>>, vector<16xi32>,
      %get3A_1372 = arith.index_cast %add3A_1087 : i32 to index
      %get3A_1373 = arith.constant 48 : index
      %get3A_1374 = tpu.vector_load %arg7[%get3A_1372, %get3A_1373] {strides = array<i32>} : memref<512x128xf32, #tpu.memory_space<vmem>>, vector<1x16xf32>,
      %get3A_1375 = vector.shape_cast %get3A_1374 : vector<1x16xf32> to vector<16xf32>
      %get3A_1376 = arith.constant 50 : index
      %get3A_1377 = tpu.vector_load %arg10[%get3A_1376] {strides = array<i32>} : memref<160xf32, #tpu.memory_space<vmem>>, vector<16xf32>,
      %get3A_1378 = vector.shape_cast %get3A_1377 : vector<16xf32> to vector<16xf32>
      %get3A_1379 = arith.constant 50 : index
      %get3A_1380 = tpu.vector_load %arg11[%get3A_1379] {strides = array<i32>} : memref<160xi32, #tpu.memory_space<vmem>>, vector<16xi32>,
      %get3A_1381 = vector.shape_cast %get3A_1380 : vector<16xi32> to vector<16xi32>
      %get3A_1382 = arith.constant 49 : index
      %get3A_1383 = tpu.vector_load %arg10[%get3A_1382] {strides = array<i32>} : memref<160xf32, #tpu.memory_space<vmem>>, vector<16xf32>,
      %get3A_1384 = vector.shape_cast %get3A_1383 : vector<16xf32> to vector<16xf32>
      %get3A_1385 = arith.constant 49 : index
      %get3A_1386 = tpu.vector_load %arg11[%get3A_1385] {strides = array<i32>} : memref<160xi32, #tpu.memory_space<vmem>>, vector<16xi32>,
      %get3A_1387 = vector.shape_cast %get3A_1386 : vector<16xi32> to vector<16xi32>
      %get3A_1388 = arith.constant 48 : index
      %get3A_1389 = tpu.vector_load %arg10[%get3A_1388] {strides = array<i32>} : memref<160xf32, #tpu.memory_space<vmem>>, vector<16xf32>,
      %get3A_1390 = vector.shape_cast %get3A_1389 : vector<16xf32> to vector<16xf32>
      %get3A_1391 = arith.constant 48 : index
      %get3A_1392 = tpu.vector_load %arg11[%get3A_1391] {strides = array<i32>} : memref<160xi32, #tpu.memory_space<vmem>>, vector<16xi32>,
      %get3A_1393 = vector.shape_cast %get3A_1392 : vector<16xi32> to vector<16xi32>
      %gt3A_1394 = arith.constant 0.000000e+00 : f32
      %gt3A_1395 = vector.broadcast %gt3A_1394 : f32 to vector<16xf32>
      %gt3A_1396 = arith.cmpf ogt, %get3A_207, %gt3A_1395 : vector<16xf32>
      %jit3A_1397 = arith.constant -268435456 : i32
      %broadcast_in_dim3A_1398 = vector.broadcast %jit3A_1397 : i32 to vector<16xi32>
      %select_n3A_1399 = arith.select %gt3A_1396, %get3A_1393, %broadcast_in_dim3A_1398 : vector<16xi1>, vector<16xi32>
      %max3A_1400 = arith.maxsi %get3A_1381, %get3A_1387 : vector<16xi32>
      %max3A_1401 = arith.maxsi %max3A_1400, %select_n3A_1399 : vector<16xi32>
      %sub3A_1402 = arith.subi %get3A_1381, %max3A_1401 : vector<16xi32>
      %add3A_1403 = arith.constant 127 : i32
      %add3A_1404 = vector.broadcast %add3A_1403 : i32 to vector<16xi32>
      %add3A_1405 = arith.addi %sub3A_1402, %add3A_1404 : vector<16xi32>
      %max3A_1406 = arith.constant 0 : i32
      %max3A_1407 = vector.broadcast %max3A_1406 : i32 to vector<16xi32>
      %max3A_1408 = arith.maxsi %add3A_1405, %max3A_1407 : vector<16xi32>
      %shift_left3A_1409 = arith.constant 23 : i32
      %shift_left3A_1410 = vector.broadcast %shift_left3A_1409 : i32 to vector<16xi32>
      %shift_left3A_1411 = arith.shli %max3A_1408, %shift_left3A_1410 : vector<16xi32>
      %bitcast_convert_type3A_1412 = tpu.bitcast %shift_left3A_1411 : vector<16xi32> -> vector<16xf32>
      %mul3A_1413 = arith.mulf %get3A_1378, %bitcast_convert_type3A_1412 : vector<16xf32>
      %sub3A_1414 = arith.subi %get3A_1387, %max3A_1401 : vector<16xi32>
      %add3A_1415 = arith.constant 127 : i32
      %add3A_1416 = vector.broadcast %add3A_1415 : i32 to vector<16xi32>
      %add3A_1417 = arith.addi %sub3A_1414, %add3A_1416 : vector<16xi32>
      %max3A_1418 = arith.constant 0 : i32
      %max3A_1419 = vector.broadcast %max3A_1418 : i32 to vector<16xi32>
      %max3A_1420 = arith.maxsi %add3A_1417, %max3A_1419 : vector<16xi32>
      %shift_left3A_1421 = arith.constant 23 : i32
      %shift_left3A_1422 = vector.broadcast %shift_left3A_1421 : i32 to vector<16xi32>
      %shift_left3A_1423 = arith.shli %max3A_1420, %shift_left3A_1422 : vector<16xi32>
      %bitcast_convert_type3A_1424 = tpu.bitcast %shift_left3A_1423 : vector<16xi32> -> vector<16xf32>
      %mul3A_1425 = arith.mulf %get3A_1384, %bitcast_convert_type3A_1424 : vector<16xf32>
      %add3A_1426 = arith.addf %mul3A_1413, %mul3A_1425 : vector<16xf32>
      %sub3A_1427 = arith.subi %select_n3A_1399, %max3A_1401 : vector<16xi32>
      %add3A_1428 = arith.constant 127 : i32
      %add3A_1429 = vector.broadcast %add3A_1428 : i32 to vector<16xi32>
      %add3A_1430 = arith.addi %sub3A_1427, %add3A_1429 : vector<16xi32>
      %max3A_1431 = arith.constant 0 : i32
      %max3A_1432 = vector.broadcast %max3A_1431 : i32 to vector<16xi32>
      %max3A_1433 = arith.maxsi %add3A_1430, %max3A_1432 : vector<16xi32>
      %shift_left3A_1434 = arith.constant 23 : i32
      %shift_left3A_1435 = vector.broadcast %shift_left3A_1434 : i32 to vector<16xi32>
      %shift_left3A_1436 = arith.shli %max3A_1433, %shift_left3A_1435 : vector<16xi32>
      %bitcast_convert_type3A_1437 = tpu.bitcast %shift_left3A_1436 : vector<16xi32> -> vector<16xf32>
      %mul3A_1438 = arith.mulf %get3A_1390, %bitcast_convert_type3A_1437 : vector<16xf32>
      %add3A_1439 = arith.addf %add3A_1426, %mul3A_1438 : vector<16xf32>
      %mul3A_1440 = arith.mulf %add3A_1439, %get3A_1375 : vector<16xf32>
      %bitcast_convert_type3A_1441 = tpu.bitcast %mul3A_1440 : vector<16xf32> -> vector<16xi32>
      %shift_right_logical3A_1442 = arith.constant 23 : i32
      %shift_right_logical3A_1443 = vector.broadcast %shift_right_logical3A_1442 : i32 to vector<16xi32>
      %shift_right_logical3A_1444 = arith.shrui %bitcast_convert_type3A_1441, %shift_right_logical3A_1443 : vector<16xi32>
      %and3A_1445 = arith.constant 8388607 : i32
      %and3A_1446 = vector.broadcast %and3A_1445 : i32 to vector<16xi32>
      %and3A_1447 = arith.andi %bitcast_convert_type3A_1441, %and3A_1446 : vector<16xi32>
      %or3A_1448 = arith.constant 1065353216 : i32
      %or3A_1449 = vector.broadcast %or3A_1448 : i32 to vector<16xi32>
      %or3A_1450 = arith.ori %and3A_1447, %or3A_1449 : vector<16xi32>
      %bitcast_convert_type3A_1451 = tpu.bitcast %or3A_1450 : vector<16xi32> -> vector<16xf32>
      %sub3A_1452 = arith.constant 127 : i32
      %sub3A_1453 = vector.broadcast %sub3A_1452 : i32 to vector<16xi32>
      %sub3A_1454 = arith.subi %shift_right_logical3A_1444, %sub3A_1453 : vector<16xi32>
      %add3A_1455 = arith.addi %max3A_1401, %sub3A_1454 : vector<16xi32>
      %select_n3A_1456 = arith.select %lt3A_1089, %bitcast_convert_type3A_1451, %get3A_1378 : vector<16xi1>, vector<16xf32>
      %swap3A_1457 = arith.constant 50 : index
      %swap3A_1458 = tpu.vector_load %arg12[%swap3A_1457] {strides = array<i32>} : memref<160xf32, #tpu.memory_space<vmem>>, vector<16xf32>,
      %swap3A_1459 = vector.shape_cast %swap3A_1458 : vector<16xf32> to vector<16xf32>
      %swap3A_1460 = vector.shape_cast %select_n3A_1456 : vector<16xf32> to vector<16xf32>
      tpu.vector_store %arg12[%swap3A_1457], %swap3A_1460 {strides = array<i32>} : memref<160xf32, #tpu.memory_space<vmem>>, vector<16xf32>,
      %select_n3A_1461 = arith.select %lt3A_1089, %add3A_1455, %get3A_1381 : vector<16xi1>, vector<16xi32>
      %swap3A_1462 = arith.constant 50 : index
      %swap3A_1463 = tpu.vector_load %arg13[%swap3A_1462] {strides = array<i32>} : memref<160xi32, #tpu.memory_space<vmem>>, vector<16xi32>,
      %swap3A_1464 = vector.shape_cast %swap3A_1463 : vector<16xi32> to vector<16xi32>
      %swap3A_1465 = vector.shape_cast %select_n3A_1461 : vector<16xi32> to vector<16xi32>
      tpu.vector_store %arg13[%swap3A_1462], %swap3A_1465 {strides = array<i32>} : memref<160xi32, #tpu.memory_space<vmem>>, vector<16xi32>,
      %get3A_1466 = arith.index_cast %add3A_1087 : i32 to index
      %get3A_1467 = arith.constant 64 : index
      %get3A_1468 = tpu.vector_load %arg7[%get3A_1466, %get3A_1467] {strides = array<i32>} : memref<512x128xf32, #tpu.memory_space<vmem>>, vector<1x16xf32>,
      %get3A_1469 = vector.shape_cast %get3A_1468 : vector<1x16xf32> to vector<16xf32>
      %get3A_1470 = arith.constant 66 : index
      %get3A_1471 = tpu.vector_load %arg10[%get3A_1470] {strides = array<i32>} : memref<160xf32, #tpu.memory_space<vmem>>, vector<16xf32>,
      %get3A_1472 = vector.shape_cast %get3A_1471 : vector<16xf32> to vector<16xf32>
      %get3A_1473 = arith.constant 66 : index
      %get3A_1474 = tpu.vector_load %arg11[%get3A_1473] {strides = array<i32>} : memref<160xi32, #tpu.memory_space<vmem>>, vector<16xi32>,
      %get3A_1475 = vector.shape_cast %get3A_1474 : vector<16xi32> to vector<16xi32>
      %get3A_1476 = arith.constant 65 : index
      %get3A_1477 = tpu.vector_load %arg10[%get3A_1476] {strides = array<i32>} : memref<160xf32, #tpu.memory_space<vmem>>, vector<16xf32>,
      %get3A_1478 = vector.shape_cast %get3A_1477 : vector<16xf32> to vector<16xf32>
      %get3A_1479 = arith.constant 65 : index
      %get3A_1480 = tpu.vector_load %arg11[%get3A_1479] {strides = array<i32>} : memref<160xi32, #tpu.memory_space<vmem>>, vector<16xi32>,
      %get3A_1481 = vector.shape_cast %get3A_1480 : vector<16xi32> to vector<16xi32>
      %get3A_1482 = arith.constant 64 : index
      %get3A_1483 = tpu.vector_load %arg10[%get3A_1482] {strides = array<i32>} : memref<160xf32, #tpu.memory_space<vmem>>, vector<16xf32>,
      %get3A_1484 = vector.shape_cast %get3A_1483 : vector<16xf32> to vector<16xf32>
      %get3A_1485 = arith.constant 64 : index
      %get3A_1486 = tpu.vector_load %arg11[%get3A_1485] {strides = array<i32>} : memref<160xi32, #tpu.memory_space<vmem>>, vector<16xi32>,
      %get3A_1487 = vector.shape_cast %get3A_1486 : vector<16xi32> to vector<16xi32>
      %gt3A_1488 = arith.constant 0.000000e+00 : f32
      %gt3A_1489 = vector.broadcast %gt3A_1488 : f32 to vector<16xf32>
      %gt3A_1490 = arith.cmpf ogt, %get3A_210, %gt3A_1489 : vector<16xf32>
      %jit3A_1491 = arith.constant -268435456 : i32
      %broadcast_in_dim3A_1492 = vector.broadcast %jit3A_1491 : i32 to vector<16xi32>
      %select_n3A_1493 = arith.select %gt3A_1490, %get3A_1487, %broadcast_in_dim3A_1492 : vector<16xi1>, vector<16xi32>
      %max3A_1494 = arith.maxsi %get3A_1475, %get3A_1481 : vector<16xi32>
      %max3A_1495 = arith.maxsi %max3A_1494, %select_n3A_1493 : vector<16xi32>
      %sub3A_1496 = arith.subi %get3A_1475, %max3A_1495 : vector<16xi32>
      %add3A_1497 = arith.constant 127 : i32
      %add3A_1498 = vector.broadcast %add3A_1497 : i32 to vector<16xi32>
      %add3A_1499 = arith.addi %sub3A_1496, %add3A_1498 : vector<16xi32>
      %max3A_1500 = arith.constant 0 : i32
      %max3A_1501 = vector.broadcast %max3A_1500 : i32 to vector<16xi32>
      %max3A_1502 = arith.maxsi %add3A_1499, %max3A_1501 : vector<16xi32>
      %shift_left3A_1503 = arith.constant 23 : i32
      %shift_left3A_1504 = vector.broadcast %shift_left3A_1503 : i32 to vector<16xi32>
      %shift_left3A_1505 = arith.shli %max3A_1502, %shift_left3A_1504 : vector<16xi32>
      %bitcast_convert_type3A_1506 = tpu.bitcast %shift_left3A_1505 : vector<16xi32> -> vector<16xf32>
      %mul3A_1507 = arith.mulf %get3A_1472, %bitcast_convert_type3A_1506 : vector<16xf32>
      %sub3A_1508 = arith.subi %get3A_1481, %max3A_1495 : vector<16xi32>
      %add3A_1509 = arith.constant 127 : i32
      %add3A_1510 = vector.broadcast %add3A_1509 : i32 to vector<16xi32>
      %add3A_1511 = arith.addi %sub3A_1508, %add3A_1510 : vector<16xi32>
      %max3A_1512 = arith.constant 0 : i32
      %max3A_1513 = vector.broadcast %max3A_1512 : i32 to vector<16xi32>
      %max3A_1514 = arith.maxsi %add3A_1511, %max3A_1513 : vector<16xi32>
      %shift_left3A_1515 = arith.constant 23 : i32
      %shift_left3A_1516 = vector.broadcast %shift_left3A_1515 : i32 to vector<16xi32>
      %shift_left3A_1517 = arith.shli %max3A_1514, %shift_left3A_1516 : vector<16xi32>
      %bitcast_convert_type3A_1518 = tpu.bitcast %shift_left3A_1517 : vector<16xi32> -> vector<16xf32>
      %mul3A_1519 = arith.mulf %get3A_1478, %bitcast_convert_type3A_1518 : vector<16xf32>
      %add3A_1520 = arith.addf %mul3A_1507, %mul3A_1519 : vector<16xf32>
      %sub3A_1521 = arith.subi %select_n3A_1493, %max3A_1495 : vector<16xi32>
      %add3A_1522 = arith.constant 127 : i32
      %add3A_1523 = vector.broadcast %add3A_1522 : i32 to vector<16xi32>
      %add3A_1524 = arith.addi %sub3A_1521, %add3A_1523 : vector<16xi32>
      %max3A_1525 = arith.constant 0 : i32
      %max3A_1526 = vector.broadcast %max3A_1525 : i32 to vector<16xi32>
      %max3A_1527 = arith.maxsi %add3A_1524, %max3A_1526 : vector<16xi32>
      %shift_left3A_1528 = arith.constant 23 : i32
      %shift_left3A_1529 = vector.broadcast %shift_left3A_1528 : i32 to vector<16xi32>
      %shift_left3A_1530 = arith.shli %max3A_1527, %shift_left3A_1529 : vector<16xi32>
      %bitcast_convert_type3A_1531 = tpu.bitcast %shift_left3A_1530 : vector<16xi32> -> vector<16xf32>
      %mul3A_1532 = arith.mulf %get3A_1484, %bitcast_convert_type3A_1531 : vector<16xf32>
      %add3A_1533 = arith.addf %add3A_1520, %mul3A_1532 : vector<16xf32>
      %mul3A_1534 = arith.mulf %add3A_1533, %get3A_1469 : vector<16xf32>
      %bitcast_convert_type3A_1535 = tpu.bitcast %mul3A_1534 : vector<16xf32> -> vector<16xi32>
      %shift_right_logical3A_1536 = arith.constant 23 : i32
      %shift_right_logical3A_1537 = vector.broadcast %shift_right_logical3A_1536 : i32 to vector<16xi32>
      %shift_right_logical3A_1538 = arith.shrui %bitcast_convert_type3A_1535, %shift_right_logical3A_1537 : vector<16xi32>
      %and3A_1539 = arith.constant 8388607 : i32
      %and3A_1540 = vector.broadcast %and3A_1539 : i32 to vector<16xi32>
      %and3A_1541 = arith.andi %bitcast_convert_type3A_1535, %and3A_1540 : vector<16xi32>
      %or3A_1542 = arith.constant 1065353216 : i32
      %or3A_1543 = vector.broadcast %or3A_1542 : i32 to vector<16xi32>
      %or3A_1544 = arith.ori %and3A_1541, %or3A_1543 : vector<16xi32>
      %bitcast_convert_type3A_1545 = tpu.bitcast %or3A_1544 : vector<16xi32> -> vector<16xf32>
      %sub3A_1546 = arith.constant 127 : i32
      %sub3A_1547 = vector.broadcast %sub3A_1546 : i32 to vector<16xi32>
      %sub3A_1548 = arith.subi %shift_right_logical3A_1538, %sub3A_1547 : vector<16xi32>
      %add3A_1549 = arith.addi %max3A_1495, %sub3A_1548 : vector<16xi32>
      %select_n3A_1550 = arith.select %lt3A_1089, %bitcast_convert_type3A_1545, %get3A_1472 : vector<16xi1>, vector<16xf32>
      %swap3A_1551 = arith.constant 66 : index
      %swap3A_1552 = tpu.vector_load %arg12[%swap3A_1551] {strides = array<i32>} : memref<160xf32, #tpu.memory_space<vmem>>, vector<16xf32>,
      %swap3A_1553 = vector.shape_cast %swap3A_1552 : vector<16xf32> to vector<16xf32>
      %swap3A_1554 = vector.shape_cast %select_n3A_1550 : vector<16xf32> to vector<16xf32>
      tpu.vector_store %arg12[%swap3A_1551], %swap3A_1554 {strides = array<i32>} : memref<160xf32, #tpu.memory_space<vmem>>, vector<16xf32>,
      %select_n3A_1555 = arith.select %lt3A_1089, %add3A_1549, %get3A_1475 : vector<16xi1>, vector<16xi32>
      %swap3A_1556 = arith.constant 66 : index
      %swap3A_1557 = tpu.vector_load %arg13[%swap3A_1556] {strides = array<i32>} : memref<160xi32, #tpu.memory_space<vmem>>, vector<16xi32>,
      %swap3A_1558 = vector.shape_cast %swap3A_1557 : vector<16xi32> to vector<16xi32>
      %swap3A_1559 = vector.shape_cast %select_n3A_1555 : vector<16xi32> to vector<16xi32>
      tpu.vector_store %arg13[%swap3A_1556], %swap3A_1559 {strides = array<i32>} : memref<160xi32, #tpu.memory_space<vmem>>, vector<16xi32>,
      %get3A_1560 = arith.index_cast %add3A_1087 : i32 to index
      %get3A_1561 = arith.constant 80 : index
      %get3A_1562 = tpu.vector_load %arg7[%get3A_1560, %get3A_1561] {strides = array<i32>} : memref<512x128xf32, #tpu.memory_space<vmem>>, vector<1x16xf32>,
      %get3A_1563 = vector.shape_cast %get3A_1562 : vector<1x16xf32> to vector<16xf32>
      %get3A_1564 = arith.constant 82 : index
      %get3A_1565 = tpu.vector_load %arg10[%get3A_1564] {strides = array<i32>} : memref<160xf32, #tpu.memory_space<vmem>>, vector<16xf32>,
      %get3A_1566 = vector.shape_cast %get3A_1565 : vector<16xf32> to vector<16xf32>
      %get3A_1567 = arith.constant 82 : index
      %get3A_1568 = tpu.vector_load %arg11[%get3A_1567] {strides = array<i32>} : memref<160xi32, #tpu.memory_space<vmem>>, vector<16xi32>,
      %get3A_1569 = vector.shape_cast %get3A_1568 : vector<16xi32> to vector<16xi32>
      %get3A_1570 = arith.constant 81 : index
      %get3A_1571 = tpu.vector_load %arg10[%get3A_1570] {strides = array<i32>} : memref<160xf32, #tpu.memory_space<vmem>>, vector<16xf32>,
      %get3A_1572 = vector.shape_cast %get3A_1571 : vector<16xf32> to vector<16xf32>
      %get3A_1573 = arith.constant 81 : index
      %get3A_1574 = tpu.vector_load %arg11[%get3A_1573] {strides = array<i32>} : memref<160xi32, #tpu.memory_space<vmem>>, vector<16xi32>,
      %get3A_1575 = vector.shape_cast %get3A_1574 : vector<16xi32> to vector<16xi32>
      %get3A_1576 = arith.constant 80 : index
      %get3A_1577 = tpu.vector_load %arg10[%get3A_1576] {strides = array<i32>} : memref<160xf32, #tpu.memory_space<vmem>>, vector<16xf32>,
      %get3A_1578 = vector.shape_cast %get3A_1577 : vector<16xf32> to vector<16xf32>
      %get3A_1579 = arith.constant 80 : index
      %get3A_1580 = tpu.vector_load %arg11[%get3A_1579] {strides = array<i32>} : memref<160xi32, #tpu.memory_space<vmem>>, vector<16xi32>,
      %get3A_1581 = vector.shape_cast %get3A_1580 : vector<16xi32> to vector<16xi32>
      %gt3A_1582 = arith.constant 0.000000e+00 : f32
      %gt3A_1583 = vector.broadcast %gt3A_1582 : f32 to vector<16xf32>
      %gt3A_1584 = arith.cmpf ogt, %get3A_213, %gt3A_1583 : vector<16xf32>
      %jit3A_1585 = arith.constant -268435456 : i32
      %broadcast_in_dim3A_1586 = vector.broadcast %jit3A_1585 : i32 to vector<16xi32>
      %select_n3A_1587 = arith.select %gt3A_1584, %get3A_1581, %broadcast_in_dim3A_1586 : vector<16xi1>, vector<16xi32>
      %max3A_1588 = arith.maxsi %get3A_1569, %get3A_1575 : vector<16xi32>
      %max3A_1589 = arith.maxsi %max3A_1588, %select_n3A_1587 : vector<16xi32>
      %sub3A_1590 = arith.subi %get3A_1569, %max3A_1589 : vector<16xi32>
      %add3A_1591 = arith.constant 127 : i32
      %add3A_1592 = vector.broadcast %add3A_1591 : i32 to vector<16xi32>
      %add3A_1593 = arith.addi %sub3A_1590, %add3A_1592 : vector<16xi32>
      %max3A_1594 = arith.constant 0 : i32
      %max3A_1595 = vector.broadcast %max3A_1594 : i32 to vector<16xi32>
      %max3A_1596 = arith.maxsi %add3A_1593, %max3A_1595 : vector<16xi32>
      %shift_left3A_1597 = arith.constant 23 : i32
      %shift_left3A_1598 = vector.broadcast %shift_left3A_1597 : i32 to vector<16xi32>
      %shift_left3A_1599 = arith.shli %max3A_1596, %shift_left3A_1598 : vector<16xi32>
      %bitcast_convert_type3A_1600 = tpu.bitcast %shift_left3A_1599 : vector<16xi32> -> vector<16xf32>
      %mul3A_1601 = arith.mulf %get3A_1566, %bitcast_convert_type3A_1600 : vector<16xf32>
      %sub3A_1602 = arith.subi %get3A_1575, %max3A_1589 : vector<16xi32>
      %add3A_1603 = arith.constant 127 : i32
      %add3A_1604 = vector.broadcast %add3A_1603 : i32 to vector<16xi32>
      %add3A_1605 = arith.addi %sub3A_1602, %add3A_1604 : vector<16xi32>
      %max3A_1606 = arith.constant 0 : i32
      %max3A_1607 = vector.broadcast %max3A_1606 : i32 to vector<16xi32>
      %max3A_1608 = arith.maxsi %add3A_1605, %max3A_1607 : vector<16xi32>
      %shift_left3A_1609 = arith.constant 23 : i32
      %shift_left3A_1610 = vector.broadcast %shift_left3A_1609 : i32 to vector<16xi32>
      %shift_left3A_1611 = arith.shli %max3A_1608, %shift_left3A_1610 : vector<16xi32>
      %bitcast_convert_type3A_1612 = tpu.bitcast %shift_left3A_1611 : vector<16xi32> -> vector<16xf32>
      %mul3A_1613 = arith.mulf %get3A_1572, %bitcast_convert_type3A_1612 : vector<16xf32>
      %add3A_1614 = arith.addf %mul3A_1601, %mul3A_1613 : vector<16xf32>
      %sub3A_1615 = arith.subi %select_n3A_1587, %max3A_1589 : vector<16xi32>
      %add3A_1616 = arith.constant 127 : i32
      %add3A_1617 = vector.broadcast %add3A_1616 : i32 to vector<16xi32>
      %add3A_1618 = arith.addi %sub3A_1615, %add3A_1617 : vector<16xi32>
      %max3A_1619 = arith.constant 0 : i32
      %max3A_1620 = vector.broadcast %max3A_1619 : i32 to vector<16xi32>
      %max3A_1621 = arith.maxsi %add3A_1618, %max3A_1620 : vector<16xi32>
      %shift_left3A_1622 = arith.constant 23 : i32
      %shift_left3A_1623 = vector.broadcast %shift_left3A_1622 : i32 to vector<16xi32>
      %shift_left3A_1624 = arith.shli %max3A_1621, %shift_left3A_1623 : vector<16xi32>
      %bitcast_convert_type3A_1625 = tpu.bitcast %shift_left3A_1624 : vector<16xi32> -> vector<16xf32>
      %mul3A_1626 = arith.mulf %get3A_1578, %bitcast_convert_type3A_1625 : vector<16xf32>
      %add3A_1627 = arith.addf %add3A_1614, %mul3A_1626 : vector<16xf32>
      %mul3A_1628 = arith.mulf %add3A_1627, %get3A_1563 : vector<16xf32>
      %bitcast_convert_type3A_1629 = tpu.bitcast %mul3A_1628 : vector<16xf32> -> vector<16xi32>
      %shift_right_logical3A_1630 = arith.constant 23 : i32
      %shift_right_logical3A_1631 = vector.broadcast %shift_right_logical3A_1630 : i32 to vector<16xi32>
      %shift_right_logical3A_1632 = arith.shrui %bitcast_convert_type3A_1629, %shift_right_logical3A_1631 : vector<16xi32>
      %and3A_1633 = arith.constant 8388607 : i32
      %and3A_1634 = vector.broadcast %and3A_1633 : i32 to vector<16xi32>
      %and3A_1635 = arith.andi %bitcast_convert_type3A_1629, %and3A_1634 : vector<16xi32>
      %or3A_1636 = arith.constant 1065353216 : i32
      %or3A_1637 = vector.broadcast %or3A_1636 : i32 to vector<16xi32>
      %or3A_1638 = arith.ori %and3A_1635, %or3A_1637 : vector<16xi32>
      %bitcast_convert_type3A_1639 = tpu.bitcast %or3A_1638 : vector<16xi32> -> vector<16xf32>
      %sub3A_1640 = arith.constant 127 : i32
      %sub3A_1641 = vector.broadcast %sub3A_1640 : i32 to vector<16xi32>
      %sub3A_1642 = arith.subi %shift_right_logical3A_1632, %sub3A_1641 : vector<16xi32>
      %add3A_1643 = arith.addi %max3A_1589, %sub3A_1642 : vector<16xi32>
      %select_n3A_1644 = arith.select %lt3A_1089, %bitcast_convert_type3A_1639, %get3A_1566 : vector<16xi1>, vector<16xf32>
      %swap3A_1645 = arith.constant 82 : index
      %swap3A_1646 = tpu.vector_load %arg12[%swap3A_1645] {strides = array<i32>} : memref<160xf32, #tpu.memory_space<vmem>>, vector<16xf32>,
      %swap3A_1647 = vector.shape_cast %swap3A_1646 : vector<16xf32> to vector<16xf32>
      %swap3A_1648 = vector.shape_cast %select_n3A_1644 : vector<16xf32> to vector<16xf32>
      tpu.vector_store %arg12[%swap3A_1645], %swap3A_1648 {strides = array<i32>} : memref<160xf32, #tpu.memory_space<vmem>>, vector<16xf32>,
      %select_n3A_1649 = arith.select %lt3A_1089, %add3A_1643, %get3A_1569 : vector<16xi1>, vector<16xi32>
      %swap3A_1650 = arith.constant 82 : index
      %swap3A_1651 = tpu.vector_load %arg13[%swap3A_1650] {strides = array<i32>} : memref<160xi32, #tpu.memory_space<vmem>>, vector<16xi32>,
      %swap3A_1652 = vector.shape_cast %swap3A_1651 : vector<16xi32> to vector<16xi32>
      %swap3A_1653 = vector.shape_cast %select_n3A_1649 : vector<16xi32> to vector<16xi32>
      tpu.vector_store %arg13[%swap3A_1650], %swap3A_1653 {strides = array<i32>} : memref<160xi32, #tpu.memory_space<vmem>>, vector<16xi32>,
      %get3A_1654 = arith.index_cast %add3A_1087 : i32 to index
      %get3A_1655 = arith.constant 96 : index
      %get3A_1656 = tpu.vector_load %arg7[%get3A_1654, %get3A_1655] {strides = array<i32>} : memref<512x128xf32, #tpu.memory_space<vmem>>, vector<1x16xf32>,
      %get3A_1657 = vector.shape_cast %get3A_1656 : vector<1x16xf32> to vector<16xf32>
      %get3A_1658 = arith.constant 98 : index
      %get3A_1659 = tpu.vector_load %arg10[%get3A_1658] {strides = array<i32>} : memref<160xf32, #tpu.memory_space<vmem>>, vector<16xf32>,
      %get3A_1660 = vector.shape_cast %get3A_1659 : vector<16xf32> to vector<16xf32>
      %get3A_1661 = arith.constant 98 : index
      %get3A_1662 = tpu.vector_load %arg11[%get3A_1661] {strides = array<i32>} : memref<160xi32, #tpu.memory_space<vmem>>, vector<16xi32>,
      %get3A_1663 = vector.shape_cast %get3A_1662 : vector<16xi32> to vector<16xi32>
      %get3A_1664 = arith.constant 97 : index
      %get3A_1665 = tpu.vector_load %arg10[%get3A_1664] {strides = array<i32>} : memref<160xf32, #tpu.memory_space<vmem>>, vector<16xf32>,
      %get3A_1666 = vector.shape_cast %get3A_1665 : vector<16xf32> to vector<16xf32>
      %get3A_1667 = arith.constant 97 : index
      %get3A_1668 = tpu.vector_load %arg11[%get3A_1667] {strides = array<i32>} : memref<160xi32, #tpu.memory_space<vmem>>, vector<16xi32>,
      %get3A_1669 = vector.shape_cast %get3A_1668 : vector<16xi32> to vector<16xi32>
      %get3A_1670 = arith.constant 96 : index
      %get3A_1671 = tpu.vector_load %arg10[%get3A_1670] {strides = array<i32>} : memref<160xf32, #tpu.memory_space<vmem>>, vector<16xf32>,
      %get3A_1672 = vector.shape_cast %get3A_1671 : vector<16xf32> to vector<16xf32>
      %get3A_1673 = arith.constant 96 : index
      %get3A_1674 = tpu.vector_load %arg11[%get3A_1673] {strides = array<i32>} : memref<160xi32, #tpu.memory_space<vmem>>, vector<16xi32>,
      %get3A_1675 = vector.shape_cast %get3A_1674 : vector<16xi32> to vector<16xi32>
      %gt3A_1676 = arith.constant 0.000000e+00 : f32
      %gt3A_1677 = vector.broadcast %gt3A_1676 : f32 to vector<16xf32>
      %gt3A_1678 = arith.cmpf ogt, %get3A_216, %gt3A_1677 : vector<16xf32>
      %jit3A_1679 = arith.constant -268435456 : i32
      %broadcast_in_dim3A_1680 = vector.broadcast %jit3A_1679 : i32 to vector<16xi32>
      %select_n3A_1681 = arith.select %gt3A_1678, %get3A_1675, %broadcast_in_dim3A_1680 : vector<16xi1>, vector<16xi32>
      %max3A_1682 = arith.maxsi %get3A_1663, %get3A_1669 : vector<16xi32>
      %max3A_1683 = arith.maxsi %max3A_1682, %select_n3A_1681 : vector<16xi32>
      %sub3A_1684 = arith.subi %get3A_1663, %max3A_1683 : vector<16xi32>
      %add3A_1685 = arith.constant 127 : i32
      %add3A_1686 = vector.broadcast %add3A_1685 : i32 to vector<16xi32>
      %add3A_1687 = arith.addi %sub3A_1684, %add3A_1686 : vector<16xi32>
      %max3A_1688 = arith.constant 0 : i32
      %max3A_1689 = vector.broadcast %max3A_1688 : i32 to vector<16xi32>
      %max3A_1690 = arith.maxsi %add3A_1687, %max3A_1689 : vector<16xi32>
      %shift_left3A_1691 = arith.constant 23 : i32
      %shift_left3A_1692 = vector.broadcast %shift_left3A_1691 : i32 to vector<16xi32>
      %shift_left3A_1693 = arith.shli %max3A_1690, %shift_left3A_1692 : vector<16xi32>
      %bitcast_convert_type3A_1694 = tpu.bitcast %shift_left3A_1693 : vector<16xi32> -> vector<16xf32>
      %mul3A_1695 = arith.mulf %get3A_1660, %bitcast_convert_type3A_1694 : vector<16xf32>
      %sub3A_1696 = arith.subi %get3A_1669, %max3A_1683 : vector<16xi32>
      %add3A_1697 = arith.constant 127 : i32
      %add3A_1698 = vector.broadcast %add3A_1697 : i32 to vector<16xi32>
      %add3A_1699 = arith.addi %sub3A_1696, %add3A_1698 : vector<16xi32>
      %max3A_1700 = arith.constant 0 : i32
      %max3A_1701 = vector.broadcast %max3A_1700 : i32 to vector<16xi32>
      %max3A_1702 = arith.maxsi %add3A_1699, %max3A_1701 : vector<16xi32>
      %shift_left3A_1703 = arith.constant 23 : i32
      %shift_left3A_1704 = vector.broadcast %shift_left3A_1703 : i32 to vector<16xi32>
      %shift_left3A_1705 = arith.shli %max3A_1702, %shift_left3A_1704 : vector<16xi32>
      %bitcast_convert_type3A_1706 = tpu.bitcast %shift_left3A_1705 : vector<16xi32> -> vector<16xf32>
      %mul3A_1707 = arith.mulf %get3A_1666, %bitcast_convert_type3A_1706 : vector<16xf32>
      %add3A_1708 = arith.addf %mul3A_1695, %mul3A_1707 : vector<16xf32>
      %sub3A_1709 = arith.subi %select_n3A_1681, %max3A_1683 : vector<16xi32>
      %add3A_1710 = arith.constant 127 : i32
      %add3A_1711 = vector.broadcast %add3A_1710 : i32 to vector<16xi32>
      %add3A_1712 = arith.addi %sub3A_1709, %add3A_1711 : vector<16xi32>
      %max3A_1713 = arith.constant 0 : i32
      %max3A_1714 = vector.broadcast %max3A_1713 : i32 to vector<16xi32>
      %max3A_1715 = arith.maxsi %add3A_1712, %max3A_1714 : vector<16xi32>
      %shift_left3A_1716 = arith.constant 23 : i32
      %shift_left3A_1717 = vector.broadcast %shift_left3A_1716 : i32 to vector<16xi32>
      %shift_left3A_1718 = arith.shli %max3A_1715, %shift_left3A_1717 : vector<16xi32>
      %bitcast_convert_type3A_1719 = tpu.bitcast %shift_left3A_1718 : vector<16xi32> -> vector<16xf32>
      %mul3A_1720 = arith.mulf %get3A_1672, %bitcast_convert_type3A_1719 : vector<16xf32>
      %add3A_1721 = arith.addf %add3A_1708, %mul3A_1720 : vector<16xf32>
      %mul3A_1722 = arith.mulf %add3A_1721, %get3A_1657 : vector<16xf32>
      %bitcast_convert_type3A_1723 = tpu.bitcast %mul3A_1722 : vector<16xf32> -> vector<16xi32>
      %shift_right_logical3A_1724 = arith.constant 23 : i32
      %shift_right_logical3A_1725 = vector.broadcast %shift_right_logical3A_1724 : i32 to vector<16xi32>
      %shift_right_logical3A_1726 = arith.shrui %bitcast_convert_type3A_1723, %shift_right_logical3A_1725 : vector<16xi32>
      %and3A_1727 = arith.constant 8388607 : i32
      %and3A_1728 = vector.broadcast %and3A_1727 : i32 to vector<16xi32>
      %and3A_1729 = arith.andi %bitcast_convert_type3A_1723, %and3A_1728 : vector<16xi32>
      %or3A_1730 = arith.constant 1065353216 : i32
      %or3A_1731 = vector.broadcast %or3A_1730 : i32 to vector<16xi32>
      %or3A_1732 = arith.ori %and3A_1729, %or3A_1731 : vector<16xi32>
      %bitcast_convert_type3A_1733 = tpu.bitcast %or3A_1732 : vector<16xi32> -> vector<16xf32>
      %sub3A_1734 = arith.constant 127 : i32
      %sub3A_1735 = vector.broadcast %sub3A_1734 : i32 to vector<16xi32>
      %sub3A_1736 = arith.subi %shift_right_logical3A_1726, %sub3A_1735 : vector<16xi32>
      %add3A_1737 = arith.addi %max3A_1683, %sub3A_1736 : vector<16xi32>
      %select_n3A_1738 = arith.select %lt3A_1089, %bitcast_convert_type3A_1733, %get3A_1660 : vector<16xi1>, vector<16xf32>
      %swap3A_1739 = arith.constant 98 : index
      %swap3A_1740 = tpu.vector_load %arg12[%swap3A_1739] {strides = array<i32>} : memref<160xf32, #tpu.memory_space<vmem>>, vector<16xf32>,
      %swap3A_1741 = vector.shape_cast %swap3A_1740 : vector<16xf32> to vector<16xf32>
      %swap3A_1742 = vector.shape_cast %select_n3A_1738 : vector<16xf32> to vector<16xf32>
      tpu.vector_store %arg12[%swap3A_1739], %swap3A_1742 {strides = array<i32>} : memref<160xf32, #tpu.memory_space<vmem>>, vector<16xf32>,
      %select_n3A_1743 = arith.select %lt3A_1089, %add3A_1737, %get3A_1663 : vector<16xi1>, vector<16xi32>
      %swap3A_1744 = arith.constant 98 : index
      %swap3A_1745 = tpu.vector_load %arg13[%swap3A_1744] {strides = array<i32>} : memref<160xi32, #tpu.memory_space<vmem>>, vector<16xi32>,
      %swap3A_1746 = vector.shape_cast %swap3A_1745 : vector<16xi32> to vector<16xi32>
      %swap3A_1747 = vector.shape_cast %select_n3A_1743 : vector<16xi32> to vector<16xi32>
      tpu.vector_store %arg13[%swap3A_1744], %swap3A_1747 {strides = array<i32>} : memref<160xi32, #tpu.memory_space<vmem>>, vector<16xi32>,
      %get3A_1748 = arith.index_cast %add3A_1087 : i32 to index
      %get3A_1749 = arith.constant 112 : index
      %get3A_1750 = tpu.vector_load %arg7[%get3A_1748, %get3A_1749] {strides = array<i32>} : memref<512x128xf32, #tpu.memory_space<vmem>>, vector<1x16xf32>,
      %get3A_1751 = vector.shape_cast %get3A_1750 : vector<1x16xf32> to vector<16xf32>
      %get3A_1752 = arith.constant 114 : index
      %get3A_1753 = tpu.vector_load %arg10[%get3A_1752] {strides = array<i32>} : memref<160xf32, #tpu.memory_space<vmem>>, vector<16xf32>,
      %get3A_1754 = vector.shape_cast %get3A_1753 : vector<16xf32> to vector<16xf32>
      %get3A_1755 = arith.constant 114 : index
      %get3A_1756 = tpu.vector_load %arg11[%get3A_1755] {strides = array<i32>} : memref<160xi32, #tpu.memory_space<vmem>>, vector<16xi32>,
      %get3A_1757 = vector.shape_cast %get3A_1756 : vector<16xi32> to vector<16xi32>
      %get3A_1758 = arith.constant 113 : index
      %get3A_1759 = tpu.vector_load %arg10[%get3A_1758] {strides = array<i32>} : memref<160xf32, #tpu.memory_space<vmem>>, vector<16xf32>,
      %get3A_1760 = vector.shape_cast %get3A_1759 : vector<16xf32> to vector<16xf32>
      %get3A_1761 = arith.constant 113 : index
      %get3A_1762 = tpu.vector_load %arg11[%get3A_1761] {strides = array<i32>} : memref<160xi32, #tpu.memory_space<vmem>>, vector<16xi32>,
      %get3A_1763 = vector.shape_cast %get3A_1762 : vector<16xi32> to vector<16xi32>
      %get3A_1764 = arith.constant 112 : index
      %get3A_1765 = tpu.vector_load %arg10[%get3A_1764] {strides = array<i32>} : memref<160xf32, #tpu.memory_space<vmem>>, vector<16xf32>,
      %get3A_1766 = vector.shape_cast %get3A_1765 : vector<16xf32> to vector<16xf32>
      %get3A_1767 = arith.constant 112 : index
      %get3A_1768 = tpu.vector_load %arg11[%get3A_1767] {strides = array<i32>} : memref<160xi32, #tpu.memory_space<vmem>>, vector<16xi32>,
      %get3A_1769 = vector.shape_cast %get3A_1768 : vector<16xi32> to vector<16xi32>
      %gt3A_1770 = arith.constant 0.000000e+00 : f32
      %gt3A_1771 = vector.broadcast %gt3A_1770 : f32 to vector<16xf32>
      %gt3A_1772 = arith.cmpf ogt, %get3A_219, %gt3A_1771 : vector<16xf32>
      %jit3A_1773 = arith.constant -268435456 : i32
      %broadcast_in_dim3A_1774 = vector.broadcast %jit3A_1773 : i32 to vector<16xi32>
      %select_n3A_1775 = arith.select %gt3A_1772, %get3A_1769, %broadcast_in_dim3A_1774 : vector<16xi1>, vector<16xi32>
      %max3A_1776 = arith.maxsi %get3A_1757, %get3A_1763 : vector<16xi32>
      %max3A_1777 = arith.maxsi %max3A_1776, %select_n3A_1775 : vector<16xi32>
      %sub3A_1778 = arith.subi %get3A_1757, %max3A_1777 : vector<16xi32>
      %add3A_1779 = arith.constant 127 : i32
      %add3A_1780 = vector.broadcast %add3A_1779 : i32 to vector<16xi32>
      %add3A_1781 = arith.addi %sub3A_1778, %add3A_1780 : vector<16xi32>
      %max3A_1782 = arith.constant 0 : i32
      %max3A_1783 = vector.broadcast %max3A_1782 : i32 to vector<16xi32>
      %max3A_1784 = arith.maxsi %add3A_1781, %max3A_1783 : vector<16xi32>
      %shift_left3A_1785 = arith.constant 23 : i32
      %shift_left3A_1786 = vector.broadcast %shift_left3A_1785 : i32 to vector<16xi32>
      %shift_left3A_1787 = arith.shli %max3A_1784, %shift_left3A_1786 : vector<16xi32>
      %bitcast_convert_type3A_1788 = tpu.bitcast %shift_left3A_1787 : vector<16xi32> -> vector<16xf32>
      %mul3A_1789 = arith.mulf %get3A_1754, %bitcast_convert_type3A_1788 : vector<16xf32>
      %sub3A_1790 = arith.subi %get3A_1763, %max3A_1777 : vector<16xi32>
      %add3A_1791 = arith.constant 127 : i32
      %add3A_1792 = vector.broadcast %add3A_1791 : i32 to vector<16xi32>
      %add3A_1793 = arith.addi %sub3A_1790, %add3A_1792 : vector<16xi32>
      %max3A_1794 = arith.constant 0 : i32
      %max3A_1795 = vector.broadcast %max3A_1794 : i32 to vector<16xi32>
      %max3A_1796 = arith.maxsi %add3A_1793, %max3A_1795 : vector<16xi32>
      %shift_left3A_1797 = arith.constant 23 : i32
      %shift_left3A_1798 = vector.broadcast %shift_left3A_1797 : i32 to vector<16xi32>
      %shift_left3A_1799 = arith.shli %max3A_1796, %shift_left3A_1798 : vector<16xi32>
      %bitcast_convert_type3A_1800 = tpu.bitcast %shift_left3A_1799 : vector<16xi32> -> vector<16xf32>
      %mul3A_1801 = arith.mulf %get3A_1760, %bitcast_convert_type3A_1800 : vector<16xf32>
      %add3A_1802 = arith.addf %mul3A_1789, %mul3A_1801 : vector<16xf32>
      %sub3A_1803 = arith.subi %select_n3A_1775, %max3A_1777 : vector<16xi32>
      %add3A_1804 = arith.constant 127 : i32
      %add3A_1805 = vector.broadcast %add3A_1804 : i32 to vector<16xi32>
      %add3A_1806 = arith.addi %sub3A_1803, %add3A_1805 : vector<16xi32>
      %max3A_1807 = arith.constant 0 : i32
      %max3A_1808 = vector.broadcast %max3A_1807 : i32 to vector<16xi32>
      %max3A_1809 = arith.maxsi %add3A_1806, %max3A_1808 : vector<16xi32>
      %shift_left3A_1810 = arith.constant 23 : i32
      %shift_left3A_1811 = vector.broadcast %shift_left3A_1810 : i32 to vector<16xi32>
      %shift_left3A_1812 = arith.shli %max3A_1809, %shift_left3A_1811 : vector<16xi32>
      %bitcast_convert_type3A_1813 = tpu.bitcast %shift_left3A_1812 : vector<16xi32> -> vector<16xf32>
      %mul3A_1814 = arith.mulf %get3A_1766, %bitcast_convert_type3A_1813 : vector<16xf32>
      %add3A_1815 = arith.addf %add3A_1802, %mul3A_1814 : vector<16xf32>
      %mul3A_1816 = arith.mulf %add3A_1815, %get3A_1751 : vector<16xf32>
      %bitcast_convert_type3A_1817 = tpu.bitcast %mul3A_1816 : vector<16xf32> -> vector<16xi32>
      %shift_right_logical3A_1818 = arith.constant 23 : i32
      %shift_right_logical3A_1819 = vector.broadcast %shift_right_logical3A_1818 : i32 to vector<16xi32>
      %shift_right_logical3A_1820 = arith.shrui %bitcast_convert_type3A_1817, %shift_right_logical3A_1819 : vector<16xi32>
      %and3A_1821 = arith.constant 8388607 : i32
      %and3A_1822 = vector.broadcast %and3A_1821 : i32 to vector<16xi32>
      %and3A_1823 = arith.andi %bitcast_convert_type3A_1817, %and3A_1822 : vector<16xi32>
      %or3A_1824 = arith.constant 1065353216 : i32
      %or3A_1825 = vector.broadcast %or3A_1824 : i32 to vector<16xi32>
      %or3A_1826 = arith.ori %and3A_1823, %or3A_1825 : vector<16xi32>
      %bitcast_convert_type3A_1827 = tpu.bitcast %or3A_1826 : vector<16xi32> -> vector<16xf32>
      %sub3A_1828 = arith.constant 127 : i32
      %sub3A_1829 = vector.broadcast %sub3A_1828 : i32 to vector<16xi32>
      %sub3A_1830 = arith.subi %shift_right_logical3A_1820, %sub3A_1829 : vector<16xi32>
      %add3A_1831 = arith.addi %max3A_1777, %sub3A_1830 : vector<16xi32>
      %select_n3A_1832 = arith.select %lt3A_1089, %bitcast_convert_type3A_1827, %get3A_1754 : vector<16xi1>, vector<16xf32>
      %swap3A_1833 = arith.constant 114 : index
      %swap3A_1834 = tpu.vector_load %arg12[%swap3A_1833] {strides = array<i32>} : memref<160xf32, #tpu.memory_space<vmem>>, vector<16xf32>,
      %swap3A_1835 = vector.shape_cast %swap3A_1834 : vector<16xf32> to vector<16xf32>
      %swap3A_1836 = vector.shape_cast %select_n3A_1832 : vector<16xf32> to vector<16xf32>
      tpu.vector_store %arg12[%swap3A_1833], %swap3A_1836 {strides = array<i32>} : memref<160xf32, #tpu.memory_space<vmem>>, vector<16xf32>,
      %select_n3A_1837 = arith.select %lt3A_1089, %add3A_1831, %get3A_1757 : vector<16xi1>, vector<16xi32>
      %swap3A_1838 = arith.constant 114 : index
      %swap3A_1839 = tpu.vector_load %arg13[%swap3A_1838] {strides = array<i32>} : memref<160xi32, #tpu.memory_space<vmem>>, vector<16xi32>,
      %swap3A_1840 = vector.shape_cast %swap3A_1839 : vector<16xi32> to vector<16xi32>
      %swap3A_1841 = vector.shape_cast %select_n3A_1837 : vector<16xi32> to vector<16xi32>
      tpu.vector_store %arg13[%swap3A_1838], %swap3A_1841 {strides = array<i32>} : memref<160xi32, #tpu.memory_space<vmem>>, vector<16xi32>,
      %get3A_1842 = arith.index_cast %add3A_1087 : i32 to index
      %get3A_1843 = arith.constant 112 : index
      %get3A_1844 = tpu.vector_load %arg7[%get3A_1842, %get3A_1843] {strides = array<i32>} : memref<512x128xf32, #tpu.memory_space<vmem>>, vector<1x16xf32>,
      %get3A_1845 = vector.shape_cast %get3A_1844 : vector<1x16xf32> to vector<16xf32>
      %get3A_1846 = arith.constant 130 : index
      %get3A_1847 = tpu.vector_load %arg10[%get3A_1846] {strides = array<i32>} : memref<160xf32, #tpu.memory_space<vmem>>, vector<16xf32>,
      %get3A_1848 = vector.shape_cast %get3A_1847 : vector<16xf32> to vector<16xf32>
      %get3A_1849 = arith.constant 130 : index
      %get3A_1850 = tpu.vector_load %arg11[%get3A_1849] {strides = array<i32>} : memref<160xi32, #tpu.memory_space<vmem>>, vector<16xi32>,
      %get3A_1851 = vector.shape_cast %get3A_1850 : vector<16xi32> to vector<16xi32>
      %get3A_1852 = arith.constant 129 : index
      %get3A_1853 = tpu.vector_load %arg10[%get3A_1852] {strides = array<i32>} : memref<160xf32, #tpu.memory_space<vmem>>, vector<16xf32>,
      %get3A_1854 = vector.shape_cast %get3A_1853 : vector<16xf32> to vector<16xf32>
      %get3A_1855 = arith.constant 129 : index
      %get3A_1856 = tpu.vector_load %arg11[%get3A_1855] {strides = array<i32>} : memref<160xi32, #tpu.memory_space<vmem>>, vector<16xi32>,
      %get3A_1857 = vector.shape_cast %get3A_1856 : vector<16xi32> to vector<16xi32>
      %get3A_1858 = arith.constant 128 : index
      %get3A_1859 = tpu.vector_load %arg10[%get3A_1858] {strides = array<i32>} : memref<160xf32, #tpu.memory_space<vmem>>, vector<16xf32>,
      %get3A_1860 = vector.shape_cast %get3A_1859 : vector<16xf32> to vector<16xf32>
      %get3A_1861 = arith.constant 128 : index
      %get3A_1862 = tpu.vector_load %arg11[%get3A_1861] {strides = array<i32>} : memref<160xi32, #tpu.memory_space<vmem>>, vector<16xi32>,
      %get3A_1863 = vector.shape_cast %get3A_1862 : vector<16xi32> to vector<16xi32>
      %gt3A_1864 = arith.constant 0.000000e+00 : f32
      %gt3A_1865 = vector.broadcast %gt3A_1864 : f32 to vector<16xf32>
      %gt3A_1866 = arith.cmpf ogt, %get3A_222, %gt3A_1865 : vector<16xf32>
      %jit3A_1867 = arith.constant -268435456 : i32
      %broadcast_in_dim3A_1868 = vector.broadcast %jit3A_1867 : i32 to vector<16xi32>
      %select_n3A_1869 = arith.select %gt3A_1866, %get3A_1863, %broadcast_in_dim3A_1868 : vector<16xi1>, vector<16xi32>
      %max3A_1870 = arith.maxsi %get3A_1851, %get3A_1857 : vector<16xi32>
      %max3A_1871 = arith.maxsi %max3A_1870, %select_n3A_1869 : vector<16xi32>
      %sub3A_1872 = arith.subi %get3A_1851, %max3A_1871 : vector<16xi32>
      %add3A_1873 = arith.constant 127 : i32
      %add3A_1874 = vector.broadcast %add3A_1873 : i32 to vector<16xi32>
      %add3A_1875 = arith.addi %sub3A_1872, %add3A_1874 : vector<16xi32>
      %max3A_1876 = arith.constant 0 : i32
      %max3A_1877 = vector.broadcast %max3A_1876 : i32 to vector<16xi32>
      %max3A_1878 = arith.maxsi %add3A_1875, %max3A_1877 : vector<16xi32>
      %shift_left3A_1879 = arith.constant 23 : i32
      %shift_left3A_1880 = vector.broadcast %shift_left3A_1879 : i32 to vector<16xi32>
      %shift_left3A_1881 = arith.shli %max3A_1878, %shift_left3A_1880 : vector<16xi32>
      %bitcast_convert_type3A_1882 = tpu.bitcast %shift_left3A_1881 : vector<16xi32> -> vector<16xf32>
      %mul3A_1883 = arith.mulf %get3A_1848, %bitcast_convert_type3A_1882 : vector<16xf32>
      %sub3A_1884 = arith.subi %get3A_1857, %max3A_1871 : vector<16xi32>
      %add3A_1885 = arith.constant 127 : i32
      %add3A_1886 = vector.broadcast %add3A_1885 : i32 to vector<16xi32>
      %add3A_1887 = arith.addi %sub3A_1884, %add3A_1886 : vector<16xi32>
      %max3A_1888 = arith.constant 0 : i32
      %max3A_1889 = vector.broadcast %max3A_1888 : i32 to vector<16xi32>
      %max3A_1890 = arith.maxsi %add3A_1887, %max3A_1889 : vector<16xi32>
      %shift_left3A_1891 = arith.constant 23 : i32
      %shift_left3A_1892 = vector.broadcast %shift_left3A_1891 : i32 to vector<16xi32>
      %shift_left3A_1893 = arith.shli %max3A_1890, %shift_left3A_1892 : vector<16xi32>
      %bitcast_convert_type3A_1894 = tpu.bitcast %shift_left3A_1893 : vector<16xi32> -> vector<16xf32>
      %mul3A_1895 = arith.mulf %get3A_1854, %bitcast_convert_type3A_1894 : vector<16xf32>
      %add3A_1896 = arith.addf %mul3A_1883, %mul3A_1895 : vector<16xf32>
      %sub3A_1897 = arith.subi %select_n3A_1869, %max3A_1871 : vector<16xi32>
      %add3A_1898 = arith.constant 127 : i32
      %add3A_1899 = vector.broadcast %add3A_1898 : i32 to vector<16xi32>
      %add3A_1900 = arith.addi %sub3A_1897, %add3A_1899 : vector<16xi32>
      %max3A_1901 = arith.constant 0 : i32
      %max3A_1902 = vector.broadcast %max3A_1901 : i32 to vector<16xi32>
      %max3A_1903 = arith.maxsi %add3A_1900, %max3A_1902 : vector<16xi32>
      %shift_left3A_1904 = arith.constant 23 : i32
      %shift_left3A_1905 = vector.broadcast %shift_left3A_1904 : i32 to vector<16xi32>
      %shift_left3A_1906 = arith.shli %max3A_1903, %shift_left3A_1905 : vector<16xi32>
      %bitcast_convert_type3A_1907 = tpu.bitcast %shift_left3A_1906 : vector<16xi32> -> vector<16xf32>
      %mul3A_1908 = arith.mulf %get3A_1860, %bitcast_convert_type3A_1907 : vector<16xf32>
      %add3A_1909 = arith.addf %add3A_1896, %mul3A_1908 : vector<16xf32>
      %mul3A_1910 = arith.mulf %add3A_1909, %get3A_1845 : vector<16xf32>
      %bitcast_convert_type3A_1911 = tpu.bitcast %mul3A_1910 : vector<16xf32> -> vector<16xi32>
      %shift_right_logical3A_1912 = arith.constant 23 : i32
      %shift_right_logical3A_1913 = vector.broadcast %shift_right_logical3A_1912 : i32 to vector<16xi32>
      %shift_right_logical3A_1914 = arith.shrui %bitcast_convert_type3A_1911, %shift_right_logical3A_1913 : vector<16xi32>
      %and3A_1915 = arith.constant 8388607 : i32
      %and3A_1916 = vector.broadcast %and3A_1915 : i32 to vector<16xi32>
      %and3A_1917 = arith.andi %bitcast_convert_type3A_1911, %and3A_1916 : vector<16xi32>
      %or3A_1918 = arith.constant 1065353216 : i32
      %or3A_1919 = vector.broadcast %or3A_1918 : i32 to vector<16xi32>
      %or3A_1920 = arith.ori %and3A_1917, %or3A_1919 : vector<16xi32>
      %bitcast_convert_type3A_1921 = tpu.bitcast %or3A_1920 : vector<16xi32> -> vector<16xf32>
      %sub3A_1922 = arith.constant 127 : i32
      %sub3A_1923 = vector.broadcast %sub3A_1922 : i32 to vector<16xi32>
      %sub3A_1924 = arith.subi %shift_right_logical3A_1914, %sub3A_1923 : vector<16xi32>
      %add3A_1925 = arith.addi %max3A_1871, %sub3A_1924 : vector<16xi32>
      %select_n3A_1926 = arith.select %lt3A_1089, %bitcast_convert_type3A_1921, %get3A_1848 : vector<16xi1>, vector<16xf32>
      %swap3A_1927 = arith.constant 130 : index
      %swap3A_1928 = tpu.vector_load %arg12[%swap3A_1927] {strides = array<i32>} : memref<160xf32, #tpu.memory_space<vmem>>, vector<16xf32>,
      %swap3A_1929 = vector.shape_cast %swap3A_1928 : vector<16xf32> to vector<16xf32>
      %swap3A_1930 = vector.shape_cast %select_n3A_1926 : vector<16xf32> to vector<16xf32>
      tpu.vector_store %arg12[%swap3A_1927], %swap3A_1930 {strides = array<i32>} : memref<160xf32, #tpu.memory_space<vmem>>, vector<16xf32>,
      %select_n3A_1931 = arith.select %lt3A_1089, %add3A_1925, %get3A_1851 : vector<16xi1>, vector<16xi32>
      %swap3A_1932 = arith.constant 130 : index
      %swap3A_1933 = tpu.vector_load %arg13[%swap3A_1932] {strides = array<i32>} : memref<160xi32, #tpu.memory_space<vmem>>, vector<16xi32>,
      %swap3A_1934 = vector.shape_cast %swap3A_1933 : vector<16xi32> to vector<16xi32>
      %swap3A_1935 = vector.shape_cast %select_n3A_1931 : vector<16xi32> to vector<16xi32>
      tpu.vector_store %arg13[%swap3A_1932], %swap3A_1935 {strides = array<i32>} : memref<160xi32, #tpu.memory_space<vmem>>, vector<16xi32>,
      %mul3A_1936 = arith.constant 2 : i32
      %mul3A_1937 = arith.muli %mul3A_1936, %scan3A_1083 : i32
      %add3A_1938 = arith.constant 2 : i32
      %add3A_1939 = arith.addi %add3A_1938, %mul3A_1937 : i32
      %broadcast_in_dim3A_1940 = vector.broadcast %add3A_1939 : i32 to vector<16xi32>
      %lt3A_1941 = arith.cmpi slt, %broadcast_in_dim3A_1940, %get3A_195 : vector<16xi32>
      %get3A_1942 = arith.index_cast %add3A_1939 : i32 to index
      %get3A_1943 = arith.constant 0 : index
      %get3A_1944 = tpu.vector_load %arg7[%get3A_1942, %get3A_1943] {strides = array<i32>} : memref<512x128xf32, #tpu.memory_space<vmem>>, vector<1x16xf32>,
      %get3A_1945 = vector.shape_cast %get3A_1944 : vector<1x16xf32> to vector<16xf32>
      %get3A_1946 = arith.constant 2 : index
      %get3A_1947 = tpu.vector_load %arg12[%get3A_1946] {strides = array<i32>} : memref<160xf32, #tpu.memory_space<vmem>>, vector<16xf32>,
      %get3A_1948 = vector.shape_cast %get3A_1947 : vector<16xf32> to vector<16xf32>
      %get3A_1949 = arith.constant 2 : index
      %get3A_1950 = tpu.vector_load %arg13[%get3A_1949] {strides = array<i32>} : memref<160xi32, #tpu.memory_space<vmem>>, vector<16xi32>,
      %get3A_1951 = vector.shape_cast %get3A_1950 : vector<16xi32> to vector<16xi32>
      %get3A_1952 = arith.constant 1 : index
      %get3A_1953 = tpu.vector_load %arg12[%get3A_1952] {strides = array<i32>} : memref<160xf32, #tpu.memory_space<vmem>>, vector<16xf32>,
      %get3A_1954 = vector.shape_cast %get3A_1953 : vector<16xf32> to vector<16xf32>
      %get3A_1955 = arith.constant 1 : index
      %get3A_1956 = tpu.vector_load %arg13[%get3A_1955] {strides = array<i32>} : memref<160xi32, #tpu.memory_space<vmem>>, vector<16xi32>,
      %get3A_1957 = vector.shape_cast %get3A_1956 : vector<16xi32> to vector<16xi32>
      %get3A_1958 = arith.constant 0 : index
      %get3A_1959 = tpu.vector_load %arg12[%get3A_1958] {strides = array<i32>} : memref<160xf32, #tpu.memory_space<vmem>>, vector<16xf32>,
      %get3A_1960 = vector.shape_cast %get3A_1959 : vector<16xf32> to vector<16xf32>
      %get3A_1961 = arith.constant 0 : index
      %get3A_1962 = tpu.vector_load %arg13[%get3A_1961] {strides = array<i32>} : memref<160xi32, #tpu.memory_space<vmem>>, vector<16xi32>,
      %get3A_1963 = vector.shape_cast %get3A_1962 : vector<16xi32> to vector<16xi32>
      %gt3A_1964 = arith.constant 0.000000e+00 : f32
      %gt3A_1965 = vector.broadcast %gt3A_1964 : f32 to vector<16xf32>
      %gt3A_1966 = arith.cmpf ogt, %get3A_198, %gt3A_1965 : vector<16xf32>
      %jit3A_1967 = arith.constant -268435456 : i32
      %broadcast_in_dim3A_1968 = vector.broadcast %jit3A_1967 : i32 to vector<16xi32>
      %select_n3A_1969 = arith.select %gt3A_1966, %get3A_1963, %broadcast_in_dim3A_1968 : vector<16xi1>, vector<16xi32>
      %max3A_1970 = arith.maxsi %get3A_1951, %get3A_1957 : vector<16xi32>
      %max3A_1971 = arith.maxsi %max3A_1970, %select_n3A_1969 : vector<16xi32>
      %sub3A_1972 = arith.subi %get3A_1951, %max3A_1971 : vector<16xi32>
      %add3A_1973 = arith.constant 127 : i32
      %add3A_1974 = vector.broadcast %add3A_1973 : i32 to vector<16xi32>
      %add3A_1975 = arith.addi %sub3A_1972, %add3A_1974 : vector<16xi32>
      %max3A_1976 = arith.constant 0 : i32
      %max3A_1977 = vector.broadcast %max3A_1976 : i32 to vector<16xi32>
      %max3A_1978 = arith.maxsi %add3A_1975, %max3A_1977 : vector<16xi32>
      %shift_left3A_1979 = arith.constant 23 : i32
      %shift_left3A_1980 = vector.broadcast %shift_left3A_1979 : i32 to vector<16xi32>
      %shift_left3A_1981 = arith.shli %max3A_1978, %shift_left3A_1980 : vector<16xi32>
      %bitcast_convert_type3A_1982 = tpu.bitcast %shift_left3A_1981 : vector<16xi32> -> vector<16xf32>
      %mul3A_1983 = arith.mulf %get3A_1948, %bitcast_convert_type3A_1982 : vector<16xf32>
      %sub3A_1984 = arith.subi %get3A_1957, %max3A_1971 : vector<16xi32>
      %add3A_1985 = arith.constant 127 : i32
      %add3A_1986 = vector.broadcast %add3A_1985 : i32 to vector<16xi32>
      %add3A_1987 = arith.addi %sub3A_1984, %add3A_1986 : vector<16xi32>
      %max3A_1988 = arith.constant 0 : i32
      %max3A_1989 = vector.broadcast %max3A_1988 : i32 to vector<16xi32>
      %max3A_1990 = arith.maxsi %add3A_1987, %max3A_1989 : vector<16xi32>
      %shift_left3A_1991 = arith.constant 23 : i32
      %shift_left3A_1992 = vector.broadcast %shift_left3A_1991 : i32 to vector<16xi32>
      %shift_left3A_1993 = arith.shli %max3A_1990, %shift_left3A_1992 : vector<16xi32>
      %bitcast_convert_type3A_1994 = tpu.bitcast %shift_left3A_1993 : vector<16xi32> -> vector<16xf32>
      %mul3A_1995 = arith.mulf %get3A_1954, %bitcast_convert_type3A_1994 : vector<16xf32>
      %add3A_1996 = arith.addf %mul3A_1983, %mul3A_1995 : vector<16xf32>
      %sub3A_1997 = arith.subi %select_n3A_1969, %max3A_1971 : vector<16xi32>
      %add3A_1998 = arith.constant 127 : i32
      %add3A_1999 = vector.broadcast %add3A_1998 : i32 to vector<16xi32>
      %add3A_2000 = arith.addi %sub3A_1997, %add3A_1999 : vector<16xi32>
      %max3A_2001 = arith.constant 0 : i32
      %max3A_2002 = vector.broadcast %max3A_2001 : i32 to vector<16xi32>
      %max3A_2003 = arith.maxsi %add3A_2000, %max3A_2002 : vector<16xi32>
      %shift_left3A_2004 = arith.constant 23 : i32
      %shift_left3A_2005 = vector.broadcast %shift_left3A_2004 : i32 to vector<16xi32>
      %shift_left3A_2006 = arith.shli %max3A_2003, %shift_left3A_2005 : vector<16xi32>
      %bitcast_convert_type3A_2007 = tpu.bitcast %shift_left3A_2006 : vector<16xi32> -> vector<16xf32>
      %mul3A_2008 = arith.mulf %get3A_1960, %bitcast_convert_type3A_2007 : vector<16xf32>
      %add3A_2009 = arith.addf %add3A_1996, %mul3A_2008 : vector<16xf32>
      %mul3A_2010 = arith.mulf %add3A_2009, %get3A_1945 : vector<16xf32>
      %bitcast_convert_type3A_2011 = tpu.bitcast %mul3A_2010 : vector<16xf32> -> vector<16xi32>
      %shift_right_logical3A_2012 = arith.constant 23 : i32
      %shift_right_logical3A_2013 = vector.broadcast %shift_right_logical3A_2012 : i32 to vector<16xi32>
      %shift_right_logical3A_2014 = arith.shrui %bitcast_convert_type3A_2011, %shift_right_logical3A_2013 : vector<16xi32>
      %and3A_2015 = arith.constant 8388607 : i32
      %and3A_2016 = vector.broadcast %and3A_2015 : i32 to vector<16xi32>
      %and3A_2017 = arith.andi %bitcast_convert_type3A_2011, %and3A_2016 : vector<16xi32>
      %or3A_2018 = arith.constant 1065353216 : i32
      %or3A_2019 = vector.broadcast %or3A_2018 : i32 to vector<16xi32>
      %or3A_2020 = arith.ori %and3A_2017, %or3A_2019 : vector<16xi32>
      %bitcast_convert_type3A_2021 = tpu.bitcast %or3A_2020 : vector<16xi32> -> vector<16xf32>
      %sub3A_2022 = arith.constant 127 : i32
      %sub3A_2023 = vector.broadcast %sub3A_2022 : i32 to vector<16xi32>
      %sub3A_2024 = arith.subi %shift_right_logical3A_2014, %sub3A_2023 : vector<16xi32>
      %add3A_2025 = arith.addi %max3A_1971, %sub3A_2024 : vector<16xi32>
      %select_n3A_2026 = arith.select %lt3A_1941, %bitcast_convert_type3A_2021, %get3A_1948 : vector<16xi1>, vector<16xf32>
      %swap3A_2027 = arith.constant 2 : index
      %swap3A_2028 = tpu.vector_load %arg10[%swap3A_2027] {strides = array<i32>} : memref<160xf32, #tpu.memory_space<vmem>>, vector<16xf32>,
      %swap3A_2029 = vector.shape_cast %swap3A_2028 : vector<16xf32> to vector<16xf32>
      %swap3A_2030 = vector.shape_cast %select_n3A_2026 : vector<16xf32> to vector<16xf32>
      tpu.vector_store %arg10[%swap3A_2027], %swap3A_2030 {strides = array<i32>} : memref<160xf32, #tpu.memory_space<vmem>>, vector<16xf32>,
      %select_n3A_2031 = arith.select %lt3A_1941, %add3A_2025, %get3A_1951 : vector<16xi1>, vector<16xi32>
      %swap3A_2032 = arith.constant 2 : index
      %swap3A_2033 = tpu.vector_load %arg11[%swap3A_2032] {strides = array<i32>} : memref<160xi32, #tpu.memory_space<vmem>>, vector<16xi32>,
      %swap3A_2034 = vector.shape_cast %swap3A_2033 : vector<16xi32> to vector<16xi32>
      %swap3A_2035 = vector.shape_cast %select_n3A_2031 : vector<16xi32> to vector<16xi32>
      tpu.vector_store %arg11[%swap3A_2032], %swap3A_2035 {strides = array<i32>} : memref<160xi32, #tpu.memory_space<vmem>>, vector<16xi32>,
      %get3A_2036 = arith.index_cast %add3A_1939 : i32 to index
      %get3A_2037 = arith.constant 16 : index
      %get3A_2038 = tpu.vector_load %arg7[%get3A_2036, %get3A_2037] {strides = array<i32>} : memref<512x128xf32, #tpu.memory_space<vmem>>, vector<1x16xf32>,
      %get3A_2039 = vector.shape_cast %get3A_2038 : vector<1x16xf32> to vector<16xf32>
      %get3A_2040 = arith.constant 18 : index
      %get3A_2041 = tpu.vector_load %arg12[%get3A_2040] {strides = array<i32>} : memref<160xf32, #tpu.memory_space<vmem>>, vector<16xf32>,
      %get3A_2042 = vector.shape_cast %get3A_2041 : vector<16xf32> to vector<16xf32>
      %get3A_2043 = arith.constant 18 : index
      %get3A_2044 = tpu.vector_load %arg13[%get3A_2043] {strides = array<i32>} : memref<160xi32, #tpu.memory_space<vmem>>, vector<16xi32>,
      %get3A_2045 = vector.shape_cast %get3A_2044 : vector<16xi32> to vector<16xi32>
      %get3A_2046 = arith.constant 17 : index
      %get3A_2047 = tpu.vector_load %arg12[%get3A_2046] {strides = array<i32>} : memref<160xf32, #tpu.memory_space<vmem>>, vector<16xf32>,
      %get3A_2048 = vector.shape_cast %get3A_2047 : vector<16xf32> to vector<16xf32>
      %get3A_2049 = arith.constant 17 : index
      %get3A_2050 = tpu.vector_load %arg13[%get3A_2049] {strides = array<i32>} : memref<160xi32, #tpu.memory_space<vmem>>, vector<16xi32>,
      %get3A_2051 = vector.shape_cast %get3A_2050 : vector<16xi32> to vector<16xi32>
      %get3A_2052 = arith.constant 16 : index
      %get3A_2053 = tpu.vector_load %arg12[%get3A_2052] {strides = array<i32>} : memref<160xf32, #tpu.memory_space<vmem>>, vector<16xf32>,
      %get3A_2054 = vector.shape_cast %get3A_2053 : vector<16xf32> to vector<16xf32>
      %get3A_2055 = arith.constant 16 : index
      %get3A_2056 = tpu.vector_load %arg13[%get3A_2055] {strides = array<i32>} : memref<160xi32, #tpu.memory_space<vmem>>, vector<16xi32>,
      %get3A_2057 = vector.shape_cast %get3A_2056 : vector<16xi32> to vector<16xi32>
      %gt3A_2058 = arith.constant 0.000000e+00 : f32
      %gt3A_2059 = vector.broadcast %gt3A_2058 : f32 to vector<16xf32>
      %gt3A_2060 = arith.cmpf ogt, %get3A_201, %gt3A_2059 : vector<16xf32>
      %jit3A_2061 = arith.constant -268435456 : i32
      %broadcast_in_dim3A_2062 = vector.broadcast %jit3A_2061 : i32 to vector<16xi32>
      %select_n3A_2063 = arith.select %gt3A_2060, %get3A_2057, %broadcast_in_dim3A_2062 : vector<16xi1>, vector<16xi32>
      %max3A_2064 = arith.maxsi %get3A_2045, %get3A_2051 : vector<16xi32>
      %max3A_2065 = arith.maxsi %max3A_2064, %select_n3A_2063 : vector<16xi32>
      %sub3A_2066 = arith.subi %get3A_2045, %max3A_2065 : vector<16xi32>
      %add3A_2067 = arith.constant 127 : i32
      %add3A_2068 = vector.broadcast %add3A_2067 : i32 to vector<16xi32>
      %add3A_2069 = arith.addi %sub3A_2066, %add3A_2068 : vector<16xi32>
      %max3A_2070 = arith.constant 0 : i32
      %max3A_2071 = vector.broadcast %max3A_2070 : i32 to vector<16xi32>
      %max3A_2072 = arith.maxsi %add3A_2069, %max3A_2071 : vector<16xi32>
      %shift_left3A_2073 = arith.constant 23 : i32
      %shift_left3A_2074 = vector.broadcast %shift_left3A_2073 : i32 to vector<16xi32>
      %shift_left3A_2075 = arith.shli %max3A_2072, %shift_left3A_2074 : vector<16xi32>
      %bitcast_convert_type3A_2076 = tpu.bitcast %shift_left3A_2075 : vector<16xi32> -> vector<16xf32>
      %mul3A_2077 = arith.mulf %get3A_2042, %bitcast_convert_type3A_2076 : vector<16xf32>
      %sub3A_2078 = arith.subi %get3A_2051, %max3A_2065 : vector<16xi32>
      %add3A_2079 = arith.constant 127 : i32
      %add3A_2080 = vector.broadcast %add3A_2079 : i32 to vector<16xi32>
      %add3A_2081 = arith.addi %sub3A_2078, %add3A_2080 : vector<16xi32>
      %max3A_2082 = arith.constant 0 : i32
      %max3A_2083 = vector.broadcast %max3A_2082 : i32 to vector<16xi32>
      %max3A_2084 = arith.maxsi %add3A_2081, %max3A_2083 : vector<16xi32>
      %shift_left3A_2085 = arith.constant 23 : i32
      %shift_left3A_2086 = vector.broadcast %shift_left3A_2085 : i32 to vector<16xi32>
      %shift_left3A_2087 = arith.shli %max3A_2084, %shift_left3A_2086 : vector<16xi32>
      %bitcast_convert_type3A_2088 = tpu.bitcast %shift_left3A_2087 : vector<16xi32> -> vector<16xf32>
      %mul3A_2089 = arith.mulf %get3A_2048, %bitcast_convert_type3A_2088 : vector<16xf32>
      %add3A_2090 = arith.addf %mul3A_2077, %mul3A_2089 : vector<16xf32>
      %sub3A_2091 = arith.subi %select_n3A_2063, %max3A_2065 : vector<16xi32>
      %add3A_2092 = arith.constant 127 : i32
      %add3A_2093 = vector.broadcast %add3A_2092 : i32 to vector<16xi32>
      %add3A_2094 = arith.addi %sub3A_2091, %add3A_2093 : vector<16xi32>
      %max3A_2095 = arith.constant 0 : i32
      %max3A_2096 = vector.broadcast %max3A_2095 : i32 to vector<16xi32>
      %max3A_2097 = arith.maxsi %add3A_2094, %max3A_2096 : vector<16xi32>
      %shift_left3A_2098 = arith.constant 23 : i32
      %shift_left3A_2099 = vector.broadcast %shift_left3A_2098 : i32 to vector<16xi32>
      %shift_left3A_2100 = arith.shli %max3A_2097, %shift_left3A_2099 : vector<16xi32>
      %bitcast_convert_type3A_2101 = tpu.bitcast %shift_left3A_2100 : vector<16xi32> -> vector<16xf32>
      %mul3A_2102 = arith.mulf %get3A_2054, %bitcast_convert_type3A_2101 : vector<16xf32>
      %add3A_2103 = arith.addf %add3A_2090, %mul3A_2102 : vector<16xf32>
      %mul3A_2104 = arith.mulf %add3A_2103, %get3A_2039 : vector<16xf32>
      %bitcast_convert_type3A_2105 = tpu.bitcast %mul3A_2104 : vector<16xf32> -> vector<16xi32>
      %shift_right_logical3A_2106 = arith.constant 23 : i32
      %shift_right_logical3A_2107 = vector.broadcast %shift_right_logical3A_2106 : i32 to vector<16xi32>
      %shift_right_logical3A_2108 = arith.shrui %bitcast_convert_type3A_2105, %shift_right_logical3A_2107 : vector<16xi32>
      %and3A_2109 = arith.constant 8388607 : i32
      %and3A_2110 = vector.broadcast %and3A_2109 : i32 to vector<16xi32>
      %and3A_2111 = arith.andi %bitcast_convert_type3A_2105, %and3A_2110 : vector<16xi32>
      %or3A_2112 = arith.constant 1065353216 : i32
      %or3A_2113 = vector.broadcast %or3A_2112 : i32 to vector<16xi32>
      %or3A_2114 = arith.ori %and3A_2111, %or3A_2113 : vector<16xi32>
      %bitcast_convert_type3A_2115 = tpu.bitcast %or3A_2114 : vector<16xi32> -> vector<16xf32>
      %sub3A_2116 = arith.constant 127 : i32
      %sub3A_2117 = vector.broadcast %sub3A_2116 : i32 to vector<16xi32>
      %sub3A_2118 = arith.subi %shift_right_logical3A_2108, %sub3A_2117 : vector<16xi32>
      %add3A_2119 = arith.addi %max3A_2065, %sub3A_2118 : vector<16xi32>
      %select_n3A_2120 = arith.select %lt3A_1941, %bitcast_convert_type3A_2115, %get3A_2042 : vector<16xi1>, vector<16xf32>
      %swap3A_2121 = arith.constant 18 : index
      %swap3A_2122 = tpu.vector_load %arg10[%swap3A_2121] {strides = array<i32>} : memref<160xf32, #tpu.memory_space<vmem>>, vector<16xf32>,
      %swap3A_2123 = vector.shape_cast %swap3A_2122 : vector<16xf32> to vector<16xf32>
      %swap3A_2124 = vector.shape_cast %select_n3A_2120 : vector<16xf32> to vector<16xf32>
      tpu.vector_store %arg10[%swap3A_2121], %swap3A_2124 {strides = array<i32>} : memref<160xf32, #tpu.memory_space<vmem>>, vector<16xf32>,
      %select_n3A_2125 = arith.select %lt3A_1941, %add3A_2119, %get3A_2045 : vector<16xi1>, vector<16xi32>
      %swap3A_2126 = arith.constant 18 : index
      %swap3A_2127 = tpu.vector_load %arg11[%swap3A_2126] {strides = array<i32>} : memref<160xi32, #tpu.memory_space<vmem>>, vector<16xi32>,
      %swap3A_2128 = vector.shape_cast %swap3A_2127 : vector<16xi32> to vector<16xi32>
      %swap3A_2129 = vector.shape_cast %select_n3A_2125 : vector<16xi32> to vector<16xi32>
      tpu.vector_store %arg11[%swap3A_2126], %swap3A_2129 {strides = array<i32>} : memref<160xi32, #tpu.memory_space<vmem>>, vector<16xi32>,
      %get3A_2130 = arith.index_cast %add3A_1939 : i32 to index
      %get3A_2131 = arith.constant 32 : index
      %get3A_2132 = tpu.vector_load %arg7[%get3A_2130, %get3A_2131] {strides = array<i32>} : memref<512x128xf32, #tpu.memory_space<vmem>>, vector<1x16xf32>,
      %get3A_2133 = vector.shape_cast %get3A_2132 : vector<1x16xf32> to vector<16xf32>
      %get3A_2134 = arith.constant 34 : index
      %get3A_2135 = tpu.vector_load %arg12[%get3A_2134] {strides = array<i32>} : memref<160xf32, #tpu.memory_space<vmem>>, vector<16xf32>,
      %get3A_2136 = vector.shape_cast %get3A_2135 : vector<16xf32> to vector<16xf32>
      %get3A_2137 = arith.constant 34 : index
      %get3A_2138 = tpu.vector_load %arg13[%get3A_2137] {strides = array<i32>} : memref<160xi32, #tpu.memory_space<vmem>>, vector<16xi32>,
      %get3A_2139 = vector.shape_cast %get3A_2138 : vector<16xi32> to vector<16xi32>
      %get3A_2140 = arith.constant 33 : index
      %get3A_2141 = tpu.vector_load %arg12[%get3A_2140] {strides = array<i32>} : memref<160xf32, #tpu.memory_space<vmem>>, vector<16xf32>,
      %get3A_2142 = vector.shape_cast %get3A_2141 : vector<16xf32> to vector<16xf32>
      %get3A_2143 = arith.constant 33 : index
      %get3A_2144 = tpu.vector_load %arg13[%get3A_2143] {strides = array<i32>} : memref<160xi32, #tpu.memory_space<vmem>>, vector<16xi32>,
      %get3A_2145 = vector.shape_cast %get3A_2144 : vector<16xi32> to vector<16xi32>
      %get3A_2146 = arith.constant 32 : index
      %get3A_2147 = tpu.vector_load %arg12[%get3A_2146] {strides = array<i32>} : memref<160xf32, #tpu.memory_space<vmem>>, vector<16xf32>,
      %get3A_2148 = vector.shape_cast %get3A_2147 : vector<16xf32> to vector<16xf32>
      %get3A_2149 = arith.constant 32 : index
      %get3A_2150 = tpu.vector_load %arg13[%get3A_2149] {strides = array<i32>} : memref<160xi32, #tpu.memory_space<vmem>>, vector<16xi32>,
      %get3A_2151 = vector.shape_cast %get3A_2150 : vector<16xi32> to vector<16xi32>
      %gt3A_2152 = arith.constant 0.000000e+00 : f32
      %gt3A_2153 = vector.broadcast %gt3A_2152 : f32 to vector<16xf32>
      %gt3A_2154 = arith.cmpf ogt, %get3A_204, %gt3A_2153 : vector<16xf32>
      %jit3A_2155 = arith.constant -268435456 : i32
      %broadcast_in_dim3A_2156 = vector.broadcast %jit3A_2155 : i32 to vector<16xi32>
      %select_n3A_2157 = arith.select %gt3A_2154, %get3A_2151, %broadcast_in_dim3A_2156 : vector<16xi1>, vector<16xi32>
      %max3A_2158 = arith.maxsi %get3A_2139, %get3A_2145 : vector<16xi32>
      %max3A_2159 = arith.maxsi %max3A_2158, %select_n3A_2157 : vector<16xi32>
      %sub3A_2160 = arith.subi %get3A_2139, %max3A_2159 : vector<16xi32>
      %add3A_2161 = arith.constant 127 : i32
      %add3A_2162 = vector.broadcast %add3A_2161 : i32 to vector<16xi32>
      %add3A_2163 = arith.addi %sub3A_2160, %add3A_2162 : vector<16xi32>
      %max3A_2164 = arith.constant 0 : i32
      %max3A_2165 = vector.broadcast %max3A_2164 : i32 to vector<16xi32>
      %max3A_2166 = arith.maxsi %add3A_2163, %max3A_2165 : vector<16xi32>
      %shift_left3A_2167 = arith.constant 23 : i32
      %shift_left3A_2168 = vector.broadcast %shift_left3A_2167 : i32 to vector<16xi32>
      %shift_left3A_2169 = arith.shli %max3A_2166, %shift_left3A_2168 : vector<16xi32>
      %bitcast_convert_type3A_2170 = tpu.bitcast %shift_left3A_2169 : vector<16xi32> -> vector<16xf32>
      %mul3A_2171 = arith.mulf %get3A_2136, %bitcast_convert_type3A_2170 : vector<16xf32>
      %sub3A_2172 = arith.subi %get3A_2145, %max3A_2159 : vector<16xi32>
      %add3A_2173 = arith.constant 127 : i32
      %add3A_2174 = vector.broadcast %add3A_2173 : i32 to vector<16xi32>
      %add3A_2175 = arith.addi %sub3A_2172, %add3A_2174 : vector<16xi32>
      %max3A_2176 = arith.constant 0 : i32
      %max3A_2177 = vector.broadcast %max3A_2176 : i32 to vector<16xi32>
      %max3A_2178 = arith.maxsi %add3A_2175, %max3A_2177 : vector<16xi32>
      %shift_left3A_2179 = arith.constant 23 : i32
      %shift_left3A_2180 = vector.broadcast %shift_left3A_2179 : i32 to vector<16xi32>
      %shift_left3A_2181 = arith.shli %max3A_2178, %shift_left3A_2180 : vector<16xi32>
      %bitcast_convert_type3A_2182 = tpu.bitcast %shift_left3A_2181 : vector<16xi32> -> vector<16xf32>
      %mul3A_2183 = arith.mulf %get3A_2142, %bitcast_convert_type3A_2182 : vector<16xf32>
      %add3A_2184 = arith.addf %mul3A_2171, %mul3A_2183 : vector<16xf32>
      %sub3A_2185 = arith.subi %select_n3A_2157, %max3A_2159 : vector<16xi32>
      %add3A_2186 = arith.constant 127 : i32
      %add3A_2187 = vector.broadcast %add3A_2186 : i32 to vector<16xi32>
      %add3A_2188 = arith.addi %sub3A_2185, %add3A_2187 : vector<16xi32>
      %max3A_2189 = arith.constant 0 : i32
      %max3A_2190 = vector.broadcast %max3A_2189 : i32 to vector<16xi32>
      %max3A_2191 = arith.maxsi %add3A_2188, %max3A_2190 : vector<16xi32>
      %shift_left3A_2192 = arith.constant 23 : i32
      %shift_left3A_2193 = vector.broadcast %shift_left3A_2192 : i32 to vector<16xi32>
      %shift_left3A_2194 = arith.shli %max3A_2191, %shift_left3A_2193 : vector<16xi32>
      %bitcast_convert_type3A_2195 = tpu.bitcast %shift_left3A_2194 : vector<16xi32> -> vector<16xf32>
      %mul3A_2196 = arith.mulf %get3A_2148, %bitcast_convert_type3A_2195 : vector<16xf32>
      %add3A_2197 = arith.addf %add3A_2184, %mul3A_2196 : vector<16xf32>
      %mul3A_2198 = arith.mulf %add3A_2197, %get3A_2133 : vector<16xf32>
      %bitcast_convert_type3A_2199 = tpu.bitcast %mul3A_2198 : vector<16xf32> -> vector<16xi32>
      %shift_right_logical3A_2200 = arith.constant 23 : i32
      %shift_right_logical3A_2201 = vector.broadcast %shift_right_logical3A_2200 : i32 to vector<16xi32>
      %shift_right_logical3A_2202 = arith.shrui %bitcast_convert_type3A_2199, %shift_right_logical3A_2201 : vector<16xi32>
      %and3A_2203 = arith.constant 8388607 : i32
      %and3A_2204 = vector.broadcast %and3A_2203 : i32 to vector<16xi32>
      %and3A_2205 = arith.andi %bitcast_convert_type3A_2199, %and3A_2204 : vector<16xi32>
      %or3A_2206 = arith.constant 1065353216 : i32
      %or3A_2207 = vector.broadcast %or3A_2206 : i32 to vector<16xi32>
      %or3A_2208 = arith.ori %and3A_2205, %or3A_2207 : vector<16xi32>
      %bitcast_convert_type3A_2209 = tpu.bitcast %or3A_2208 : vector<16xi32> -> vector<16xf32>
      %sub3A_2210 = arith.constant 127 : i32
      %sub3A_2211 = vector.broadcast %sub3A_2210 : i32 to vector<16xi32>
      %sub3A_2212 = arith.subi %shift_right_logical3A_2202, %sub3A_2211 : vector<16xi32>
      %add3A_2213 = arith.addi %max3A_2159, %sub3A_2212 : vector<16xi32>
      %select_n3A_2214 = arith.select %lt3A_1941, %bitcast_convert_type3A_2209, %get3A_2136 : vector<16xi1>, vector<16xf32>
      %swap3A_2215 = arith.constant 34 : index
      %swap3A_2216 = tpu.vector_load %arg10[%swap3A_2215] {strides = array<i32>} : memref<160xf32, #tpu.memory_space<vmem>>, vector<16xf32>,
      %swap3A_2217 = vector.shape_cast %swap3A_2216 : vector<16xf32> to vector<16xf32>
      %swap3A_2218 = vector.shape_cast %select_n3A_2214 : vector<16xf32> to vector<16xf32>
      tpu.vector_store %arg10[%swap3A_2215], %swap3A_2218 {strides = array<i32>} : memref<160xf32, #tpu.memory_space<vmem>>, vector<16xf32>,
      %select_n3A_2219 = arith.select %lt3A_1941, %add3A_2213, %get3A_2139 : vector<16xi1>, vector<16xi32>
      %swap3A_2220 = arith.constant 34 : index
      %swap3A_2221 = tpu.vector_load %arg11[%swap3A_2220] {strides = array<i32>} : memref<160xi32, #tpu.memory_space<vmem>>, vector<16xi32>,
      %swap3A_2222 = vector.shape_cast %swap3A_2221 : vector<16xi32> to vector<16xi32>
      %swap3A_2223 = vector.shape_cast %select_n3A_2219 : vector<16xi32> to vector<16xi32>
      tpu.vector_store %arg11[%swap3A_2220], %swap3A_2223 {strides = array<i32>} : memref<160xi32, #tpu.memory_space<vmem>>, vector<16xi32>,
      %get3A_2224 = arith.index_cast %add3A_1939 : i32 to index
      %get3A_2225 = arith.constant 48 : index
      %get3A_2226 = tpu.vector_load %arg7[%get3A_2224, %get3A_2225] {strides = array<i32>} : memref<512x128xf32, #tpu.memory_space<vmem>>, vector<1x16xf32>,
      %get3A_2227 = vector.shape_cast %get3A_2226 : vector<1x16xf32> to vector<16xf32>
      %get3A_2228 = arith.constant 50 : index
      %get3A_2229 = tpu.vector_load %arg12[%get3A_2228] {strides = array<i32>} : memref<160xf32, #tpu.memory_space<vmem>>, vector<16xf32>,
      %get3A_2230 = vector.shape_cast %get3A_2229 : vector<16xf32> to vector<16xf32>
      %get3A_2231 = arith.constant 50 : index
      %get3A_2232 = tpu.vector_load %arg13[%get3A_2231] {strides = array<i32>} : memref<160xi32, #tpu.memory_space<vmem>>, vector<16xi32>,
      %get3A_2233 = vector.shape_cast %get3A_2232 : vector<16xi32> to vector<16xi32>
      %get3A_2234 = arith.constant 49 : index
      %get3A_2235 = tpu.vector_load %arg12[%get3A_2234] {strides = array<i32>} : memref<160xf32, #tpu.memory_space<vmem>>, vector<16xf32>,
      %get3A_2236 = vector.shape_cast %get3A_2235 : vector<16xf32> to vector<16xf32>
      %get3A_2237 = arith.constant 49 : index
      %get3A_2238 = tpu.vector_load %arg13[%get3A_2237] {strides = array<i32>} : memref<160xi32, #tpu.memory_space<vmem>>, vector<16xi32>,
      %get3A_2239 = vector.shape_cast %get3A_2238 : vector<16xi32> to vector<16xi32>
      %get3A_2240 = arith.constant 48 : index
      %get3A_2241 = tpu.vector_load %arg12[%get3A_2240] {strides = array<i32>} : memref<160xf32, #tpu.memory_space<vmem>>, vector<16xf32>,
      %get3A_2242 = vector.shape_cast %get3A_2241 : vector<16xf32> to vector<16xf32>
      %get3A_2243 = arith.constant 48 : index
      %get3A_2244 = tpu.vector_load %arg13[%get3A_2243] {strides = array<i32>} : memref<160xi32, #tpu.memory_space<vmem>>, vector<16xi32>,
      %get3A_2245 = vector.shape_cast %get3A_2244 : vector<16xi32> to vector<16xi32>
      %gt3A_2246 = arith.constant 0.000000e+00 : f32
      %gt3A_2247 = vector.broadcast %gt3A_2246 : f32 to vector<16xf32>
      %gt3A_2248 = arith.cmpf ogt, %get3A_207, %gt3A_2247 : vector<16xf32>
      %jit3A_2249 = arith.constant -268435456 : i32
      %broadcast_in_dim3A_2250 = vector.broadcast %jit3A_2249 : i32 to vector<16xi32>
      %select_n3A_2251 = arith.select %gt3A_2248, %get3A_2245, %broadcast_in_dim3A_2250 : vector<16xi1>, vector<16xi32>
      %max3A_2252 = arith.maxsi %get3A_2233, %get3A_2239 : vector<16xi32>
      %max3A_2253 = arith.maxsi %max3A_2252, %select_n3A_2251 : vector<16xi32>
      %sub3A_2254 = arith.subi %get3A_2233, %max3A_2253 : vector<16xi32>
      %add3A_2255 = arith.constant 127 : i32
      %add3A_2256 = vector.broadcast %add3A_2255 : i32 to vector<16xi32>
      %add3A_2257 = arith.addi %sub3A_2254, %add3A_2256 : vector<16xi32>
      %max3A_2258 = arith.constant 0 : i32
      %max3A_2259 = vector.broadcast %max3A_2258 : i32 to vector<16xi32>
      %max3A_2260 = arith.maxsi %add3A_2257, %max3A_2259 : vector<16xi32>
      %shift_left3A_2261 = arith.constant 23 : i32
      %shift_left3A_2262 = vector.broadcast %shift_left3A_2261 : i32 to vector<16xi32>
      %shift_left3A_2263 = arith.shli %max3A_2260, %shift_left3A_2262 : vector<16xi32>
      %bitcast_convert_type3A_2264 = tpu.bitcast %shift_left3A_2263 : vector<16xi32> -> vector<16xf32>
      %mul3A_2265 = arith.mulf %get3A_2230, %bitcast_convert_type3A_2264 : vector<16xf32>
      %sub3A_2266 = arith.subi %get3A_2239, %max3A_2253 : vector<16xi32>
      %add3A_2267 = arith.constant 127 : i32
      %add3A_2268 = vector.broadcast %add3A_2267 : i32 to vector<16xi32>
      %add3A_2269 = arith.addi %sub3A_2266, %add3A_2268 : vector<16xi32>
      %max3A_2270 = arith.constant 0 : i32
      %max3A_2271 = vector.broadcast %max3A_2270 : i32 to vector<16xi32>
      %max3A_2272 = arith.maxsi %add3A_2269, %max3A_2271 : vector<16xi32>
      %shift_left3A_2273 = arith.constant 23 : i32
      %shift_left3A_2274 = vector.broadcast %shift_left3A_2273 : i32 to vector<16xi32>
      %shift_left3A_2275 = arith.shli %max3A_2272, %shift_left3A_2274 : vector<16xi32>
      %bitcast_convert_type3A_2276 = tpu.bitcast %shift_left3A_2275 : vector<16xi32> -> vector<16xf32>
      %mul3A_2277 = arith.mulf %get3A_2236, %bitcast_convert_type3A_2276 : vector<16xf32>
      %add3A_2278 = arith.addf %mul3A_2265, %mul3A_2277 : vector<16xf32>
      %sub3A_2279 = arith.subi %select_n3A_2251, %max3A_2253 : vector<16xi32>
      %add3A_2280 = arith.constant 127 : i32
      %add3A_2281 = vector.broadcast %add3A_2280 : i32 to vector<16xi32>
      %add3A_2282 = arith.addi %sub3A_2279, %add3A_2281 : vector<16xi32>
      %max3A_2283 = arith.constant 0 : i32
      %max3A_2284 = vector.broadcast %max3A_2283 : i32 to vector<16xi32>
      %max3A_2285 = arith.maxsi %add3A_2282, %max3A_2284 : vector<16xi32>
      %shift_left3A_2286 = arith.constant 23 : i32
      %shift_left3A_2287 = vector.broadcast %shift_left3A_2286 : i32 to vector<16xi32>
      %shift_left3A_2288 = arith.shli %max3A_2285, %shift_left3A_2287 : vector<16xi32>
      %bitcast_convert_type3A_2289 = tpu.bitcast %shift_left3A_2288 : vector<16xi32> -> vector<16xf32>
      %mul3A_2290 = arith.mulf %get3A_2242, %bitcast_convert_type3A_2289 : vector<16xf32>
      %add3A_2291 = arith.addf %add3A_2278, %mul3A_2290 : vector<16xf32>
      %mul3A_2292 = arith.mulf %add3A_2291, %get3A_2227 : vector<16xf32>
      %bitcast_convert_type3A_2293 = tpu.bitcast %mul3A_2292 : vector<16xf32> -> vector<16xi32>
      %shift_right_logical3A_2294 = arith.constant 23 : i32
      %shift_right_logical3A_2295 = vector.broadcast %shift_right_logical3A_2294 : i32 to vector<16xi32>
      %shift_right_logical3A_2296 = arith.shrui %bitcast_convert_type3A_2293, %shift_right_logical3A_2295 : vector<16xi32>
      %and3A_2297 = arith.constant 8388607 : i32
      %and3A_2298 = vector.broadcast %and3A_2297 : i32 to vector<16xi32>
      %and3A_2299 = arith.andi %bitcast_convert_type3A_2293, %and3A_2298 : vector<16xi32>
      %or3A_2300 = arith.constant 1065353216 : i32
      %or3A_2301 = vector.broadcast %or3A_2300 : i32 to vector<16xi32>
      %or3A_2302 = arith.ori %and3A_2299, %or3A_2301 : vector<16xi32>
      %bitcast_convert_type3A_2303 = tpu.bitcast %or3A_2302 : vector<16xi32> -> vector<16xf32>
      %sub3A_2304 = arith.constant 127 : i32
      %sub3A_2305 = vector.broadcast %sub3A_2304 : i32 to vector<16xi32>
      %sub3A_2306 = arith.subi %shift_right_logical3A_2296, %sub3A_2305 : vector<16xi32>
      %add3A_2307 = arith.addi %max3A_2253, %sub3A_2306 : vector<16xi32>
      %select_n3A_2308 = arith.select %lt3A_1941, %bitcast_convert_type3A_2303, %get3A_2230 : vector<16xi1>, vector<16xf32>
      %swap3A_2309 = arith.constant 50 : index
      %swap3A_2310 = tpu.vector_load %arg10[%swap3A_2309] {strides = array<i32>} : memref<160xf32, #tpu.memory_space<vmem>>, vector<16xf32>,
      %swap3A_2311 = vector.shape_cast %swap3A_2310 : vector<16xf32> to vector<16xf32>
      %swap3A_2312 = vector.shape_cast %select_n3A_2308 : vector<16xf32> to vector<16xf32>
      tpu.vector_store %arg10[%swap3A_2309], %swap3A_2312 {strides = array<i32>} : memref<160xf32, #tpu.memory_space<vmem>>, vector<16xf32>,
      %select_n3A_2313 = arith.select %lt3A_1941, %add3A_2307, %get3A_2233 : vector<16xi1>, vector<16xi32>
      %swap3A_2314 = arith.constant 50 : index
      %swap3A_2315 = tpu.vector_load %arg11[%swap3A_2314] {strides = array<i32>} : memref<160xi32, #tpu.memory_space<vmem>>, vector<16xi32>,
      %swap3A_2316 = vector.shape_cast %swap3A_2315 : vector<16xi32> to vector<16xi32>
      %swap3A_2317 = vector.shape_cast %select_n3A_2313 : vector<16xi32> to vector<16xi32>
      tpu.vector_store %arg11[%swap3A_2314], %swap3A_2317 {strides = array<i32>} : memref<160xi32, #tpu.memory_space<vmem>>, vector<16xi32>,
      %get3A_2318 = arith.index_cast %add3A_1939 : i32 to index
      %get3A_2319 = arith.constant 64 : index
      %get3A_2320 = tpu.vector_load %arg7[%get3A_2318, %get3A_2319] {strides = array<i32>} : memref<512x128xf32, #tpu.memory_space<vmem>>, vector<1x16xf32>,
      %get3A_2321 = vector.shape_cast %get3A_2320 : vector<1x16xf32> to vector<16xf32>
      %get3A_2322 = arith.constant 66 : index
      %get3A_2323 = tpu.vector_load %arg12[%get3A_2322] {strides = array<i32>} : memref<160xf32, #tpu.memory_space<vmem>>, vector<16xf32>,
      %get3A_2324 = vector.shape_cast %get3A_2323 : vector<16xf32> to vector<16xf32>
      %get3A_2325 = arith.constant 66 : index
      %get3A_2326 = tpu.vector_load %arg13[%get3A_2325] {strides = array<i32>} : memref<160xi32, #tpu.memory_space<vmem>>, vector<16xi32>,
      %get3A_2327 = vector.shape_cast %get3A_2326 : vector<16xi32> to vector<16xi32>
      %get3A_2328 = arith.constant 65 : index
      %get3A_2329 = tpu.vector_load %arg12[%get3A_2328] {strides = array<i32>} : memref<160xf32, #tpu.memory_space<vmem>>, vector<16xf32>,
      %get3A_2330 = vector.shape_cast %get3A_2329 : vector<16xf32> to vector<16xf32>
      %get3A_2331 = arith.constant 65 : index
      %get3A_2332 = tpu.vector_load %arg13[%get3A_2331] {strides = array<i32>} : memref<160xi32, #tpu.memory_space<vmem>>, vector<16xi32>,
      %get3A_2333 = vector.shape_cast %get3A_2332 : vector<16xi32> to vector<16xi32>
      %get3A_2334 = arith.constant 64 : index
      %get3A_2335 = tpu.vector_load %arg12[%get3A_2334] {strides = array<i32>} : memref<160xf32, #tpu.memory_space<vmem>>, vector<16xf32>,
      %get3A_2336 = vector.shape_cast %get3A_2335 : vector<16xf32> to vector<16xf32>
      %get3A_2337 = arith.constant 64 : index
      %get3A_2338 = tpu.vector_load %arg13[%get3A_2337] {strides = array<i32>} : memref<160xi32, #tpu.memory_space<vmem>>, vector<16xi32>,
      %get3A_2339 = vector.shape_cast %get3A_2338 : vector<16xi32> to vector<16xi32>
      %gt3A_2340 = arith.constant 0.000000e+00 : f32
      %gt3A_2341 = vector.broadcast %gt3A_2340 : f32 to vector<16xf32>
      %gt3A_2342 = arith.cmpf ogt, %get3A_210, %gt3A_2341 : vector<16xf32>
      %jit3A_2343 = arith.constant -268435456 : i32
      %broadcast_in_dim3A_2344 = vector.broadcast %jit3A_2343 : i32 to vector<16xi32>
      %select_n3A_2345 = arith.select %gt3A_2342, %get3A_2339, %broadcast_in_dim3A_2344 : vector<16xi1>, vector<16xi32>
      %max3A_2346 = arith.maxsi %get3A_2327, %get3A_2333 : vector<16xi32>
      %max3A_2347 = arith.maxsi %max3A_2346, %select_n3A_2345 : vector<16xi32>
      %sub3A_2348 = arith.subi %get3A_2327, %max3A_2347 : vector<16xi32>
      %add3A_2349 = arith.constant 127 : i32
      %add3A_2350 = vector.broadcast %add3A_2349 : i32 to vector<16xi32>
      %add3A_2351 = arith.addi %sub3A_2348, %add3A_2350 : vector<16xi32>
      %max3A_2352 = arith.constant 0 : i32
      %max3A_2353 = vector.broadcast %max3A_2352 : i32 to vector<16xi32>
      %max3A_2354 = arith.maxsi %add3A_2351, %max3A_2353 : vector<16xi32>
      %shift_left3A_2355 = arith.constant 23 : i32
      %shift_left3A_2356 = vector.broadcast %shift_left3A_2355 : i32 to vector<16xi32>
      %shift_left3A_2357 = arith.shli %max3A_2354, %shift_left3A_2356 : vector<16xi32>
      %bitcast_convert_type3A_2358 = tpu.bitcast %shift_left3A_2357 : vector<16xi32> -> vector<16xf32>
      %mul3A_2359 = arith.mulf %get3A_2324, %bitcast_convert_type3A_2358 : vector<16xf32>
      %sub3A_2360 = arith.subi %get3A_2333, %max3A_2347 : vector<16xi32>
      %add3A_2361 = arith.constant 127 : i32
      %add3A_2362 = vector.broadcast %add3A_2361 : i32 to vector<16xi32>
      %add3A_2363 = arith.addi %sub3A_2360, %add3A_2362 : vector<16xi32>
      %max3A_2364 = arith.constant 0 : i32
      %max3A_2365 = vector.broadcast %max3A_2364 : i32 to vector<16xi32>
      %max3A_2366 = arith.maxsi %add3A_2363, %max3A_2365 : vector<16xi32>
      %shift_left3A_2367 = arith.constant 23 : i32
      %shift_left3A_2368 = vector.broadcast %shift_left3A_2367 : i32 to vector<16xi32>
      %shift_left3A_2369 = arith.shli %max3A_2366, %shift_left3A_2368 : vector<16xi32>
      %bitcast_convert_type3A_2370 = tpu.bitcast %shift_left3A_2369 : vector<16xi32> -> vector<16xf32>
      %mul3A_2371 = arith.mulf %get3A_2330, %bitcast_convert_type3A_2370 : vector<16xf32>
      %add3A_2372 = arith.addf %mul3A_2359, %mul3A_2371 : vector<16xf32>
      %sub3A_2373 = arith.subi %select_n3A_2345, %max3A_2347 : vector<16xi32>
      %add3A_2374 = arith.constant 127 : i32
      %add3A_2375 = vector.broadcast %add3A_2374 : i32 to vector<16xi32>
      %add3A_2376 = arith.addi %sub3A_2373, %add3A_2375 : vector<16xi32>
      %max3A_2377 = arith.constant 0 : i32
      %max3A_2378 = vector.broadcast %max3A_2377 : i32 to vector<16xi32>
      %max3A_2379 = arith.maxsi %add3A_2376, %max3A_2378 : vector<16xi32>
      %shift_left3A_2380 = arith.constant 23 : i32
      %shift_left3A_2381 = vector.broadcast %shift_left3A_2380 : i32 to vector<16xi32>
      %shift_left3A_2382 = arith.shli %max3A_2379, %shift_left3A_2381 : vector<16xi32>
      %bitcast_convert_type3A_2383 = tpu.bitcast %shift_left3A_2382 : vector<16xi32> -> vector<16xf32>
      %mul3A_2384 = arith.mulf %get3A_2336, %bitcast_convert_type3A_2383 : vector<16xf32>
      %add3A_2385 = arith.addf %add3A_2372, %mul3A_2384 : vector<16xf32>
      %mul3A_2386 = arith.mulf %add3A_2385, %get3A_2321 : vector<16xf32>
      %bitcast_convert_type3A_2387 = tpu.bitcast %mul3A_2386 : vector<16xf32> -> vector<16xi32>
      %shift_right_logical3A_2388 = arith.constant 23 : i32
      %shift_right_logical3A_2389 = vector.broadcast %shift_right_logical3A_2388 : i32 to vector<16xi32>
      %shift_right_logical3A_2390 = arith.shrui %bitcast_convert_type3A_2387, %shift_right_logical3A_2389 : vector<16xi32>
      %and3A_2391 = arith.constant 8388607 : i32
      %and3A_2392 = vector.broadcast %and3A_2391 : i32 to vector<16xi32>
      %and3A_2393 = arith.andi %bitcast_convert_type3A_2387, %and3A_2392 : vector<16xi32>
      %or3A_2394 = arith.constant 1065353216 : i32
      %or3A_2395 = vector.broadcast %or3A_2394 : i32 to vector<16xi32>
      %or3A_2396 = arith.ori %and3A_2393, %or3A_2395 : vector<16xi32>
      %bitcast_convert_type3A_2397 = tpu.bitcast %or3A_2396 : vector<16xi32> -> vector<16xf32>
      %sub3A_2398 = arith.constant 127 : i32
      %sub3A_2399 = vector.broadcast %sub3A_2398 : i32 to vector<16xi32>
      %sub3A_2400 = arith.subi %shift_right_logical3A_2390, %sub3A_2399 : vector<16xi32>
      %add3A_2401 = arith.addi %max3A_2347, %sub3A_2400 : vector<16xi32>
      %select_n3A_2402 = arith.select %lt3A_1941, %bitcast_convert_type3A_2397, %get3A_2324 : vector<16xi1>, vector<16xf32>
      %swap3A_2403 = arith.constant 66 : index
      %swap3A_2404 = tpu.vector_load %arg10[%swap3A_2403] {strides = array<i32>} : memref<160xf32, #tpu.memory_space<vmem>>, vector<16xf32>,
      %swap3A_2405 = vector.shape_cast %swap3A_2404 : vector<16xf32> to vector<16xf32>
      %swap3A_2406 = vector.shape_cast %select_n3A_2402 : vector<16xf32> to vector<16xf32>
      tpu.vector_store %arg10[%swap3A_2403], %swap3A_2406 {strides = array<i32>} : memref<160xf32, #tpu.memory_space<vmem>>, vector<16xf32>,
      %select_n3A_2407 = arith.select %lt3A_1941, %add3A_2401, %get3A_2327 : vector<16xi1>, vector<16xi32>
      %swap3A_2408 = arith.constant 66 : index
      %swap3A_2409 = tpu.vector_load %arg11[%swap3A_2408] {strides = array<i32>} : memref<160xi32, #tpu.memory_space<vmem>>, vector<16xi32>,
      %swap3A_2410 = vector.shape_cast %swap3A_2409 : vector<16xi32> to vector<16xi32>
      %swap3A_2411 = vector.shape_cast %select_n3A_2407 : vector<16xi32> to vector<16xi32>
      tpu.vector_store %arg11[%swap3A_2408], %swap3A_2411 {strides = array<i32>} : memref<160xi32, #tpu.memory_space<vmem>>, vector<16xi32>,
      %get3A_2412 = arith.index_cast %add3A_1939 : i32 to index
      %get3A_2413 = arith.constant 80 : index
      %get3A_2414 = tpu.vector_load %arg7[%get3A_2412, %get3A_2413] {strides = array<i32>} : memref<512x128xf32, #tpu.memory_space<vmem>>, vector<1x16xf32>,
      %get3A_2415 = vector.shape_cast %get3A_2414 : vector<1x16xf32> to vector<16xf32>
      %get3A_2416 = arith.constant 82 : index
      %get3A_2417 = tpu.vector_load %arg12[%get3A_2416] {strides = array<i32>} : memref<160xf32, #tpu.memory_space<vmem>>, vector<16xf32>,
      %get3A_2418 = vector.shape_cast %get3A_2417 : vector<16xf32> to vector<16xf32>
      %get3A_2419 = arith.constant 82 : index
      %get3A_2420 = tpu.vector_load %arg13[%get3A_2419] {strides = array<i32>} : memref<160xi32, #tpu.memory_space<vmem>>, vector<16xi32>,
      %get3A_2421 = vector.shape_cast %get3A_2420 : vector<16xi32> to vector<16xi32>
      %get3A_2422 = arith.constant 81 : index
      %get3A_2423 = tpu.vector_load %arg12[%get3A_2422] {strides = array<i32>} : memref<160xf32, #tpu.memory_space<vmem>>, vector<16xf32>,
      %get3A_2424 = vector.shape_cast %get3A_2423 : vector<16xf32> to vector<16xf32>
      %get3A_2425 = arith.constant 81 : index
      %get3A_2426 = tpu.vector_load %arg13[%get3A_2425] {strides = array<i32>} : memref<160xi32, #tpu.memory_space<vmem>>, vector<16xi32>,
      %get3A_2427 = vector.shape_cast %get3A_2426 : vector<16xi32> to vector<16xi32>
      %get3A_2428 = arith.constant 80 : index
      %get3A_2429 = tpu.vector_load %arg12[%get3A_2428] {strides = array<i32>} : memref<160xf32, #tpu.memory_space<vmem>>, vector<16xf32>,
      %get3A_2430 = vector.shape_cast %get3A_2429 : vector<16xf32> to vector<16xf32>
      %get3A_2431 = arith.constant 80 : index
      %get3A_2432 = tpu.vector_load %arg13[%get3A_2431] {strides = array<i32>} : memref<160xi32, #tpu.memory_space<vmem>>, vector<16xi32>,
      %get3A_2433 = vector.shape_cast %get3A_2432 : vector<16xi32> to vector<16xi32>
      %gt3A_2434 = arith.constant 0.000000e+00 : f32
      %gt3A_2435 = vector.broadcast %gt3A_2434 : f32 to vector<16xf32>
      %gt3A_2436 = arith.cmpf ogt, %get3A_213, %gt3A_2435 : vector<16xf32>
      %jit3A_2437 = arith.constant -268435456 : i32
      %broadcast_in_dim3A_2438 = vector.broadcast %jit3A_2437 : i32 to vector<16xi32>
      %select_n3A_2439 = arith.select %gt3A_2436, %get3A_2433, %broadcast_in_dim3A_2438 : vector<16xi1>, vector<16xi32>
      %max3A_2440 = arith.maxsi %get3A_2421, %get3A_2427 : vector<16xi32>
      %max3A_2441 = arith.maxsi %max3A_2440, %select_n3A_2439 : vector<16xi32>
      %sub3A_2442 = arith.subi %get3A_2421, %max3A_2441 : vector<16xi32>
      %add3A_2443 = arith.constant 127 : i32
      %add3A_2444 = vector.broadcast %add3A_2443 : i32 to vector<16xi32>
      %add3A_2445 = arith.addi %sub3A_2442, %add3A_2444 : vector<16xi32>
      %max3A_2446 = arith.constant 0 : i32
      %max3A_2447 = vector.broadcast %max3A_2446 : i32 to vector<16xi32>
      %max3A_2448 = arith.maxsi %add3A_2445, %max3A_2447 : vector<16xi32>
      %shift_left3A_2449 = arith.constant 23 : i32
      %shift_left3A_2450 = vector.broadcast %shift_left3A_2449 : i32 to vector<16xi32>
      %shift_left3A_2451 = arith.shli %max3A_2448, %shift_left3A_2450 : vector<16xi32>
      %bitcast_convert_type3A_2452 = tpu.bitcast %shift_left3A_2451 : vector<16xi32> -> vector<16xf32>
      %mul3A_2453 = arith.mulf %get3A_2418, %bitcast_convert_type3A_2452 : vector<16xf32>
      %sub3A_2454 = arith.subi %get3A_2427, %max3A_2441 : vector<16xi32>
      %add3A_2455 = arith.constant 127 : i32
      %add3A_2456 = vector.broadcast %add3A_2455 : i32 to vector<16xi32>
      %add3A_2457 = arith.addi %sub3A_2454, %add3A_2456 : vector<16xi32>
      %max3A_2458 = arith.constant 0 : i32
      %max3A_2459 = vector.broadcast %max3A_2458 : i32 to vector<16xi32>
      %max3A_2460 = arith.maxsi %add3A_2457, %max3A_2459 : vector<16xi32>
      %shift_left3A_2461 = arith.constant 23 : i32
      %shift_left3A_2462 = vector.broadcast %shift_left3A_2461 : i32 to vector<16xi32>
      %shift_left3A_2463 = arith.shli %max3A_2460, %shift_left3A_2462 : vector<16xi32>
      %bitcast_convert_type3A_2464 = tpu.bitcast %shift_left3A_2463 : vector<16xi32> -> vector<16xf32>
      %mul3A_2465 = arith.mulf %get3A_2424, %bitcast_convert_type3A_2464 : vector<16xf32>
      %add3A_2466 = arith.addf %mul3A_2453, %mul3A_2465 : vector<16xf32>
      %sub3A_2467 = arith.subi %select_n3A_2439, %max3A_2441 : vector<16xi32>
      %add3A_2468 = arith.constant 127 : i32
      %add3A_2469 = vector.broadcast %add3A_2468 : i32 to vector<16xi32>
      %add3A_2470 = arith.addi %sub3A_2467, %add3A_2469 : vector<16xi32>
      %max3A_2471 = arith.constant 0 : i32
      %max3A_2472 = vector.broadcast %max3A_2471 : i32 to vector<16xi32>
      %max3A_2473 = arith.maxsi %add3A_2470, %max3A_2472 : vector<16xi32>
      %shift_left3A_2474 = arith.constant 23 : i32
      %shift_left3A_2475 = vector.broadcast %shift_left3A_2474 : i32 to vector<16xi32>
      %shift_left3A_2476 = arith.shli %max3A_2473, %shift_left3A_2475 : vector<16xi32>
      %bitcast_convert_type3A_2477 = tpu.bitcast %shift_left3A_2476 : vector<16xi32> -> vector<16xf32>
      %mul3A_2478 = arith.mulf %get3A_2430, %bitcast_convert_type3A_2477 : vector<16xf32>
      %add3A_2479 = arith.addf %add3A_2466, %mul3A_2478 : vector<16xf32>
      %mul3A_2480 = arith.mulf %add3A_2479, %get3A_2415 : vector<16xf32>
      %bitcast_convert_type3A_2481 = tpu.bitcast %mul3A_2480 : vector<16xf32> -> vector<16xi32>
      %shift_right_logical3A_2482 = arith.constant 23 : i32
      %shift_right_logical3A_2483 = vector.broadcast %shift_right_logical3A_2482 : i32 to vector<16xi32>
      %shift_right_logical3A_2484 = arith.shrui %bitcast_convert_type3A_2481, %shift_right_logical3A_2483 : vector<16xi32>
      %and3A_2485 = arith.constant 8388607 : i32
      %and3A_2486 = vector.broadcast %and3A_2485 : i32 to vector<16xi32>
      %and3A_2487 = arith.andi %bitcast_convert_type3A_2481, %and3A_2486 : vector<16xi32>
      %or3A_2488 = arith.constant 1065353216 : i32
      %or3A_2489 = vector.broadcast %or3A_2488 : i32 to vector<16xi32>
      %or3A_2490 = arith.ori %and3A_2487, %or3A_2489 : vector<16xi32>
      %bitcast_convert_type3A_2491 = tpu.bitcast %or3A_2490 : vector<16xi32> -> vector<16xf32>
      %sub3A_2492 = arith.constant 127 : i32
      %sub3A_2493 = vector.broadcast %sub3A_2492 : i32 to vector<16xi32>
      %sub3A_2494 = arith.subi %shift_right_logical3A_2484, %sub3A_2493 : vector<16xi32>
      %add3A_2495 = arith.addi %max3A_2441, %sub3A_2494 : vector<16xi32>
      %select_n3A_2496 = arith.select %lt3A_1941, %bitcast_convert_type3A_2491, %get3A_2418 : vector<16xi1>, vector<16xf32>
      %swap3A_2497 = arith.constant 82 : index
      %swap3A_2498 = tpu.vector_load %arg10[%swap3A_2497] {strides = array<i32>} : memref<160xf32, #tpu.memory_space<vmem>>, vector<16xf32>,
      %swap3A_2499 = vector.shape_cast %swap3A_2498 : vector<16xf32> to vector<16xf32>
      %swap3A_2500 = vector.shape_cast %select_n3A_2496 : vector<16xf32> to vector<16xf32>
      tpu.vector_store %arg10[%swap3A_2497], %swap3A_2500 {strides = array<i32>} : memref<160xf32, #tpu.memory_space<vmem>>, vector<16xf32>,
      %select_n3A_2501 = arith.select %lt3A_1941, %add3A_2495, %get3A_2421 : vector<16xi1>, vector<16xi32>
      %swap3A_2502 = arith.constant 82 : index
      %swap3A_2503 = tpu.vector_load %arg11[%swap3A_2502] {strides = array<i32>} : memref<160xi32, #tpu.memory_space<vmem>>, vector<16xi32>,
      %swap3A_2504 = vector.shape_cast %swap3A_2503 : vector<16xi32> to vector<16xi32>
      %swap3A_2505 = vector.shape_cast %select_n3A_2501 : vector<16xi32> to vector<16xi32>
      tpu.vector_store %arg11[%swap3A_2502], %swap3A_2505 {strides = array<i32>} : memref<160xi32, #tpu.memory_space<vmem>>, vector<16xi32>,
      %get3A_2506 = arith.index_cast %add3A_1939 : i32 to index
      %get3A_2507 = arith.constant 96 : index
      %get3A_2508 = tpu.vector_load %arg7[%get3A_2506, %get3A_2507] {strides = array<i32>} : memref<512x128xf32, #tpu.memory_space<vmem>>, vector<1x16xf32>,
      %get3A_2509 = vector.shape_cast %get3A_2508 : vector<1x16xf32> to vector<16xf32>
      %get3A_2510 = arith.constant 98 : index
      %get3A_2511 = tpu.vector_load %arg12[%get3A_2510] {strides = array<i32>} : memref<160xf32, #tpu.memory_space<vmem>>, vector<16xf32>,
      %get3A_2512 = vector.shape_cast %get3A_2511 : vector<16xf32> to vector<16xf32>
      %get3A_2513 = arith.constant 98 : index
      %get3A_2514 = tpu.vector_load %arg13[%get3A_2513] {strides = array<i32>} : memref<160xi32, #tpu.memory_space<vmem>>, vector<16xi32>,
      %get3A_2515 = vector.shape_cast %get3A_2514 : vector<16xi32> to vector<16xi32>
      %get3A_2516 = arith.constant 97 : index
      %get3A_2517 = tpu.vector_load %arg12[%get3A_2516] {strides = array<i32>} : memref<160xf32, #tpu.memory_space<vmem>>, vector<16xf32>,
      %get3A_2518 = vector.shape_cast %get3A_2517 : vector<16xf32> to vector<16xf32>
      %get3A_2519 = arith.constant 97 : index
      %get3A_2520 = tpu.vector_load %arg13[%get3A_2519] {strides = array<i32>} : memref<160xi32, #tpu.memory_space<vmem>>, vector<16xi32>,
      %get3A_2521 = vector.shape_cast %get3A_2520 : vector<16xi32> to vector<16xi32>
      %get3A_2522 = arith.constant 96 : index
      %get3A_2523 = tpu.vector_load %arg12[%get3A_2522] {strides = array<i32>} : memref<160xf32, #tpu.memory_space<vmem>>, vector<16xf32>,
      %get3A_2524 = vector.shape_cast %get3A_2523 : vector<16xf32> to vector<16xf32>
      %get3A_2525 = arith.constant 96 : index
      %get3A_2526 = tpu.vector_load %arg13[%get3A_2525] {strides = array<i32>} : memref<160xi32, #tpu.memory_space<vmem>>, vector<16xi32>,
      %get3A_2527 = vector.shape_cast %get3A_2526 : vector<16xi32> to vector<16xi32>
      %gt3A_2528 = arith.constant 0.000000e+00 : f32
      %gt3A_2529 = vector.broadcast %gt3A_2528 : f32 to vector<16xf32>
      %gt3A_2530 = arith.cmpf ogt, %get3A_216, %gt3A_2529 : vector<16xf32>
      %jit3A_2531 = arith.constant -268435456 : i32
      %broadcast_in_dim3A_2532 = vector.broadcast %jit3A_2531 : i32 to vector<16xi32>
      %select_n3A_2533 = arith.select %gt3A_2530, %get3A_2527, %broadcast_in_dim3A_2532 : vector<16xi1>, vector<16xi32>
      %max3A_2534 = arith.maxsi %get3A_2515, %get3A_2521 : vector<16xi32>
      %max3A_2535 = arith.maxsi %max3A_2534, %select_n3A_2533 : vector<16xi32>
      %sub3A_2536 = arith.subi %get3A_2515, %max3A_2535 : vector<16xi32>
      %add3A_2537 = arith.constant 127 : i32
      %add3A_2538 = vector.broadcast %add3A_2537 : i32 to vector<16xi32>
      %add3A_2539 = arith.addi %sub3A_2536, %add3A_2538 : vector<16xi32>
      %max3A_2540 = arith.constant 0 : i32
      %max3A_2541 = vector.broadcast %max3A_2540 : i32 to vector<16xi32>
      %max3A_2542 = arith.maxsi %add3A_2539, %max3A_2541 : vector<16xi32>
      %shift_left3A_2543 = arith.constant 23 : i32
      %shift_left3A_2544 = vector.broadcast %shift_left3A_2543 : i32 to vector<16xi32>
      %shift_left3A_2545 = arith.shli %max3A_2542, %shift_left3A_2544 : vector<16xi32>
      %bitcast_convert_type3A_2546 = tpu.bitcast %shift_left3A_2545 : vector<16xi32> -> vector<16xf32>
      %mul3A_2547 = arith.mulf %get3A_2512, %bitcast_convert_type3A_2546 : vector<16xf32>
      %sub3A_2548 = arith.subi %get3A_2521, %max3A_2535 : vector<16xi32>
      %add3A_2549 = arith.constant 127 : i32
      %add3A_2550 = vector.broadcast %add3A_2549 : i32 to vector<16xi32>
      %add3A_2551 = arith.addi %sub3A_2548, %add3A_2550 : vector<16xi32>
      %max3A_2552 = arith.constant 0 : i32
      %max3A_2553 = vector.broadcast %max3A_2552 : i32 to vector<16xi32>
      %max3A_2554 = arith.maxsi %add3A_2551, %max3A_2553 : vector<16xi32>
      %shift_left3A_2555 = arith.constant 23 : i32
      %shift_left3A_2556 = vector.broadcast %shift_left3A_2555 : i32 to vector<16xi32>
      %shift_left3A_2557 = arith.shli %max3A_2554, %shift_left3A_2556 : vector<16xi32>
      %bitcast_convert_type3A_2558 = tpu.bitcast %shift_left3A_2557 : vector<16xi32> -> vector<16xf32>
      %mul3A_2559 = arith.mulf %get3A_2518, %bitcast_convert_type3A_2558 : vector<16xf32>
      %add3A_2560 = arith.addf %mul3A_2547, %mul3A_2559 : vector<16xf32>
      %sub3A_2561 = arith.subi %select_n3A_2533, %max3A_2535 : vector<16xi32>
      %add3A_2562 = arith.constant 127 : i32
      %add3A_2563 = vector.broadcast %add3A_2562 : i32 to vector<16xi32>
      %add3A_2564 = arith.addi %sub3A_2561, %add3A_2563 : vector<16xi32>
      %max3A_2565 = arith.constant 0 : i32
      %max3A_2566 = vector.broadcast %max3A_2565 : i32 to vector<16xi32>
      %max3A_2567 = arith.maxsi %add3A_2564, %max3A_2566 : vector<16xi32>
      %shift_left3A_2568 = arith.constant 23 : i32
      %shift_left3A_2569 = vector.broadcast %shift_left3A_2568 : i32 to vector<16xi32>
      %shift_left3A_2570 = arith.shli %max3A_2567, %shift_left3A_2569 : vector<16xi32>
      %bitcast_convert_type3A_2571 = tpu.bitcast %shift_left3A_2570 : vector<16xi32> -> vector<16xf32>
      %mul3A_2572 = arith.mulf %get3A_2524, %bitcast_convert_type3A_2571 : vector<16xf32>
      %add3A_2573 = arith.addf %add3A_2560, %mul3A_2572 : vector<16xf32>
      %mul3A_2574 = arith.mulf %add3A_2573, %get3A_2509 : vector<16xf32>
      %bitcast_convert_type3A_2575 = tpu.bitcast %mul3A_2574 : vector<16xf32> -> vector<16xi32>
      %shift_right_logical3A_2576 = arith.constant 23 : i32
      %shift_right_logical3A_2577 = vector.broadcast %shift_right_logical3A_2576 : i32 to vector<16xi32>
      %shift_right_logical3A_2578 = arith.shrui %bitcast_convert_type3A_2575, %shift_right_logical3A_2577 : vector<16xi32>
      %and3A_2579 = arith.constant 8388607 : i32
      %and3A_2580 = vector.broadcast %and3A_2579 : i32 to vector<16xi32>
      %and3A_2581 = arith.andi %bitcast_convert_type3A_2575, %and3A_2580 : vector<16xi32>
      %or3A_2582 = arith.constant 1065353216 : i32
      %or3A_2583 = vector.broadcast %or3A_2582 : i32 to vector<16xi32>
      %or3A_2584 = arith.ori %and3A_2581, %or3A_2583 : vector<16xi32>
      %bitcast_convert_type3A_2585 = tpu.bitcast %or3A_2584 : vector<16xi32> -> vector<16xf32>
      %sub3A_2586 = arith.constant 127 : i32
      %sub3A_2587 = vector.broadcast %sub3A_2586 : i32 to vector<16xi32>
      %sub3A_2588 = arith.subi %shift_right_logical3A_2578, %sub3A_2587 : vector<16xi32>
      %add3A_2589 = arith.addi %max3A_2535, %sub3A_2588 : vector<16xi32>
      %select_n3A_2590 = arith.select %lt3A_1941, %bitcast_convert_type3A_2585, %get3A_2512 : vector<16xi1>, vector<16xf32>
      %swap3A_2591 = arith.constant 98 : index
      %swap3A_2592 = tpu.vector_load %arg10[%swap3A_2591] {strides = array<i32>} : memref<160xf32, #tpu.memory_space<vmem>>, vector<16xf32>,
      %swap3A_2593 = vector.shape_cast %swap3A_2592 : vector<16xf32> to vector<16xf32>
      %swap3A_2594 = vector.shape_cast %select_n3A_2590 : vector<16xf32> to vector<16xf32>
      tpu.vector_store %arg10[%swap3A_2591], %swap3A_2594 {strides = array<i32>} : memref<160xf32, #tpu.memory_space<vmem>>, vector<16xf32>,
      %select_n3A_2595 = arith.select %lt3A_1941, %add3A_2589, %get3A_2515 : vector<16xi1>, vector<16xi32>
      %swap3A_2596 = arith.constant 98 : index
      %swap3A_2597 = tpu.vector_load %arg11[%swap3A_2596] {strides = array<i32>} : memref<160xi32, #tpu.memory_space<vmem>>, vector<16xi32>,
      %swap3A_2598 = vector.shape_cast %swap3A_2597 : vector<16xi32> to vector<16xi32>
      %swap3A_2599 = vector.shape_cast %select_n3A_2595 : vector<16xi32> to vector<16xi32>
      tpu.vector_store %arg11[%swap3A_2596], %swap3A_2599 {strides = array<i32>} : memref<160xi32, #tpu.memory_space<vmem>>, vector<16xi32>,
      %get3A_2600 = arith.index_cast %add3A_1939 : i32 to index
      %get3A_2601 = arith.constant 112 : index
      %get3A_2602 = tpu.vector_load %arg7[%get3A_2600, %get3A_2601] {strides = array<i32>} : memref<512x128xf32, #tpu.memory_space<vmem>>, vector<1x16xf32>,
      %get3A_2603 = vector.shape_cast %get3A_2602 : vector<1x16xf32> to vector<16xf32>
      %get3A_2604 = arith.constant 114 : index
      %get3A_2605 = tpu.vector_load %arg12[%get3A_2604] {strides = array<i32>} : memref<160xf32, #tpu.memory_space<vmem>>, vector<16xf32>,
      %get3A_2606 = vector.shape_cast %get3A_2605 : vector<16xf32> to vector<16xf32>
      %get3A_2607 = arith.constant 114 : index
      %get3A_2608 = tpu.vector_load %arg13[%get3A_2607] {strides = array<i32>} : memref<160xi32, #tpu.memory_space<vmem>>, vector<16xi32>,
      %get3A_2609 = vector.shape_cast %get3A_2608 : vector<16xi32> to vector<16xi32>
      %get3A_2610 = arith.constant 113 : index
      %get3A_2611 = tpu.vector_load %arg12[%get3A_2610] {strides = array<i32>} : memref<160xf32, #tpu.memory_space<vmem>>, vector<16xf32>,
      %get3A_2612 = vector.shape_cast %get3A_2611 : vector<16xf32> to vector<16xf32>
      %get3A_2613 = arith.constant 113 : index
      %get3A_2614 = tpu.vector_load %arg13[%get3A_2613] {strides = array<i32>} : memref<160xi32, #tpu.memory_space<vmem>>, vector<16xi32>,
      %get3A_2615 = vector.shape_cast %get3A_2614 : vector<16xi32> to vector<16xi32>
      %get3A_2616 = arith.constant 112 : index
      %get3A_2617 = tpu.vector_load %arg12[%get3A_2616] {strides = array<i32>} : memref<160xf32, #tpu.memory_space<vmem>>, vector<16xf32>,
      %get3A_2618 = vector.shape_cast %get3A_2617 : vector<16xf32> to vector<16xf32>
      %get3A_2619 = arith.constant 112 : index
      %get3A_2620 = tpu.vector_load %arg13[%get3A_2619] {strides = array<i32>} : memref<160xi32, #tpu.memory_space<vmem>>, vector<16xi32>,
      %get3A_2621 = vector.shape_cast %get3A_2620 : vector<16xi32> to vector<16xi32>
      %gt3A_2622 = arith.constant 0.000000e+00 : f32
      %gt3A_2623 = vector.broadcast %gt3A_2622 : f32 to vector<16xf32>
      %gt3A_2624 = arith.cmpf ogt, %get3A_219, %gt3A_2623 : vector<16xf32>
      %jit3A_2625 = arith.constant -268435456 : i32
      %broadcast_in_dim3A_2626 = vector.broadcast %jit3A_2625 : i32 to vector<16xi32>
      %select_n3A_2627 = arith.select %gt3A_2624, %get3A_2621, %broadcast_in_dim3A_2626 : vector<16xi1>, vector<16xi32>
      %max3A_2628 = arith.maxsi %get3A_2609, %get3A_2615 : vector<16xi32>
      %max3A_2629 = arith.maxsi %max3A_2628, %select_n3A_2627 : vector<16xi32>
      %sub3A_2630 = arith.subi %get3A_2609, %max3A_2629 : vector<16xi32>
      %add3A_2631 = arith.constant 127 : i32
      %add3A_2632 = vector.broadcast %add3A_2631 : i32 to vector<16xi32>
      %add3A_2633 = arith.addi %sub3A_2630, %add3A_2632 : vector<16xi32>
      %max3A_2634 = arith.constant 0 : i32
      %max3A_2635 = vector.broadcast %max3A_2634 : i32 to vector<16xi32>
      %max3A_2636 = arith.maxsi %add3A_2633, %max3A_2635 : vector<16xi32>
      %shift_left3A_2637 = arith.constant 23 : i32
      %shift_left3A_2638 = vector.broadcast %shift_left3A_2637 : i32 to vector<16xi32>
      %shift_left3A_2639 = arith.shli %max3A_2636, %shift_left3A_2638 : vector<16xi32>
      %bitcast_convert_type3A_2640 = tpu.bitcast %shift_left3A_2639 : vector<16xi32> -> vector<16xf32>
      %mul3A_2641 = arith.mulf %get3A_2606, %bitcast_convert_type3A_2640 : vector<16xf32>
      %sub3A_2642 = arith.subi %get3A_2615, %max3A_2629 : vector<16xi32>
      %add3A_2643 = arith.constant 127 : i32
      %add3A_2644 = vector.broadcast %add3A_2643 : i32 to vector<16xi32>
      %add3A_2645 = arith.addi %sub3A_2642, %add3A_2644 : vector<16xi32>
      %max3A_2646 = arith.constant 0 : i32
      %max3A_2647 = vector.broadcast %max3A_2646 : i32 to vector<16xi32>
      %max3A_2648 = arith.maxsi %add3A_2645, %max3A_2647 : vector<16xi32>
      %shift_left3A_2649 = arith.constant 23 : i32
      %shift_left3A_2650 = vector.broadcast %shift_left3A_2649 : i32 to vector<16xi32>
      %shift_left3A_2651 = arith.shli %max3A_2648, %shift_left3A_2650 : vector<16xi32>
      %bitcast_convert_type3A_2652 = tpu.bitcast %shift_left3A_2651 : vector<16xi32> -> vector<16xf32>
      %mul3A_2653 = arith.mulf %get3A_2612, %bitcast_convert_type3A_2652 : vector<16xf32>
      %add3A_2654 = arith.addf %mul3A_2641, %mul3A_2653 : vector<16xf32>
      %sub3A_2655 = arith.subi %select_n3A_2627, %max3A_2629 : vector<16xi32>
      %add3A_2656 = arith.constant 127 : i32
      %add3A_2657 = vector.broadcast %add3A_2656 : i32 to vector<16xi32>
      %add3A_2658 = arith.addi %sub3A_2655, %add3A_2657 : vector<16xi32>
      %max3A_2659 = arith.constant 0 : i32
      %max3A_2660 = vector.broadcast %max3A_2659 : i32 to vector<16xi32>
      %max3A_2661 = arith.maxsi %add3A_2658, %max3A_2660 : vector<16xi32>
      %shift_left3A_2662 = arith.constant 23 : i32
      %shift_left3A_2663 = vector.broadcast %shift_left3A_2662 : i32 to vector<16xi32>
      %shift_left3A_2664 = arith.shli %max3A_2661, %shift_left3A_2663 : vector<16xi32>
      %bitcast_convert_type3A_2665 = tpu.bitcast %shift_left3A_2664 : vector<16xi32> -> vector<16xf32>
      %mul3A_2666 = arith.mulf %get3A_2618, %bitcast_convert_type3A_2665 : vector<16xf32>
      %add3A_2667 = arith.addf %add3A_2654, %mul3A_2666 : vector<16xf32>
      %mul3A_2668 = arith.mulf %add3A_2667, %get3A_2603 : vector<16xf32>
      %bitcast_convert_type3A_2669 = tpu.bitcast %mul3A_2668 : vector<16xf32> -> vector<16xi32>
      %shift_right_logical3A_2670 = arith.constant 23 : i32
      %shift_right_logical3A_2671 = vector.broadcast %shift_right_logical3A_2670 : i32 to vector<16xi32>
      %shift_right_logical3A_2672 = arith.shrui %bitcast_convert_type3A_2669, %shift_right_logical3A_2671 : vector<16xi32>
      %and3A_2673 = arith.constant 8388607 : i32
      %and3A_2674 = vector.broadcast %and3A_2673 : i32 to vector<16xi32>
      %and3A_2675 = arith.andi %bitcast_convert_type3A_2669, %and3A_2674 : vector<16xi32>
      %or3A_2676 = arith.constant 1065353216 : i32
      %or3A_2677 = vector.broadcast %or3A_2676 : i32 to vector<16xi32>
      %or3A_2678 = arith.ori %and3A_2675, %or3A_2677 : vector<16xi32>
      %bitcast_convert_type3A_2679 = tpu.bitcast %or3A_2678 : vector<16xi32> -> vector<16xf32>
      %sub3A_2680 = arith.constant 127 : i32
      %sub3A_2681 = vector.broadcast %sub3A_2680 : i32 to vector<16xi32>
      %sub3A_2682 = arith.subi %shift_right_logical3A_2672, %sub3A_2681 : vector<16xi32>
      %add3A_2683 = arith.addi %max3A_2629, %sub3A_2682 : vector<16xi32>
      %select_n3A_2684 = arith.select %lt3A_1941, %bitcast_convert_type3A_2679, %get3A_2606 : vector<16xi1>, vector<16xf32>
      %swap3A_2685 = arith.constant 114 : index
      %swap3A_2686 = tpu.vector_load %arg10[%swap3A_2685] {strides = array<i32>} : memref<160xf32, #tpu.memory_space<vmem>>, vector<16xf32>,
      %swap3A_2687 = vector.shape_cast %swap3A_2686 : vector<16xf32> to vector<16xf32>
      %swap3A_2688 = vector.shape_cast %select_n3A_2684 : vector<16xf32> to vector<16xf32>
      tpu.vector_store %arg10[%swap3A_2685], %swap3A_2688 {strides = array<i32>} : memref<160xf32, #tpu.memory_space<vmem>>, vector<16xf32>,
      %select_n3A_2689 = arith.select %lt3A_1941, %add3A_2683, %get3A_2609 : vector<16xi1>, vector<16xi32>
      %swap3A_2690 = arith.constant 114 : index
      %swap3A_2691 = tpu.vector_load %arg11[%swap3A_2690] {strides = array<i32>} : memref<160xi32, #tpu.memory_space<vmem>>, vector<16xi32>,
      %swap3A_2692 = vector.shape_cast %swap3A_2691 : vector<16xi32> to vector<16xi32>
      %swap3A_2693 = vector.shape_cast %select_n3A_2689 : vector<16xi32> to vector<16xi32>
      tpu.vector_store %arg11[%swap3A_2690], %swap3A_2693 {strides = array<i32>} : memref<160xi32, #tpu.memory_space<vmem>>, vector<16xi32>,
      %get3A_2694 = arith.index_cast %add3A_1939 : i32 to index
      %get3A_2695 = arith.constant 112 : index
      %get3A_2696 = tpu.vector_load %arg7[%get3A_2694, %get3A_2695] {strides = array<i32>} : memref<512x128xf32, #tpu.memory_space<vmem>>, vector<1x16xf32>,
      %get3A_2697 = vector.shape_cast %get3A_2696 : vector<1x16xf32> to vector<16xf32>
      %get3A_2698 = arith.constant 130 : index
      %get3A_2699 = tpu.vector_load %arg12[%get3A_2698] {strides = array<i32>} : memref<160xf32, #tpu.memory_space<vmem>>, vector<16xf32>,
      %get3A_2700 = vector.shape_cast %get3A_2699 : vector<16xf32> to vector<16xf32>
      %get3A_2701 = arith.constant 130 : index
      %get3A_2702 = tpu.vector_load %arg13[%get3A_2701] {strides = array<i32>} : memref<160xi32, #tpu.memory_space<vmem>>, vector<16xi32>,
      %get3A_2703 = vector.shape_cast %get3A_2702 : vector<16xi32> to vector<16xi32>
      %get3A_2704 = arith.constant 129 : index
      %get3A_2705 = tpu.vector_load %arg12[%get3A_2704] {strides = array<i32>} : memref<160xf32, #tpu.memory_space<vmem>>, vector<16xf32>,
      %get3A_2706 = vector.shape_cast %get3A_2705 : vector<16xf32> to vector<16xf32>
      %get3A_2707 = arith.constant 129 : index
      %get3A_2708 = tpu.vector_load %arg13[%get3A_2707] {strides = array<i32>} : memref<160xi32, #tpu.memory_space<vmem>>, vector<16xi32>,
      %get3A_2709 = vector.shape_cast %get3A_2708 : vector<16xi32> to vector<16xi32>
      %get3A_2710 = arith.constant 128 : index
      %get3A_2711 = tpu.vector_load %arg12[%get3A_2710] {strides = array<i32>} : memref<160xf32, #tpu.memory_space<vmem>>, vector<16xf32>,
      %get3A_2712 = vector.shape_cast %get3A_2711 : vector<16xf32> to vector<16xf32>
      %get3A_2713 = arith.constant 128 : index
      %get3A_2714 = tpu.vector_load %arg13[%get3A_2713] {strides = array<i32>} : memref<160xi32, #tpu.memory_space<vmem>>, vector<16xi32>,
      %get3A_2715 = vector.shape_cast %get3A_2714 : vector<16xi32> to vector<16xi32>
      %gt3A_2716 = arith.constant 0.000000e+00 : f32
      %gt3A_2717 = vector.broadcast %gt3A_2716 : f32 to vector<16xf32>
      %gt3A_2718 = arith.cmpf ogt, %get3A_222, %gt3A_2717 : vector<16xf32>
      %jit3A_2719 = arith.constant -268435456 : i32
      %broadcast_in_dim3A_2720 = vector.broadcast %jit3A_2719 : i32 to vector<16xi32>
      %select_n3A_2721 = arith.select %gt3A_2718, %get3A_2715, %broadcast_in_dim3A_2720 : vector<16xi1>, vector<16xi32>
      %max3A_2722 = arith.maxsi %get3A_2703, %get3A_2709 : vector<16xi32>
      %max3A_2723 = arith.maxsi %max3A_2722, %select_n3A_2721 : vector<16xi32>
      %sub3A_2724 = arith.subi %get3A_2703, %max3A_2723 : vector<16xi32>
      %add3A_2725 = arith.constant 127 : i32
      %add3A_2726 = vector.broadcast %add3A_2725 : i32 to vector<16xi32>
      %add3A_2727 = arith.addi %sub3A_2724, %add3A_2726 : vector<16xi32>
      %max3A_2728 = arith.constant 0 : i32
      %max3A_2729 = vector.broadcast %max3A_2728 : i32 to vector<16xi32>
      %max3A_2730 = arith.maxsi %add3A_2727, %max3A_2729 : vector<16xi32>
      %shift_left3A_2731 = arith.constant 23 : i32
      %shift_left3A_2732 = vector.broadcast %shift_left3A_2731 : i32 to vector<16xi32>
      %shift_left3A_2733 = arith.shli %max3A_2730, %shift_left3A_2732 : vector<16xi32>
      %bitcast_convert_type3A_2734 = tpu.bitcast %shift_left3A_2733 : vector<16xi32> -> vector<16xf32>
      %mul3A_2735 = arith.mulf %get3A_2700, %bitcast_convert_type3A_2734 : vector<16xf32>
      %sub3A_2736 = arith.subi %get3A_2709, %max3A_2723 : vector<16xi32>
      %add3A_2737 = arith.constant 127 : i32
      %add3A_2738 = vector.broadcast %add3A_2737 : i32 to vector<16xi32>
      %add3A_2739 = arith.addi %sub3A_2736, %add3A_2738 : vector<16xi32>
      %max3A_2740 = arith.constant 0 : i32
      %max3A_2741 = vector.broadcast %max3A_2740 : i32 to vector<16xi32>
      %max3A_2742 = arith.maxsi %add3A_2739, %max3A_2741 : vector<16xi32>
      %shift_left3A_2743 = arith.constant 23 : i32
      %shift_left3A_2744 = vector.broadcast %shift_left3A_2743 : i32 to vector<16xi32>
      %shift_left3A_2745 = arith.shli %max3A_2742, %shift_left3A_2744 : vector<16xi32>
      %bitcast_convert_type3A_2746 = tpu.bitcast %shift_left3A_2745 : vector<16xi32> -> vector<16xf32>
      %mul3A_2747 = arith.mulf %get3A_2706, %bitcast_convert_type3A_2746 : vector<16xf32>
      %add3A_2748 = arith.addf %mul3A_2735, %mul3A_2747 : vector<16xf32>
      %sub3A_2749 = arith.subi %select_n3A_2721, %max3A_2723 : vector<16xi32>
      %add3A_2750 = arith.constant 127 : i32
      %add3A_2751 = vector.broadcast %add3A_2750 : i32 to vector<16xi32>
      %add3A_2752 = arith.addi %sub3A_2749, %add3A_2751 : vector<16xi32>
      %max3A_2753 = arith.constant 0 : i32
      %max3A_2754 = vector.broadcast %max3A_2753 : i32 to vector<16xi32>
      %max3A_2755 = arith.maxsi %add3A_2752, %max3A_2754 : vector<16xi32>
      %shift_left3A_2756 = arith.constant 23 : i32
      %shift_left3A_2757 = vector.broadcast %shift_left3A_2756 : i32 to vector<16xi32>
      %shift_left3A_2758 = arith.shli %max3A_2755, %shift_left3A_2757 : vector<16xi32>
      %bitcast_convert_type3A_2759 = tpu.bitcast %shift_left3A_2758 : vector<16xi32> -> vector<16xf32>
      %mul3A_2760 = arith.mulf %get3A_2712, %bitcast_convert_type3A_2759 : vector<16xf32>
      %add3A_2761 = arith.addf %add3A_2748, %mul3A_2760 : vector<16xf32>
      %mul3A_2762 = arith.mulf %add3A_2761, %get3A_2697 : vector<16xf32>
      %bitcast_convert_type3A_2763 = tpu.bitcast %mul3A_2762 : vector<16xf32> -> vector<16xi32>
      %shift_right_logical3A_2764 = arith.constant 23 : i32
      %shift_right_logical3A_2765 = vector.broadcast %shift_right_logical3A_2764 : i32 to vector<16xi32>
      %shift_right_logical3A_2766 = arith.shrui %bitcast_convert_type3A_2763, %shift_right_logical3A_2765 : vector<16xi32>
      %and3A_2767 = arith.constant 8388607 : i32
      %and3A_2768 = vector.broadcast %and3A_2767 : i32 to vector<16xi32>
      %and3A_2769 = arith.andi %bitcast_convert_type3A_2763, %and3A_2768 : vector<16xi32>
      %or3A_2770 = arith.constant 1065353216 : i32
      %or3A_2771 = vector.broadcast %or3A_2770 : i32 to vector<16xi32>
      %or3A_2772 = arith.ori %and3A_2769, %or3A_2771 : vector<16xi32>
      %bitcast_convert_type3A_2773 = tpu.bitcast %or3A_2772 : vector<16xi32> -> vector<16xf32>
      %sub3A_2774 = arith.constant 127 : i32
      %sub3A_2775 = vector.broadcast %sub3A_2774 : i32 to vector<16xi32>
      %sub3A_2776 = arith.subi %shift_right_logical3A_2766, %sub3A_2775 : vector<16xi32>
      %add3A_2777 = arith.addi %max3A_2723, %sub3A_2776 : vector<16xi32>
      %select_n3A_2778 = arith.select %lt3A_1941, %bitcast_convert_type3A_2773, %get3A_2700 : vector<16xi1>, vector<16xf32>
      %swap3A_2779 = arith.constant 130 : index
      %swap3A_2780 = tpu.vector_load %arg10[%swap3A_2779] {strides = array<i32>} : memref<160xf32, #tpu.memory_space<vmem>>, vector<16xf32>,
      %swap3A_2781 = vector.shape_cast %swap3A_2780 : vector<16xf32> to vector<16xf32>
      %swap3A_2782 = vector.shape_cast %select_n3A_2778 : vector<16xf32> to vector<16xf32>
      tpu.vector_store %arg10[%swap3A_2779], %swap3A_2782 {strides = array<i32>} : memref<160xf32, #tpu.memory_space<vmem>>, vector<16xf32>,
      %select_n3A_2783 = arith.select %lt3A_1941, %add3A_2777, %get3A_2703 : vector<16xi1>, vector<16xi32>
      %swap3A_2784 = arith.constant 130 : index
      %swap3A_2785 = tpu.vector_load %arg11[%swap3A_2784] {strides = array<i32>} : memref<160xi32, #tpu.memory_space<vmem>>, vector<16xi32>,
      %swap3A_2786 = vector.shape_cast %swap3A_2785 : vector<16xi32> to vector<16xi32>
      %swap3A_2787 = vector.shape_cast %select_n3A_2783 : vector<16xi32> to vector<16xi32>
      tpu.vector_store %arg11[%swap3A_2784], %swap3A_2787 {strides = array<i32>} : memref<160xi32, #tpu.memory_space<vmem>>, vector<16xi32>,
    }
    %scan3A_227 = arith.constant 255 : i32
    %broadcast_in_dim3A_228 = arith.constant 511 : i32
    %broadcast_in_dim3A_229 = vector.broadcast %broadcast_in_dim3A_228 : i32 to vector<16xi32>
    %lt3A_230 = arith.cmpi slt, %broadcast_in_dim3A_229, %get3A_195 : vector<16xi32>
    %get3A_231 = arith.constant 511 : i32
    %get3A_232 = arith.index_cast %get3A_231 : i32 to index
    %get3A_233 = arith.constant 0 : index
    %get3A_234 = tpu.vector_load %arg7[%get3A_232, %get3A_233] {strides = array<i32>} : memref<512x128xf32, #tpu.memory_space<vmem>>, vector<1x16xf32>,
    %get3A_235 = vector.shape_cast %get3A_234 : vector<1x16xf32> to vector<16xf32>
    %get3A_236 = arith.constant 2 : index
    %get3A_237 = tpu.vector_load %arg10[%get3A_236] {strides = array<i32>} : memref<160xf32, #tpu.memory_space<vmem>>, vector<16xf32>,
    %get3A_238 = vector.shape_cast %get3A_237 : vector<16xf32> to vector<16xf32>
    %get3A_239 = arith.constant 2 : index
    %get3A_240 = tpu.vector_load %arg11[%get3A_239] {strides = array<i32>} : memref<160xi32, #tpu.memory_space<vmem>>, vector<16xi32>,
    %get3A_241 = vector.shape_cast %get3A_240 : vector<16xi32> to vector<16xi32>
    %get3A_242 = arith.constant 1 : index
    %get3A_243 = tpu.vector_load %arg10[%get3A_242] {strides = array<i32>} : memref<160xf32, #tpu.memory_space<vmem>>, vector<16xf32>,
    %get3A_244 = vector.shape_cast %get3A_243 : vector<16xf32> to vector<16xf32>
    %get3A_245 = arith.constant 1 : index
    %get3A_246 = tpu.vector_load %arg11[%get3A_245] {strides = array<i32>} : memref<160xi32, #tpu.memory_space<vmem>>, vector<16xi32>,
    %get3A_247 = vector.shape_cast %get3A_246 : vector<16xi32> to vector<16xi32>
    %get3A_248 = arith.constant 0 : index
    %get3A_249 = tpu.vector_load %arg10[%get3A_248] {strides = array<i32>} : memref<160xf32, #tpu.memory_space<vmem>>, vector<16xf32>,
    %get3A_250 = vector.shape_cast %get3A_249 : vector<16xf32> to vector<16xf32>
    %get3A_251 = arith.constant 0 : index
    %get3A_252 = tpu.vector_load %arg11[%get3A_251] {strides = array<i32>} : memref<160xi32, #tpu.memory_space<vmem>>, vector<16xi32>,
    %get3A_253 = vector.shape_cast %get3A_252 : vector<16xi32> to vector<16xi32>
    %gt3A = arith.constant 0.000000e+00 : f32
    %gt3A_254 = vector.broadcast %gt3A : f32 to vector<16xf32>
    %gt3A_255 = arith.cmpf ogt, %get3A_198, %gt3A_254 : vector<16xf32>
    %jit3A_256 = arith.constant -268435456 : i32
    %broadcast_in_dim3A_257 = vector.broadcast %jit3A_256 : i32 to vector<16xi32>
    %select_n3A_258 = arith.select %gt3A_255, %get3A_253, %broadcast_in_dim3A_257 : vector<16xi1>, vector<16xi32>
    %max3A = arith.maxsi %get3A_241, %get3A_247 : vector<16xi32>
    %max3A_259 = arith.maxsi %max3A, %select_n3A_258 : vector<16xi32>
    %sub3A_260 = arith.subi %get3A_241, %max3A_259 : vector<16xi32>
    %add3A_261 = arith.constant 127 : i32
    %add3A_262 = vector.broadcast %add3A_261 : i32 to vector<16xi32>
    %add3A_263 = arith.addi %sub3A_260, %add3A_262 : vector<16xi32>
    %max3A_264 = arith.constant 0 : i32
    %max3A_265 = vector.broadcast %max3A_264 : i32 to vector<16xi32>
    %max3A_266 = arith.maxsi %add3A_263, %max3A_265 : vector<16xi32>
    %shift_left3A = arith.constant 23 : i32
    %shift_left3A_267 = vector.broadcast %shift_left3A : i32 to vector<16xi32>
    %shift_left3A_268 = arith.shli %max3A_266, %shift_left3A_267 : vector<16xi32>
    %bitcast_convert_type3A_269 = tpu.bitcast %shift_left3A_268 : vector<16xi32> -> vector<16xf32>
    %mul3A_270 = arith.mulf %get3A_238, %bitcast_convert_type3A_269 : vector<16xf32>
    %sub3A_271 = arith.subi %get3A_247, %max3A_259 : vector<16xi32>
    %add3A_272 = arith.constant 127 : i32
    %add3A_273 = vector.broadcast %add3A_272 : i32 to vector<16xi32>
    %add3A_274 = arith.addi %sub3A_271, %add3A_273 : vector<16xi32>
    %max3A_275 = arith.constant 0 : i32
    %max3A_276 = vector.broadcast %max3A_275 : i32 to vector<16xi32>
    %max3A_277 = arith.maxsi %add3A_274, %max3A_276 : vector<16xi32>
    %shift_left3A_278 = arith.constant 23 : i32
    %shift_left3A_279 = vector.broadcast %shift_left3A_278 : i32 to vector<16xi32>
    %shift_left3A_280 = arith.shli %max3A_277, %shift_left3A_279 : vector<16xi32>
    %bitcast_convert_type3A_281 = tpu.bitcast %shift_left3A_280 : vector<16xi32> -> vector<16xf32>
    %mul3A_282 = arith.mulf %get3A_244, %bitcast_convert_type3A_281 : vector<16xf32>
    %add3A_283 = arith.addf %mul3A_270, %mul3A_282 : vector<16xf32>
    %sub3A_284 = arith.subi %select_n3A_258, %max3A_259 : vector<16xi32>
    %add3A_285 = arith.constant 127 : i32
    %add3A_286 = vector.broadcast %add3A_285 : i32 to vector<16xi32>
    %add3A_287 = arith.addi %sub3A_284, %add3A_286 : vector<16xi32>
    %max3A_288 = arith.constant 0 : i32
    %max3A_289 = vector.broadcast %max3A_288 : i32 to vector<16xi32>
    %max3A_290 = arith.maxsi %add3A_287, %max3A_289 : vector<16xi32>
    %shift_left3A_291 = arith.constant 23 : i32
    %shift_left3A_292 = vector.broadcast %shift_left3A_291 : i32 to vector<16xi32>
    %shift_left3A_293 = arith.shli %max3A_290, %shift_left3A_292 : vector<16xi32>
    %bitcast_convert_type3A_294 = tpu.bitcast %shift_left3A_293 : vector<16xi32> -> vector<16xf32>
    %mul3A_295 = arith.mulf %get3A_250, %bitcast_convert_type3A_294 : vector<16xf32>
    %add3A_296 = arith.addf %add3A_283, %mul3A_295 : vector<16xf32>
    %mul3A_297 = arith.mulf %add3A_296, %get3A_235 : vector<16xf32>
    %bitcast_convert_type3A_298 = tpu.bitcast %mul3A_297 : vector<16xf32> -> vector<16xi32>
    %shift_right_logical3A_299 = arith.constant 23 : i32
    %shift_right_logical3A_300 = vector.broadcast %shift_right_logical3A_299 : i32 to vector<16xi32>
    %shift_right_logical3A_301 = arith.shrui %bitcast_convert_type3A_298, %shift_right_logical3A_300 : vector<16xi32>
    %and3A_302 = arith.constant 8388607 : i32
    %and3A_303 = vector.broadcast %and3A_302 : i32 to vector<16xi32>
    %and3A_304 = arith.andi %bitcast_convert_type3A_298, %and3A_303 : vector<16xi32>
    %or3A_305 = arith.constant 1065353216 : i32
    %or3A_306 = vector.broadcast %or3A_305 : i32 to vector<16xi32>
    %or3A_307 = arith.ori %and3A_304, %or3A_306 : vector<16xi32>
    %bitcast_convert_type3A_308 = tpu.bitcast %or3A_307 : vector<16xi32> -> vector<16xf32>
    %sub3A_309 = arith.constant 127 : i32
    %sub3A_310 = vector.broadcast %sub3A_309 : i32 to vector<16xi32>
    %sub3A_311 = arith.subi %shift_right_logical3A_301, %sub3A_310 : vector<16xi32>
    %add3A_312 = arith.addi %max3A_259, %sub3A_311 : vector<16xi32>
    %select_n3A_313 = arith.select %lt3A_230, %bitcast_convert_type3A_308, %get3A_238 : vector<16xi1>, vector<16xf32>
    %swap3A_314 = arith.constant 2 : index
    %swap3A_315 = tpu.vector_load %arg12[%swap3A_314] {strides = array<i32>} : memref<160xf32, #tpu.memory_space<vmem>>, vector<16xf32>,
    %swap3A_316 = vector.shape_cast %swap3A_315 : vector<16xf32> to vector<16xf32>
    %swap3A_317 = vector.shape_cast %select_n3A_313 : vector<16xf32> to vector<16xf32>
    tpu.vector_store %arg12[%swap3A_314], %swap3A_317 {strides = array<i32>} : memref<160xf32, #tpu.memory_space<vmem>>, vector<16xf32>,
    %select_n3A_318 = arith.select %lt3A_230, %add3A_312, %get3A_241 : vector<16xi1>, vector<16xi32>
    %swap3A_319 = arith.constant 2 : index
    %swap3A_320 = tpu.vector_load %arg13[%swap3A_319] {strides = array<i32>} : memref<160xi32, #tpu.memory_space<vmem>>, vector<16xi32>,
    %swap3A_321 = vector.shape_cast %swap3A_320 : vector<16xi32> to vector<16xi32>
    %swap3A_322 = vector.shape_cast %select_n3A_318 : vector<16xi32> to vector<16xi32>
    tpu.vector_store %arg13[%swap3A_319], %swap3A_322 {strides = array<i32>} : memref<160xi32, #tpu.memory_space<vmem>>, vector<16xi32>,
    %get3A_323 = arith.constant 511 : i32
    %get3A_324 = arith.index_cast %get3A_323 : i32 to index
    %get3A_325 = arith.constant 16 : index
    %get3A_326 = tpu.vector_load %arg7[%get3A_324, %get3A_325] {strides = array<i32>} : memref<512x128xf32, #tpu.memory_space<vmem>>, vector<1x16xf32>,
    %get3A_327 = vector.shape_cast %get3A_326 : vector<1x16xf32> to vector<16xf32>
    %get3A_328 = arith.constant 18 : index
    %get3A_329 = tpu.vector_load %arg10[%get3A_328] {strides = array<i32>} : memref<160xf32, #tpu.memory_space<vmem>>, vector<16xf32>,
    %get3A_330 = vector.shape_cast %get3A_329 : vector<16xf32> to vector<16xf32>
    %get3A_331 = arith.constant 18 : index
    %get3A_332 = tpu.vector_load %arg11[%get3A_331] {strides = array<i32>} : memref<160xi32, #tpu.memory_space<vmem>>, vector<16xi32>,
    %get3A_333 = vector.shape_cast %get3A_332 : vector<16xi32> to vector<16xi32>
    %get3A_334 = arith.constant 17 : index
    %get3A_335 = tpu.vector_load %arg10[%get3A_334] {strides = array<i32>} : memref<160xf32, #tpu.memory_space<vmem>>, vector<16xf32>,
    %get3A_336 = vector.shape_cast %get3A_335 : vector<16xf32> to vector<16xf32>
    %get3A_337 = arith.constant 17 : index
    %get3A_338 = tpu.vector_load %arg11[%get3A_337] {strides = array<i32>} : memref<160xi32, #tpu.memory_space<vmem>>, vector<16xi32>,
    %get3A_339 = vector.shape_cast %get3A_338 : vector<16xi32> to vector<16xi32>
    %get3A_340 = arith.constant 16 : index
    %get3A_341 = tpu.vector_load %arg10[%get3A_340] {strides = array<i32>} : memref<160xf32, #tpu.memory_space<vmem>>, vector<16xf32>,
    %get3A_342 = vector.shape_cast %get3A_341 : vector<16xf32> to vector<16xf32>
    %get3A_343 = arith.constant 16 : index
    %get3A_344 = tpu.vector_load %arg11[%get3A_343] {strides = array<i32>} : memref<160xi32, #tpu.memory_space<vmem>>, vector<16xi32>,
    %get3A_345 = vector.shape_cast %get3A_344 : vector<16xi32> to vector<16xi32>
    %gt3A_346 = arith.constant 0.000000e+00 : f32
    %gt3A_347 = vector.broadcast %gt3A_346 : f32 to vector<16xf32>
    %gt3A_348 = arith.cmpf ogt, %get3A_201, %gt3A_347 : vector<16xf32>
    %jit3A_349 = arith.constant -268435456 : i32
    %broadcast_in_dim3A_350 = vector.broadcast %jit3A_349 : i32 to vector<16xi32>
    %select_n3A_351 = arith.select %gt3A_348, %get3A_345, %broadcast_in_dim3A_350 : vector<16xi1>, vector<16xi32>
    %max3A_352 = arith.maxsi %get3A_333, %get3A_339 : vector<16xi32>
    %max3A_353 = arith.maxsi %max3A_352, %select_n3A_351 : vector<16xi32>
    %sub3A_354 = arith.subi %get3A_333, %max3A_353 : vector<16xi32>
    %add3A_355 = arith.constant 127 : i32
    %add3A_356 = vector.broadcast %add3A_355 : i32 to vector<16xi32>
    %add3A_357 = arith.addi %sub3A_354, %add3A_356 : vector<16xi32>
    %max3A_358 = arith.constant 0 : i32
    %max3A_359 = vector.broadcast %max3A_358 : i32 to vector<16xi32>
    %max3A_360 = arith.maxsi %add3A_357, %max3A_359 : vector<16xi32>
    %shift_left3A_361 = arith.constant 23 : i32
    %shift_left3A_362 = vector.broadcast %shift_left3A_361 : i32 to vector<16xi32>
    %shift_left3A_363 = arith.shli %max3A_360, %shift_left3A_362 : vector<16xi32>
    %bitcast_convert_type3A_364 = tpu.bitcast %shift_left3A_363 : vector<16xi32> -> vector<16xf32>
    %mul3A_365 = arith.mulf %get3A_330, %bitcast_convert_type3A_364 : vector<16xf32>
    %sub3A_366 = arith.subi %get3A_339, %max3A_353 : vector<16xi32>
    %add3A_367 = arith.constant 127 : i32
    %add3A_368 = vector.broadcast %add3A_367 : i32 to vector<16xi32>
    %add3A_369 = arith.addi %sub3A_366, %add3A_368 : vector<16xi32>
    %max3A_370 = arith.constant 0 : i32
    %max3A_371 = vector.broadcast %max3A_370 : i32 to vector<16xi32>
    %max3A_372 = arith.maxsi %add3A_369, %max3A_371 : vector<16xi32>
    %shift_left3A_373 = arith.constant 23 : i32
    %shift_left3A_374 = vector.broadcast %shift_left3A_373 : i32 to vector<16xi32>
    %shift_left3A_375 = arith.shli %max3A_372, %shift_left3A_374 : vector<16xi32>
    %bitcast_convert_type3A_376 = tpu.bitcast %shift_left3A_375 : vector<16xi32> -> vector<16xf32>
    %mul3A_377 = arith.mulf %get3A_336, %bitcast_convert_type3A_376 : vector<16xf32>
    %add3A_378 = arith.addf %mul3A_365, %mul3A_377 : vector<16xf32>
    %sub3A_379 = arith.subi %select_n3A_351, %max3A_353 : vector<16xi32>
    %add3A_380 = arith.constant 127 : i32
    %add3A_381 = vector.broadcast %add3A_380 : i32 to vector<16xi32>
    %add3A_382 = arith.addi %sub3A_379, %add3A_381 : vector<16xi32>
    %max3A_383 = arith.constant 0 : i32
    %max3A_384 = vector.broadcast %max3A_383 : i32 to vector<16xi32>
    %max3A_385 = arith.maxsi %add3A_382, %max3A_384 : vector<16xi32>
    %shift_left3A_386 = arith.constant 23 : i32
    %shift_left3A_387 = vector.broadcast %shift_left3A_386 : i32 to vector<16xi32>
    %shift_left3A_388 = arith.shli %max3A_385, %shift_left3A_387 : vector<16xi32>
    %bitcast_convert_type3A_389 = tpu.bitcast %shift_left3A_388 : vector<16xi32> -> vector<16xf32>
    %mul3A_390 = arith.mulf %get3A_342, %bitcast_convert_type3A_389 : vector<16xf32>
    %add3A_391 = arith.addf %add3A_378, %mul3A_390 : vector<16xf32>
    %mul3A_392 = arith.mulf %add3A_391, %get3A_327 : vector<16xf32>
    %bitcast_convert_type3A_393 = tpu.bitcast %mul3A_392 : vector<16xf32> -> vector<16xi32>
    %shift_right_logical3A_394 = arith.constant 23 : i32
    %shift_right_logical3A_395 = vector.broadcast %shift_right_logical3A_394 : i32 to vector<16xi32>
    %shift_right_logical3A_396 = arith.shrui %bitcast_convert_type3A_393, %shift_right_logical3A_395 : vector<16xi32>
    %and3A_397 = arith.constant 8388607 : i32
    %and3A_398 = vector.broadcast %and3A_397 : i32 to vector<16xi32>
    %and3A_399 = arith.andi %bitcast_convert_type3A_393, %and3A_398 : vector<16xi32>
    %or3A_400 = arith.constant 1065353216 : i32
    %or3A_401 = vector.broadcast %or3A_400 : i32 to vector<16xi32>
    %or3A_402 = arith.ori %and3A_399, %or3A_401 : vector<16xi32>
    %bitcast_convert_type3A_403 = tpu.bitcast %or3A_402 : vector<16xi32> -> vector<16xf32>
    %sub3A_404 = arith.constant 127 : i32
    %sub3A_405 = vector.broadcast %sub3A_404 : i32 to vector<16xi32>
    %sub3A_406 = arith.subi %shift_right_logical3A_396, %sub3A_405 : vector<16xi32>
    %add3A_407 = arith.addi %max3A_353, %sub3A_406 : vector<16xi32>
    %select_n3A_408 = arith.select %lt3A_230, %bitcast_convert_type3A_403, %get3A_330 : vector<16xi1>, vector<16xf32>
    %swap3A_409 = arith.constant 18 : index
    %swap3A_410 = tpu.vector_load %arg12[%swap3A_409] {strides = array<i32>} : memref<160xf32, #tpu.memory_space<vmem>>, vector<16xf32>,
    %swap3A_411 = vector.shape_cast %swap3A_410 : vector<16xf32> to vector<16xf32>
    %swap3A_412 = vector.shape_cast %select_n3A_408 : vector<16xf32> to vector<16xf32>
    tpu.vector_store %arg12[%swap3A_409], %swap3A_412 {strides = array<i32>} : memref<160xf32, #tpu.memory_space<vmem>>, vector<16xf32>,
    %select_n3A_413 = arith.select %lt3A_230, %add3A_407, %get3A_333 : vector<16xi1>, vector<16xi32>
    %swap3A_414 = arith.constant 18 : index
    %swap3A_415 = tpu.vector_load %arg13[%swap3A_414] {strides = array<i32>} : memref<160xi32, #tpu.memory_space<vmem>>, vector<16xi32>,
    %swap3A_416 = vector.shape_cast %swap3A_415 : vector<16xi32> to vector<16xi32>
    %swap3A_417 = vector.shape_cast %select_n3A_413 : vector<16xi32> to vector<16xi32>
    tpu.vector_store %arg13[%swap3A_414], %swap3A_417 {strides = array<i32>} : memref<160xi32, #tpu.memory_space<vmem>>, vector<16xi32>,
    %get3A_418 = arith.constant 511 : i32
    %get3A_419 = arith.index_cast %get3A_418 : i32 to index
    %get3A_420 = arith.constant 32 : index
    %get3A_421 = tpu.vector_load %arg7[%get3A_419, %get3A_420] {strides = array<i32>} : memref<512x128xf32, #tpu.memory_space<vmem>>, vector<1x16xf32>,
    %get3A_422 = vector.shape_cast %get3A_421 : vector<1x16xf32> to vector<16xf32>
    %get3A_423 = arith.constant 34 : index
    %get3A_424 = tpu.vector_load %arg10[%get3A_423] {strides = array<i32>} : memref<160xf32, #tpu.memory_space<vmem>>, vector<16xf32>,
    %get3A_425 = vector.shape_cast %get3A_424 : vector<16xf32> to vector<16xf32>
    %get3A_426 = arith.constant 34 : index
    %get3A_427 = tpu.vector_load %arg11[%get3A_426] {strides = array<i32>} : memref<160xi32, #tpu.memory_space<vmem>>, vector<16xi32>,
    %get3A_428 = vector.shape_cast %get3A_427 : vector<16xi32> to vector<16xi32>
    %get3A_429 = arith.constant 33 : index
    %get3A_430 = tpu.vector_load %arg10[%get3A_429] {strides = array<i32>} : memref<160xf32, #tpu.memory_space<vmem>>, vector<16xf32>,
    %get3A_431 = vector.shape_cast %get3A_430 : vector<16xf32> to vector<16xf32>
    %get3A_432 = arith.constant 33 : index
    %get3A_433 = tpu.vector_load %arg11[%get3A_432] {strides = array<i32>} : memref<160xi32, #tpu.memory_space<vmem>>, vector<16xi32>,
    %get3A_434 = vector.shape_cast %get3A_433 : vector<16xi32> to vector<16xi32>
    %get3A_435 = arith.constant 32 : index
    %get3A_436 = tpu.vector_load %arg10[%get3A_435] {strides = array<i32>} : memref<160xf32, #tpu.memory_space<vmem>>, vector<16xf32>,
    %get3A_437 = vector.shape_cast %get3A_436 : vector<16xf32> to vector<16xf32>
    %get3A_438 = arith.constant 32 : index
    %get3A_439 = tpu.vector_load %arg11[%get3A_438] {strides = array<i32>} : memref<160xi32, #tpu.memory_space<vmem>>, vector<16xi32>,
    %get3A_440 = vector.shape_cast %get3A_439 : vector<16xi32> to vector<16xi32>
    %gt3A_441 = arith.constant 0.000000e+00 : f32
    %gt3A_442 = vector.broadcast %gt3A_441 : f32 to vector<16xf32>
    %gt3A_443 = arith.cmpf ogt, %get3A_204, %gt3A_442 : vector<16xf32>
    %jit3A_444 = arith.constant -268435456 : i32
    %broadcast_in_dim3A_445 = vector.broadcast %jit3A_444 : i32 to vector<16xi32>
    %select_n3A_446 = arith.select %gt3A_443, %get3A_440, %broadcast_in_dim3A_445 : vector<16xi1>, vector<16xi32>
    %max3A_447 = arith.maxsi %get3A_428, %get3A_434 : vector<16xi32>
    %max3A_448 = arith.maxsi %max3A_447, %select_n3A_446 : vector<16xi32>
    %sub3A_449 = arith.subi %get3A_428, %max3A_448 : vector<16xi32>
    %add3A_450 = arith.constant 127 : i32
    %add3A_451 = vector.broadcast %add3A_450 : i32 to vector<16xi32>
    %add3A_452 = arith.addi %sub3A_449, %add3A_451 : vector<16xi32>
    %max3A_453 = arith.constant 0 : i32
    %max3A_454 = vector.broadcast %max3A_453 : i32 to vector<16xi32>
    %max3A_455 = arith.maxsi %add3A_452, %max3A_454 : vector<16xi32>
    %shift_left3A_456 = arith.constant 23 : i32
    %shift_left3A_457 = vector.broadcast %shift_left3A_456 : i32 to vector<16xi32>
    %shift_left3A_458 = arith.shli %max3A_455, %shift_left3A_457 : vector<16xi32>
    %bitcast_convert_type3A_459 = tpu.bitcast %shift_left3A_458 : vector<16xi32> -> vector<16xf32>
    %mul3A_460 = arith.mulf %get3A_425, %bitcast_convert_type3A_459 : vector<16xf32>
    %sub3A_461 = arith.subi %get3A_434, %max3A_448 : vector<16xi32>
    %add3A_462 = arith.constant 127 : i32
    %add3A_463 = vector.broadcast %add3A_462 : i32 to vector<16xi32>
    %add3A_464 = arith.addi %sub3A_461, %add3A_463 : vector<16xi32>
    %max3A_465 = arith.constant 0 : i32
    %max3A_466 = vector.broadcast %max3A_465 : i32 to vector<16xi32>
    %max3A_467 = arith.maxsi %add3A_464, %max3A_466 : vector<16xi32>
    %shift_left3A_468 = arith.constant 23 : i32
    %shift_left3A_469 = vector.broadcast %shift_left3A_468 : i32 to vector<16xi32>
    %shift_left3A_470 = arith.shli %max3A_467, %shift_left3A_469 : vector<16xi32>
    %bitcast_convert_type3A_471 = tpu.bitcast %shift_left3A_470 : vector<16xi32> -> vector<16xf32>
    %mul3A_472 = arith.mulf %get3A_431, %bitcast_convert_type3A_471 : vector<16xf32>
    %add3A_473 = arith.addf %mul3A_460, %mul3A_472 : vector<16xf32>
    %sub3A_474 = arith.subi %select_n3A_446, %max3A_448 : vector<16xi32>
    %add3A_475 = arith.constant 127 : i32
    %add3A_476 = vector.broadcast %add3A_475 : i32 to vector<16xi32>
    %add3A_477 = arith.addi %sub3A_474, %add3A_476 : vector<16xi32>
    %max3A_478 = arith.constant 0 : i32
    %max3A_479 = vector.broadcast %max3A_478 : i32 to vector<16xi32>
    %max3A_480 = arith.maxsi %add3A_477, %max3A_479 : vector<16xi32>
    %shift_left3A_481 = arith.constant 23 : i32
    %shift_left3A_482 = vector.broadcast %shift_left3A_481 : i32 to vector<16xi32>
    %shift_left3A_483 = arith.shli %max3A_480, %shift_left3A_482 : vector<16xi32>
    %bitcast_convert_type3A_484 = tpu.bitcast %shift_left3A_483 : vector<16xi32> -> vector<16xf32>
    %mul3A_485 = arith.mulf %get3A_437, %bitcast_convert_type3A_484 : vector<16xf32>
    %add3A_486 = arith.addf %add3A_473, %mul3A_485 : vector<16xf32>
    %mul3A_487 = arith.mulf %add3A_486, %get3A_422 : vector<16xf32>
    %bitcast_convert_type3A_488 = tpu.bitcast %mul3A_487 : vector<16xf32> -> vector<16xi32>
    %shift_right_logical3A_489 = arith.constant 23 : i32
    %shift_right_logical3A_490 = vector.broadcast %shift_right_logical3A_489 : i32 to vector<16xi32>
    %shift_right_logical3A_491 = arith.shrui %bitcast_convert_type3A_488, %shift_right_logical3A_490 : vector<16xi32>
    %and3A_492 = arith.constant 8388607 : i32
    %and3A_493 = vector.broadcast %and3A_492 : i32 to vector<16xi32>
    %and3A_494 = arith.andi %bitcast_convert_type3A_488, %and3A_493 : vector<16xi32>
    %or3A_495 = arith.constant 1065353216 : i32
    %or3A_496 = vector.broadcast %or3A_495 : i32 to vector<16xi32>
    %or3A_497 = arith.ori %and3A_494, %or3A_496 : vector<16xi32>
    %bitcast_convert_type3A_498 = tpu.bitcast %or3A_497 : vector<16xi32> -> vector<16xf32>
    %sub3A_499 = arith.constant 127 : i32
    %sub3A_500 = vector.broadcast %sub3A_499 : i32 to vector<16xi32>
    %sub3A_501 = arith.subi %shift_right_logical3A_491, %sub3A_500 : vector<16xi32>
    %add3A_502 = arith.addi %max3A_448, %sub3A_501 : vector<16xi32>
    %select_n3A_503 = arith.select %lt3A_230, %bitcast_convert_type3A_498, %get3A_425 : vector<16xi1>, vector<16xf32>
    %swap3A_504 = arith.constant 34 : index
    %swap3A_505 = tpu.vector_load %arg12[%swap3A_504] {strides = array<i32>} : memref<160xf32, #tpu.memory_space<vmem>>, vector<16xf32>,
    %swap3A_506 = vector.shape_cast %swap3A_505 : vector<16xf32> to vector<16xf32>
    %swap3A_507 = vector.shape_cast %select_n3A_503 : vector<16xf32> to vector<16xf32>
    tpu.vector_store %arg12[%swap3A_504], %swap3A_507 {strides = array<i32>} : memref<160xf32, #tpu.memory_space<vmem>>, vector<16xf32>,
    %select_n3A_508 = arith.select %lt3A_230, %add3A_502, %get3A_428 : vector<16xi1>, vector<16xi32>
    %swap3A_509 = arith.constant 34 : index
    %swap3A_510 = tpu.vector_load %arg13[%swap3A_509] {strides = array<i32>} : memref<160xi32, #tpu.memory_space<vmem>>, vector<16xi32>,
    %swap3A_511 = vector.shape_cast %swap3A_510 : vector<16xi32> to vector<16xi32>
    %swap3A_512 = vector.shape_cast %select_n3A_508 : vector<16xi32> to vector<16xi32>
    tpu.vector_store %arg13[%swap3A_509], %swap3A_512 {strides = array<i32>} : memref<160xi32, #tpu.memory_space<vmem>>, vector<16xi32>,
    %get3A_513 = arith.constant 511 : i32
    %get3A_514 = arith.index_cast %get3A_513 : i32 to index
    %get3A_515 = arith.constant 48 : index
    %get3A_516 = tpu.vector_load %arg7[%get3A_514, %get3A_515] {strides = array<i32>} : memref<512x128xf32, #tpu.memory_space<vmem>>, vector<1x16xf32>,
    %get3A_517 = vector.shape_cast %get3A_516 : vector<1x16xf32> to vector<16xf32>
    %get3A_518 = arith.constant 50 : index
    %get3A_519 = tpu.vector_load %arg10[%get3A_518] {strides = array<i32>} : memref<160xf32, #tpu.memory_space<vmem>>, vector<16xf32>,
    %get3A_520 = vector.shape_cast %get3A_519 : vector<16xf32> to vector<16xf32>
    %get3A_521 = arith.constant 50 : index
    %get3A_522 = tpu.vector_load %arg11[%get3A_521] {strides = array<i32>} : memref<160xi32, #tpu.memory_space<vmem>>, vector<16xi32>,
    %get3A_523 = vector.shape_cast %get3A_522 : vector<16xi32> to vector<16xi32>
    %get3A_524 = arith.constant 49 : index
    %get3A_525 = tpu.vector_load %arg10[%get3A_524] {strides = array<i32>} : memref<160xf32, #tpu.memory_space<vmem>>, vector<16xf32>,
    %get3A_526 = vector.shape_cast %get3A_525 : vector<16xf32> to vector<16xf32>
    %get3A_527 = arith.constant 49 : index
    %get3A_528 = tpu.vector_load %arg11[%get3A_527] {strides = array<i32>} : memref<160xi32, #tpu.memory_space<vmem>>, vector<16xi32>,
    %get3A_529 = vector.shape_cast %get3A_528 : vector<16xi32> to vector<16xi32>
    %get3A_530 = arith.constant 48 : index
    %get3A_531 = tpu.vector_load %arg10[%get3A_530] {strides = array<i32>} : memref<160xf32, #tpu.memory_space<vmem>>, vector<16xf32>,
    %get3A_532 = vector.shape_cast %get3A_531 : vector<16xf32> to vector<16xf32>
    %get3A_533 = arith.constant 48 : index
    %get3A_534 = tpu.vector_load %arg11[%get3A_533] {strides = array<i32>} : memref<160xi32, #tpu.memory_space<vmem>>, vector<16xi32>,
    %get3A_535 = vector.shape_cast %get3A_534 : vector<16xi32> to vector<16xi32>
    %gt3A_536 = arith.constant 0.000000e+00 : f32
    %gt3A_537 = vector.broadcast %gt3A_536 : f32 to vector<16xf32>
    %gt3A_538 = arith.cmpf ogt, %get3A_207, %gt3A_537 : vector<16xf32>
    %jit3A_539 = arith.constant -268435456 : i32
    %broadcast_in_dim3A_540 = vector.broadcast %jit3A_539 : i32 to vector<16xi32>
    %select_n3A_541 = arith.select %gt3A_538, %get3A_535, %broadcast_in_dim3A_540 : vector<16xi1>, vector<16xi32>
    %max3A_542 = arith.maxsi %get3A_523, %get3A_529 : vector<16xi32>
    %max3A_543 = arith.maxsi %max3A_542, %select_n3A_541 : vector<16xi32>
    %sub3A_544 = arith.subi %get3A_523, %max3A_543 : vector<16xi32>
    %add3A_545 = arith.constant 127 : i32
    %add3A_546 = vector.broadcast %add3A_545 : i32 to vector<16xi32>
    %add3A_547 = arith.addi %sub3A_544, %add3A_546 : vector<16xi32>
    %max3A_548 = arith.constant 0 : i32
    %max3A_549 = vector.broadcast %max3A_548 : i32 to vector<16xi32>
    %max3A_550 = arith.maxsi %add3A_547, %max3A_549 : vector<16xi32>
    %shift_left3A_551 = arith.constant 23 : i32
    %shift_left3A_552 = vector.broadcast %shift_left3A_551 : i32 to vector<16xi32>
    %shift_left3A_553 = arith.shli %max3A_550, %shift_left3A_552 : vector<16xi32>
    %bitcast_convert_type3A_554 = tpu.bitcast %shift_left3A_553 : vector<16xi32> -> vector<16xf32>
    %mul3A_555 = arith.mulf %get3A_520, %bitcast_convert_type3A_554 : vector<16xf32>
    %sub3A_556 = arith.subi %get3A_529, %max3A_543 : vector<16xi32>
    %add3A_557 = arith.constant 127 : i32
    %add3A_558 = vector.broadcast %add3A_557 : i32 to vector<16xi32>
    %add3A_559 = arith.addi %sub3A_556, %add3A_558 : vector<16xi32>
    %max3A_560 = arith.constant 0 : i32
    %max3A_561 = vector.broadcast %max3A_560 : i32 to vector<16xi32>
    %max3A_562 = arith.maxsi %add3A_559, %max3A_561 : vector<16xi32>
    %shift_left3A_563 = arith.constant 23 : i32
    %shift_left3A_564 = vector.broadcast %shift_left3A_563 : i32 to vector<16xi32>
    %shift_left3A_565 = arith.shli %max3A_562, %shift_left3A_564 : vector<16xi32>
    %bitcast_convert_type3A_566 = tpu.bitcast %shift_left3A_565 : vector<16xi32> -> vector<16xf32>
    %mul3A_567 = arith.mulf %get3A_526, %bitcast_convert_type3A_566 : vector<16xf32>
    %add3A_568 = arith.addf %mul3A_555, %mul3A_567 : vector<16xf32>
    %sub3A_569 = arith.subi %select_n3A_541, %max3A_543 : vector<16xi32>
    %add3A_570 = arith.constant 127 : i32
    %add3A_571 = vector.broadcast %add3A_570 : i32 to vector<16xi32>
    %add3A_572 = arith.addi %sub3A_569, %add3A_571 : vector<16xi32>
    %max3A_573 = arith.constant 0 : i32
    %max3A_574 = vector.broadcast %max3A_573 : i32 to vector<16xi32>
    %max3A_575 = arith.maxsi %add3A_572, %max3A_574 : vector<16xi32>
    %shift_left3A_576 = arith.constant 23 : i32
    %shift_left3A_577 = vector.broadcast %shift_left3A_576 : i32 to vector<16xi32>
    %shift_left3A_578 = arith.shli %max3A_575, %shift_left3A_577 : vector<16xi32>
    %bitcast_convert_type3A_579 = tpu.bitcast %shift_left3A_578 : vector<16xi32> -> vector<16xf32>
    %mul3A_580 = arith.mulf %get3A_532, %bitcast_convert_type3A_579 : vector<16xf32>
    %add3A_581 = arith.addf %add3A_568, %mul3A_580 : vector<16xf32>
    %mul3A_582 = arith.mulf %add3A_581, %get3A_517 : vector<16xf32>
    %bitcast_convert_type3A_583 = tpu.bitcast %mul3A_582 : vector<16xf32> -> vector<16xi32>
    %shift_right_logical3A_584 = arith.constant 23 : i32
    %shift_right_logical3A_585 = vector.broadcast %shift_right_logical3A_584 : i32 to vector<16xi32>
    %shift_right_logical3A_586 = arith.shrui %bitcast_convert_type3A_583, %shift_right_logical3A_585 : vector<16xi32>
    %and3A_587 = arith.constant 8388607 : i32
    %and3A_588 = vector.broadcast %and3A_587 : i32 to vector<16xi32>
    %and3A_589 = arith.andi %bitcast_convert_type3A_583, %and3A_588 : vector<16xi32>
    %or3A_590 = arith.constant 1065353216 : i32
    %or3A_591 = vector.broadcast %or3A_590 : i32 to vector<16xi32>
    %or3A_592 = arith.ori %and3A_589, %or3A_591 : vector<16xi32>
    %bitcast_convert_type3A_593 = tpu.bitcast %or3A_592 : vector<16xi32> -> vector<16xf32>
    %sub3A_594 = arith.constant 127 : i32
    %sub3A_595 = vector.broadcast %sub3A_594 : i32 to vector<16xi32>
    %sub3A_596 = arith.subi %shift_right_logical3A_586, %sub3A_595 : vector<16xi32>
    %add3A_597 = arith.addi %max3A_543, %sub3A_596 : vector<16xi32>
    %select_n3A_598 = arith.select %lt3A_230, %bitcast_convert_type3A_593, %get3A_520 : vector<16xi1>, vector<16xf32>
    %swap3A_599 = arith.constant 50 : index
    %swap3A_600 = tpu.vector_load %arg12[%swap3A_599] {strides = array<i32>} : memref<160xf32, #tpu.memory_space<vmem>>, vector<16xf32>,
    %swap3A_601 = vector.shape_cast %swap3A_600 : vector<16xf32> to vector<16xf32>
    %swap3A_602 = vector.shape_cast %select_n3A_598 : vector<16xf32> to vector<16xf32>
    tpu.vector_store %arg12[%swap3A_599], %swap3A_602 {strides = array<i32>} : memref<160xf32, #tpu.memory_space<vmem>>, vector<16xf32>,
    %select_n3A_603 = arith.select %lt3A_230, %add3A_597, %get3A_523 : vector<16xi1>, vector<16xi32>
    %swap3A_604 = arith.constant 50 : index
    %swap3A_605 = tpu.vector_load %arg13[%swap3A_604] {strides = array<i32>} : memref<160xi32, #tpu.memory_space<vmem>>, vector<16xi32>,
    %swap3A_606 = vector.shape_cast %swap3A_605 : vector<16xi32> to vector<16xi32>
    %swap3A_607 = vector.shape_cast %select_n3A_603 : vector<16xi32> to vector<16xi32>
    tpu.vector_store %arg13[%swap3A_604], %swap3A_607 {strides = array<i32>} : memref<160xi32, #tpu.memory_space<vmem>>, vector<16xi32>,
    %get3A_608 = arith.constant 511 : i32
    %get3A_609 = arith.index_cast %get3A_608 : i32 to index
    %get3A_610 = arith.constant 64 : index
    %get3A_611 = tpu.vector_load %arg7[%get3A_609, %get3A_610] {strides = array<i32>} : memref<512x128xf32, #tpu.memory_space<vmem>>, vector<1x16xf32>,
    %get3A_612 = vector.shape_cast %get3A_611 : vector<1x16xf32> to vector<16xf32>
    %get3A_613 = arith.constant 66 : index
    %get3A_614 = tpu.vector_load %arg10[%get3A_613] {strides = array<i32>} : memref<160xf32, #tpu.memory_space<vmem>>, vector<16xf32>,
    %get3A_615 = vector.shape_cast %get3A_614 : vector<16xf32> to vector<16xf32>
    %get3A_616 = arith.constant 66 : index
    %get3A_617 = tpu.vector_load %arg11[%get3A_616] {strides = array<i32>} : memref<160xi32, #tpu.memory_space<vmem>>, vector<16xi32>,
    %get3A_618 = vector.shape_cast %get3A_617 : vector<16xi32> to vector<16xi32>
    %get3A_619 = arith.constant 65 : index
    %get3A_620 = tpu.vector_load %arg10[%get3A_619] {strides = array<i32>} : memref<160xf32, #tpu.memory_space<vmem>>, vector<16xf32>,
    %get3A_621 = vector.shape_cast %get3A_620 : vector<16xf32> to vector<16xf32>
    %get3A_622 = arith.constant 65 : index
    %get3A_623 = tpu.vector_load %arg11[%get3A_622] {strides = array<i32>} : memref<160xi32, #tpu.memory_space<vmem>>, vector<16xi32>,
    %get3A_624 = vector.shape_cast %get3A_623 : vector<16xi32> to vector<16xi32>
    %get3A_625 = arith.constant 64 : index
    %get3A_626 = tpu.vector_load %arg10[%get3A_625] {strides = array<i32>} : memref<160xf32, #tpu.memory_space<vmem>>, vector<16xf32>,
    %get3A_627 = vector.shape_cast %get3A_626 : vector<16xf32> to vector<16xf32>
    %get3A_628 = arith.constant 64 : index
    %get3A_629 = tpu.vector_load %arg11[%get3A_628] {strides = array<i32>} : memref<160xi32, #tpu.memory_space<vmem>>, vector<16xi32>,
    %get3A_630 = vector.shape_cast %get3A_629 : vector<16xi32> to vector<16xi32>
    %gt3A_631 = arith.constant 0.000000e+00 : f32
    %gt3A_632 = vector.broadcast %gt3A_631 : f32 to vector<16xf32>
    %gt3A_633 = arith.cmpf ogt, %get3A_210, %gt3A_632 : vector<16xf32>
    %jit3A_634 = arith.constant -268435456 : i32
    %broadcast_in_dim3A_635 = vector.broadcast %jit3A_634 : i32 to vector<16xi32>
    %select_n3A_636 = arith.select %gt3A_633, %get3A_630, %broadcast_in_dim3A_635 : vector<16xi1>, vector<16xi32>
    %max3A_637 = arith.maxsi %get3A_618, %get3A_624 : vector<16xi32>
    %max3A_638 = arith.maxsi %max3A_637, %select_n3A_636 : vector<16xi32>
    %sub3A_639 = arith.subi %get3A_618, %max3A_638 : vector<16xi32>
    %add3A_640 = arith.constant 127 : i32
    %add3A_641 = vector.broadcast %add3A_640 : i32 to vector<16xi32>
    %add3A_642 = arith.addi %sub3A_639, %add3A_641 : vector<16xi32>
    %max3A_643 = arith.constant 0 : i32
    %max3A_644 = vector.broadcast %max3A_643 : i32 to vector<16xi32>
    %max3A_645 = arith.maxsi %add3A_642, %max3A_644 : vector<16xi32>
    %shift_left3A_646 = arith.constant 23 : i32
    %shift_left3A_647 = vector.broadcast %shift_left3A_646 : i32 to vector<16xi32>
    %shift_left3A_648 = arith.shli %max3A_645, %shift_left3A_647 : vector<16xi32>
    %bitcast_convert_type3A_649 = tpu.bitcast %shift_left3A_648 : vector<16xi32> -> vector<16xf32>
    %mul3A_650 = arith.mulf %get3A_615, %bitcast_convert_type3A_649 : vector<16xf32>
    %sub3A_651 = arith.subi %get3A_624, %max3A_638 : vector<16xi32>
    %add3A_652 = arith.constant 127 : i32
    %add3A_653 = vector.broadcast %add3A_652 : i32 to vector<16xi32>
    %add3A_654 = arith.addi %sub3A_651, %add3A_653 : vector<16xi32>
    %max3A_655 = arith.constant 0 : i32
    %max3A_656 = vector.broadcast %max3A_655 : i32 to vector<16xi32>
    %max3A_657 = arith.maxsi %add3A_654, %max3A_656 : vector<16xi32>
    %shift_left3A_658 = arith.constant 23 : i32
    %shift_left3A_659 = vector.broadcast %shift_left3A_658 : i32 to vector<16xi32>
    %shift_left3A_660 = arith.shli %max3A_657, %shift_left3A_659 : vector<16xi32>
    %bitcast_convert_type3A_661 = tpu.bitcast %shift_left3A_660 : vector<16xi32> -> vector<16xf32>
    %mul3A_662 = arith.mulf %get3A_621, %bitcast_convert_type3A_661 : vector<16xf32>
    %add3A_663 = arith.addf %mul3A_650, %mul3A_662 : vector<16xf32>
    %sub3A_664 = arith.subi %select_n3A_636, %max3A_638 : vector<16xi32>
    %add3A_665 = arith.constant 127 : i32
    %add3A_666 = vector.broadcast %add3A_665 : i32 to vector<16xi32>
    %add3A_667 = arith.addi %sub3A_664, %add3A_666 : vector<16xi32>
    %max3A_668 = arith.constant 0 : i32
    %max3A_669 = vector.broadcast %max3A_668 : i32 to vector<16xi32>
    %max3A_670 = arith.maxsi %add3A_667, %max3A_669 : vector<16xi32>
    %shift_left3A_671 = arith.constant 23 : i32
    %shift_left3A_672 = vector.broadcast %shift_left3A_671 : i32 to vector<16xi32>
    %shift_left3A_673 = arith.shli %max3A_670, %shift_left3A_672 : vector<16xi32>
    %bitcast_convert_type3A_674 = tpu.bitcast %shift_left3A_673 : vector<16xi32> -> vector<16xf32>
    %mul3A_675 = arith.mulf %get3A_627, %bitcast_convert_type3A_674 : vector<16xf32>
    %add3A_676 = arith.addf %add3A_663, %mul3A_675 : vector<16xf32>
    %mul3A_677 = arith.mulf %add3A_676, %get3A_612 : vector<16xf32>
    %bitcast_convert_type3A_678 = tpu.bitcast %mul3A_677 : vector<16xf32> -> vector<16xi32>
    %shift_right_logical3A_679 = arith.constant 23 : i32
    %shift_right_logical3A_680 = vector.broadcast %shift_right_logical3A_679 : i32 to vector<16xi32>
    %shift_right_logical3A_681 = arith.shrui %bitcast_convert_type3A_678, %shift_right_logical3A_680 : vector<16xi32>
    %and3A_682 = arith.constant 8388607 : i32
    %and3A_683 = vector.broadcast %and3A_682 : i32 to vector<16xi32>
    %and3A_684 = arith.andi %bitcast_convert_type3A_678, %and3A_683 : vector<16xi32>
    %or3A_685 = arith.constant 1065353216 : i32
    %or3A_686 = vector.broadcast %or3A_685 : i32 to vector<16xi32>
    %or3A_687 = arith.ori %and3A_684, %or3A_686 : vector<16xi32>
    %bitcast_convert_type3A_688 = tpu.bitcast %or3A_687 : vector<16xi32> -> vector<16xf32>
    %sub3A_689 = arith.constant 127 : i32
    %sub3A_690 = vector.broadcast %sub3A_689 : i32 to vector<16xi32>
    %sub3A_691 = arith.subi %shift_right_logical3A_681, %sub3A_690 : vector<16xi32>
    %add3A_692 = arith.addi %max3A_638, %sub3A_691 : vector<16xi32>
    %select_n3A_693 = arith.select %lt3A_230, %bitcast_convert_type3A_688, %get3A_615 : vector<16xi1>, vector<16xf32>
    %swap3A_694 = arith.constant 66 : index
    %swap3A_695 = tpu.vector_load %arg12[%swap3A_694] {strides = array<i32>} : memref<160xf32, #tpu.memory_space<vmem>>, vector<16xf32>,
    %swap3A_696 = vector.shape_cast %swap3A_695 : vector<16xf32> to vector<16xf32>
    %swap3A_697 = vector.shape_cast %select_n3A_693 : vector<16xf32> to vector<16xf32>
    tpu.vector_store %arg12[%swap3A_694], %swap3A_697 {strides = array<i32>} : memref<160xf32, #tpu.memory_space<vmem>>, vector<16xf32>,
    %select_n3A_698 = arith.select %lt3A_230, %add3A_692, %get3A_618 : vector<16xi1>, vector<16xi32>
    %swap3A_699 = arith.constant 66 : index
    %swap3A_700 = tpu.vector_load %arg13[%swap3A_699] {strides = array<i32>} : memref<160xi32, #tpu.memory_space<vmem>>, vector<16xi32>,
    %swap3A_701 = vector.shape_cast %swap3A_700 : vector<16xi32> to vector<16xi32>
    %swap3A_702 = vector.shape_cast %select_n3A_698 : vector<16xi32> to vector<16xi32>
    tpu.vector_store %arg13[%swap3A_699], %swap3A_702 {strides = array<i32>} : memref<160xi32, #tpu.memory_space<vmem>>, vector<16xi32>,
    %get3A_703 = arith.constant 511 : i32
    %get3A_704 = arith.index_cast %get3A_703 : i32 to index
    %get3A_705 = arith.constant 80 : index
    %get3A_706 = tpu.vector_load %arg7[%get3A_704, %get3A_705] {strides = array<i32>} : memref<512x128xf32, #tpu.memory_space<vmem>>, vector<1x16xf32>,
    %get3A_707 = vector.shape_cast %get3A_706 : vector<1x16xf32> to vector<16xf32>
    %get3A_708 = arith.constant 82 : index
    %get3A_709 = tpu.vector_load %arg10[%get3A_708] {strides = array<i32>} : memref<160xf32, #tpu.memory_space<vmem>>, vector<16xf32>,
    %get3A_710 = vector.shape_cast %get3A_709 : vector<16xf32> to vector<16xf32>
    %get3A_711 = arith.constant 82 : index
    %get3A_712 = tpu.vector_load %arg11[%get3A_711] {strides = array<i32>} : memref<160xi32, #tpu.memory_space<vmem>>, vector<16xi32>,
    %get3A_713 = vector.shape_cast %get3A_712 : vector<16xi32> to vector<16xi32>
    %get3A_714 = arith.constant 81 : index
    %get3A_715 = tpu.vector_load %arg10[%get3A_714] {strides = array<i32>} : memref<160xf32, #tpu.memory_space<vmem>>, vector<16xf32>,
    %get3A_716 = vector.shape_cast %get3A_715 : vector<16xf32> to vector<16xf32>
    %get3A_717 = arith.constant 81 : index
    %get3A_718 = tpu.vector_load %arg11[%get3A_717] {strides = array<i32>} : memref<160xi32, #tpu.memory_space<vmem>>, vector<16xi32>,
    %get3A_719 = vector.shape_cast %get3A_718 : vector<16xi32> to vector<16xi32>
    %get3A_720 = arith.constant 80 : index
    %get3A_721 = tpu.vector_load %arg10[%get3A_720] {strides = array<i32>} : memref<160xf32, #tpu.memory_space<vmem>>, vector<16xf32>,
    %get3A_722 = vector.shape_cast %get3A_721 : vector<16xf32> to vector<16xf32>
    %get3A_723 = arith.constant 80 : index
    %get3A_724 = tpu.vector_load %arg11[%get3A_723] {strides = array<i32>} : memref<160xi32, #tpu.memory_space<vmem>>, vector<16xi32>,
    %get3A_725 = vector.shape_cast %get3A_724 : vector<16xi32> to vector<16xi32>
    %gt3A_726 = arith.constant 0.000000e+00 : f32
    %gt3A_727 = vector.broadcast %gt3A_726 : f32 to vector<16xf32>
    %gt3A_728 = arith.cmpf ogt, %get3A_213, %gt3A_727 : vector<16xf32>
    %jit3A_729 = arith.constant -268435456 : i32
    %broadcast_in_dim3A_730 = vector.broadcast %jit3A_729 : i32 to vector<16xi32>
    %select_n3A_731 = arith.select %gt3A_728, %get3A_725, %broadcast_in_dim3A_730 : vector<16xi1>, vector<16xi32>
    %max3A_732 = arith.maxsi %get3A_713, %get3A_719 : vector<16xi32>
    %max3A_733 = arith.maxsi %max3A_732, %select_n3A_731 : vector<16xi32>
    %sub3A_734 = arith.subi %get3A_713, %max3A_733 : vector<16xi32>
    %add3A_735 = arith.constant 127 : i32
    %add3A_736 = vector.broadcast %add3A_735 : i32 to vector<16xi32>
    %add3A_737 = arith.addi %sub3A_734, %add3A_736 : vector<16xi32>
    %max3A_738 = arith.constant 0 : i32
    %max3A_739 = vector.broadcast %max3A_738 : i32 to vector<16xi32>
    %max3A_740 = arith.maxsi %add3A_737, %max3A_739 : vector<16xi32>
    %shift_left3A_741 = arith.constant 23 : i32
    %shift_left3A_742 = vector.broadcast %shift_left3A_741 : i32 to vector<16xi32>
    %shift_left3A_743 = arith.shli %max3A_740, %shift_left3A_742 : vector<16xi32>
    %bitcast_convert_type3A_744 = tpu.bitcast %shift_left3A_743 : vector<16xi32> -> vector<16xf32>
    %mul3A_745 = arith.mulf %get3A_710, %bitcast_convert_type3A_744 : vector<16xf32>
    %sub3A_746 = arith.subi %get3A_719, %max3A_733 : vector<16xi32>
    %add3A_747 = arith.constant 127 : i32
    %add3A_748 = vector.broadcast %add3A_747 : i32 to vector<16xi32>
    %add3A_749 = arith.addi %sub3A_746, %add3A_748 : vector<16xi32>
    %max3A_750 = arith.constant 0 : i32
    %max3A_751 = vector.broadcast %max3A_750 : i32 to vector<16xi32>
    %max3A_752 = arith.maxsi %add3A_749, %max3A_751 : vector<16xi32>
    %shift_left3A_753 = arith.constant 23 : i32
    %shift_left3A_754 = vector.broadcast %shift_left3A_753 : i32 to vector<16xi32>
    %shift_left3A_755 = arith.shli %max3A_752, %shift_left3A_754 : vector<16xi32>
    %bitcast_convert_type3A_756 = tpu.bitcast %shift_left3A_755 : vector<16xi32> -> vector<16xf32>
    %mul3A_757 = arith.mulf %get3A_716, %bitcast_convert_type3A_756 : vector<16xf32>
    %add3A_758 = arith.addf %mul3A_745, %mul3A_757 : vector<16xf32>
    %sub3A_759 = arith.subi %select_n3A_731, %max3A_733 : vector<16xi32>
    %add3A_760 = arith.constant 127 : i32
    %add3A_761 = vector.broadcast %add3A_760 : i32 to vector<16xi32>
    %add3A_762 = arith.addi %sub3A_759, %add3A_761 : vector<16xi32>
    %max3A_763 = arith.constant 0 : i32
    %max3A_764 = vector.broadcast %max3A_763 : i32 to vector<16xi32>
    %max3A_765 = arith.maxsi %add3A_762, %max3A_764 : vector<16xi32>
    %shift_left3A_766 = arith.constant 23 : i32
    %shift_left3A_767 = vector.broadcast %shift_left3A_766 : i32 to vector<16xi32>
    %shift_left3A_768 = arith.shli %max3A_765, %shift_left3A_767 : vector<16xi32>
    %bitcast_convert_type3A_769 = tpu.bitcast %shift_left3A_768 : vector<16xi32> -> vector<16xf32>
    %mul3A_770 = arith.mulf %get3A_722, %bitcast_convert_type3A_769 : vector<16xf32>
    %add3A_771 = arith.addf %add3A_758, %mul3A_770 : vector<16xf32>
    %mul3A_772 = arith.mulf %add3A_771, %get3A_707 : vector<16xf32>
    %bitcast_convert_type3A_773 = tpu.bitcast %mul3A_772 : vector<16xf32> -> vector<16xi32>
    %shift_right_logical3A_774 = arith.constant 23 : i32
    %shift_right_logical3A_775 = vector.broadcast %shift_right_logical3A_774 : i32 to vector<16xi32>
    %shift_right_logical3A_776 = arith.shrui %bitcast_convert_type3A_773, %shift_right_logical3A_775 : vector<16xi32>
    %and3A_777 = arith.constant 8388607 : i32
    %and3A_778 = vector.broadcast %and3A_777 : i32 to vector<16xi32>
    %and3A_779 = arith.andi %bitcast_convert_type3A_773, %and3A_778 : vector<16xi32>
    %or3A_780 = arith.constant 1065353216 : i32
    %or3A_781 = vector.broadcast %or3A_780 : i32 to vector<16xi32>
    %or3A_782 = arith.ori %and3A_779, %or3A_781 : vector<16xi32>
    %bitcast_convert_type3A_783 = tpu.bitcast %or3A_782 : vector<16xi32> -> vector<16xf32>
    %sub3A_784 = arith.constant 127 : i32
    %sub3A_785 = vector.broadcast %sub3A_784 : i32 to vector<16xi32>
    %sub3A_786 = arith.subi %shift_right_logical3A_776, %sub3A_785 : vector<16xi32>
    %add3A_787 = arith.addi %max3A_733, %sub3A_786 : vector<16xi32>
    %select_n3A_788 = arith.select %lt3A_230, %bitcast_convert_type3A_783, %get3A_710 : vector<16xi1>, vector<16xf32>
    %swap3A_789 = arith.constant 82 : index
    %swap3A_790 = tpu.vector_load %arg12[%swap3A_789] {strides = array<i32>} : memref<160xf32, #tpu.memory_space<vmem>>, vector<16xf32>,
    %swap3A_791 = vector.shape_cast %swap3A_790 : vector<16xf32> to vector<16xf32>
    %swap3A_792 = vector.shape_cast %select_n3A_788 : vector<16xf32> to vector<16xf32>
    tpu.vector_store %arg12[%swap3A_789], %swap3A_792 {strides = array<i32>} : memref<160xf32, #tpu.memory_space<vmem>>, vector<16xf32>,
    %select_n3A_793 = arith.select %lt3A_230, %add3A_787, %get3A_713 : vector<16xi1>, vector<16xi32>
    %swap3A_794 = arith.constant 82 : index
    %swap3A_795 = tpu.vector_load %arg13[%swap3A_794] {strides = array<i32>} : memref<160xi32, #tpu.memory_space<vmem>>, vector<16xi32>,
    %swap3A_796 = vector.shape_cast %swap3A_795 : vector<16xi32> to vector<16xi32>
    %swap3A_797 = vector.shape_cast %select_n3A_793 : vector<16xi32> to vector<16xi32>
    tpu.vector_store %arg13[%swap3A_794], %swap3A_797 {strides = array<i32>} : memref<160xi32, #tpu.memory_space<vmem>>, vector<16xi32>,
    %get3A_798 = arith.constant 511 : i32
    %get3A_799 = arith.index_cast %get3A_798 : i32 to index
    %get3A_800 = arith.constant 96 : index
    %get3A_801 = tpu.vector_load %arg7[%get3A_799, %get3A_800] {strides = array<i32>} : memref<512x128xf32, #tpu.memory_space<vmem>>, vector<1x16xf32>,
    %get3A_802 = vector.shape_cast %get3A_801 : vector<1x16xf32> to vector<16xf32>
    %get3A_803 = arith.constant 98 : index
    %get3A_804 = tpu.vector_load %arg10[%get3A_803] {strides = array<i32>} : memref<160xf32, #tpu.memory_space<vmem>>, vector<16xf32>,
    %get3A_805 = vector.shape_cast %get3A_804 : vector<16xf32> to vector<16xf32>
    %get3A_806 = arith.constant 98 : index
    %get3A_807 = tpu.vector_load %arg11[%get3A_806] {strides = array<i32>} : memref<160xi32, #tpu.memory_space<vmem>>, vector<16xi32>,
    %get3A_808 = vector.shape_cast %get3A_807 : vector<16xi32> to vector<16xi32>
    %get3A_809 = arith.constant 97 : index
    %get3A_810 = tpu.vector_load %arg10[%get3A_809] {strides = array<i32>} : memref<160xf32, #tpu.memory_space<vmem>>, vector<16xf32>,
    %get3A_811 = vector.shape_cast %get3A_810 : vector<16xf32> to vector<16xf32>
    %get3A_812 = arith.constant 97 : index
    %get3A_813 = tpu.vector_load %arg11[%get3A_812] {strides = array<i32>} : memref<160xi32, #tpu.memory_space<vmem>>, vector<16xi32>,
    %get3A_814 = vector.shape_cast %get3A_813 : vector<16xi32> to vector<16xi32>
    %get3A_815 = arith.constant 96 : index
    %get3A_816 = tpu.vector_load %arg10[%get3A_815] {strides = array<i32>} : memref<160xf32, #tpu.memory_space<vmem>>, vector<16xf32>,
    %get3A_817 = vector.shape_cast %get3A_816 : vector<16xf32> to vector<16xf32>
    %get3A_818 = arith.constant 96 : index
    %get3A_819 = tpu.vector_load %arg11[%get3A_818] {strides = array<i32>} : memref<160xi32, #tpu.memory_space<vmem>>, vector<16xi32>,
    %get3A_820 = vector.shape_cast %get3A_819 : vector<16xi32> to vector<16xi32>
    %gt3A_821 = arith.constant 0.000000e+00 : f32
    %gt3A_822 = vector.broadcast %gt3A_821 : f32 to vector<16xf32>
    %gt3A_823 = arith.cmpf ogt, %get3A_216, %gt3A_822 : vector<16xf32>
    %jit3A_824 = arith.constant -268435456 : i32
    %broadcast_in_dim3A_825 = vector.broadcast %jit3A_824 : i32 to vector<16xi32>
    %select_n3A_826 = arith.select %gt3A_823, %get3A_820, %broadcast_in_dim3A_825 : vector<16xi1>, vector<16xi32>
    %max3A_827 = arith.maxsi %get3A_808, %get3A_814 : vector<16xi32>
    %max3A_828 = arith.maxsi %max3A_827, %select_n3A_826 : vector<16xi32>
    %sub3A_829 = arith.subi %get3A_808, %max3A_828 : vector<16xi32>
    %add3A_830 = arith.constant 127 : i32
    %add3A_831 = vector.broadcast %add3A_830 : i32 to vector<16xi32>
    %add3A_832 = arith.addi %sub3A_829, %add3A_831 : vector<16xi32>
    %max3A_833 = arith.constant 0 : i32
    %max3A_834 = vector.broadcast %max3A_833 : i32 to vector<16xi32>
    %max3A_835 = arith.maxsi %add3A_832, %max3A_834 : vector<16xi32>
    %shift_left3A_836 = arith.constant 23 : i32
    %shift_left3A_837 = vector.broadcast %shift_left3A_836 : i32 to vector<16xi32>
    %shift_left3A_838 = arith.shli %max3A_835, %shift_left3A_837 : vector<16xi32>
    %bitcast_convert_type3A_839 = tpu.bitcast %shift_left3A_838 : vector<16xi32> -> vector<16xf32>
    %mul3A_840 = arith.mulf %get3A_805, %bitcast_convert_type3A_839 : vector<16xf32>
    %sub3A_841 = arith.subi %get3A_814, %max3A_828 : vector<16xi32>
    %add3A_842 = arith.constant 127 : i32
    %add3A_843 = vector.broadcast %add3A_842 : i32 to vector<16xi32>
    %add3A_844 = arith.addi %sub3A_841, %add3A_843 : vector<16xi32>
    %max3A_845 = arith.constant 0 : i32
    %max3A_846 = vector.broadcast %max3A_845 : i32 to vector<16xi32>
    %max3A_847 = arith.maxsi %add3A_844, %max3A_846 : vector<16xi32>
    %shift_left3A_848 = arith.constant 23 : i32
    %shift_left3A_849 = vector.broadcast %shift_left3A_848 : i32 to vector<16xi32>
    %shift_left3A_850 = arith.shli %max3A_847, %shift_left3A_849 : vector<16xi32>
    %bitcast_convert_type3A_851 = tpu.bitcast %shift_left3A_850 : vector<16xi32> -> vector<16xf32>
    %mul3A_852 = arith.mulf %get3A_811, %bitcast_convert_type3A_851 : vector<16xf32>
    %add3A_853 = arith.addf %mul3A_840, %mul3A_852 : vector<16xf32>
    %sub3A_854 = arith.subi %select_n3A_826, %max3A_828 : vector<16xi32>
    %add3A_855 = arith.constant 127 : i32
    %add3A_856 = vector.broadcast %add3A_855 : i32 to vector<16xi32>
    %add3A_857 = arith.addi %sub3A_854, %add3A_856 : vector<16xi32>
    %max3A_858 = arith.constant 0 : i32
    %max3A_859 = vector.broadcast %max3A_858 : i32 to vector<16xi32>
    %max3A_860 = arith.maxsi %add3A_857, %max3A_859 : vector<16xi32>
    %shift_left3A_861 = arith.constant 23 : i32
    %shift_left3A_862 = vector.broadcast %shift_left3A_861 : i32 to vector<16xi32>
    %shift_left3A_863 = arith.shli %max3A_860, %shift_left3A_862 : vector<16xi32>
    %bitcast_convert_type3A_864 = tpu.bitcast %shift_left3A_863 : vector<16xi32> -> vector<16xf32>
    %mul3A_865 = arith.mulf %get3A_817, %bitcast_convert_type3A_864 : vector<16xf32>
    %add3A_866 = arith.addf %add3A_853, %mul3A_865 : vector<16xf32>
    %mul3A_867 = arith.mulf %add3A_866, %get3A_802 : vector<16xf32>
    %bitcast_convert_type3A_868 = tpu.bitcast %mul3A_867 : vector<16xf32> -> vector<16xi32>
    %shift_right_logical3A_869 = arith.constant 23 : i32
    %shift_right_logical3A_870 = vector.broadcast %shift_right_logical3A_869 : i32 to vector<16xi32>
    %shift_right_logical3A_871 = arith.shrui %bitcast_convert_type3A_868, %shift_right_logical3A_870 : vector<16xi32>
    %and3A_872 = arith.constant 8388607 : i32
    %and3A_873 = vector.broadcast %and3A_872 : i32 to vector<16xi32>
    %and3A_874 = arith.andi %bitcast_convert_type3A_868, %and3A_873 : vector<16xi32>
    %or3A_875 = arith.constant 1065353216 : i32
    %or3A_876 = vector.broadcast %or3A_875 : i32 to vector<16xi32>
    %or3A_877 = arith.ori %and3A_874, %or3A_876 : vector<16xi32>
    %bitcast_convert_type3A_878 = tpu.bitcast %or3A_877 : vector<16xi32> -> vector<16xf32>
    %sub3A_879 = arith.constant 127 : i32
    %sub3A_880 = vector.broadcast %sub3A_879 : i32 to vector<16xi32>
    %sub3A_881 = arith.subi %shift_right_logical3A_871, %sub3A_880 : vector<16xi32>
    %add3A_882 = arith.addi %max3A_828, %sub3A_881 : vector<16xi32>
    %select_n3A_883 = arith.select %lt3A_230, %bitcast_convert_type3A_878, %get3A_805 : vector<16xi1>, vector<16xf32>
    %swap3A_884 = arith.constant 98 : index
    %swap3A_885 = tpu.vector_load %arg12[%swap3A_884] {strides = array<i32>} : memref<160xf32, #tpu.memory_space<vmem>>, vector<16xf32>,
    %swap3A_886 = vector.shape_cast %swap3A_885 : vector<16xf32> to vector<16xf32>
    %swap3A_887 = vector.shape_cast %select_n3A_883 : vector<16xf32> to vector<16xf32>
    tpu.vector_store %arg12[%swap3A_884], %swap3A_887 {strides = array<i32>} : memref<160xf32, #tpu.memory_space<vmem>>, vector<16xf32>,
    %select_n3A_888 = arith.select %lt3A_230, %add3A_882, %get3A_808 : vector<16xi1>, vector<16xi32>
    %swap3A_889 = arith.constant 98 : index
    %swap3A_890 = tpu.vector_load %arg13[%swap3A_889] {strides = array<i32>} : memref<160xi32, #tpu.memory_space<vmem>>, vector<16xi32>,
    %swap3A_891 = vector.shape_cast %swap3A_890 : vector<16xi32> to vector<16xi32>
    %swap3A_892 = vector.shape_cast %select_n3A_888 : vector<16xi32> to vector<16xi32>
    tpu.vector_store %arg13[%swap3A_889], %swap3A_892 {strides = array<i32>} : memref<160xi32, #tpu.memory_space<vmem>>, vector<16xi32>,
    %get3A_893 = arith.constant 511 : i32
    %get3A_894 = arith.index_cast %get3A_893 : i32 to index
    %get3A_895 = arith.constant 112 : index
    %get3A_896 = tpu.vector_load %arg7[%get3A_894, %get3A_895] {strides = array<i32>} : memref<512x128xf32, #tpu.memory_space<vmem>>, vector<1x16xf32>,
    %get3A_897 = vector.shape_cast %get3A_896 : vector<1x16xf32> to vector<16xf32>
    %get3A_898 = arith.constant 114 : index
    %get3A_899 = tpu.vector_load %arg10[%get3A_898] {strides = array<i32>} : memref<160xf32, #tpu.memory_space<vmem>>, vector<16xf32>,
    %get3A_900 = vector.shape_cast %get3A_899 : vector<16xf32> to vector<16xf32>
    %get3A_901 = arith.constant 114 : index
    %get3A_902 = tpu.vector_load %arg11[%get3A_901] {strides = array<i32>} : memref<160xi32, #tpu.memory_space<vmem>>, vector<16xi32>,
    %get3A_903 = vector.shape_cast %get3A_902 : vector<16xi32> to vector<16xi32>
    %get3A_904 = arith.constant 113 : index
    %get3A_905 = tpu.vector_load %arg10[%get3A_904] {strides = array<i32>} : memref<160xf32, #tpu.memory_space<vmem>>, vector<16xf32>,
    %get3A_906 = vector.shape_cast %get3A_905 : vector<16xf32> to vector<16xf32>
    %get3A_907 = arith.constant 113 : index
    %get3A_908 = tpu.vector_load %arg11[%get3A_907] {strides = array<i32>} : memref<160xi32, #tpu.memory_space<vmem>>, vector<16xi32>,
    %get3A_909 = vector.shape_cast %get3A_908 : vector<16xi32> to vector<16xi32>
    %get3A_910 = arith.constant 112 : index
    %get3A_911 = tpu.vector_load %arg10[%get3A_910] {strides = array<i32>} : memref<160xf32, #tpu.memory_space<vmem>>, vector<16xf32>,
    %get3A_912 = vector.shape_cast %get3A_911 : vector<16xf32> to vector<16xf32>
    %get3A_913 = arith.constant 112 : index
    %get3A_914 = tpu.vector_load %arg11[%get3A_913] {strides = array<i32>} : memref<160xi32, #tpu.memory_space<vmem>>, vector<16xi32>,
    %get3A_915 = vector.shape_cast %get3A_914 : vector<16xi32> to vector<16xi32>
    %gt3A_916 = arith.constant 0.000000e+00 : f32
    %gt3A_917 = vector.broadcast %gt3A_916 : f32 to vector<16xf32>
    %gt3A_918 = arith.cmpf ogt, %get3A_219, %gt3A_917 : vector<16xf32>
    %jit3A_919 = arith.constant -268435456 : i32
    %broadcast_in_dim3A_920 = vector.broadcast %jit3A_919 : i32 to vector<16xi32>
    %select_n3A_921 = arith.select %gt3A_918, %get3A_915, %broadcast_in_dim3A_920 : vector<16xi1>, vector<16xi32>
    %max3A_922 = arith.maxsi %get3A_903, %get3A_909 : vector<16xi32>
    %max3A_923 = arith.maxsi %max3A_922, %select_n3A_921 : vector<16xi32>
    %sub3A_924 = arith.subi %get3A_903, %max3A_923 : vector<16xi32>
    %add3A_925 = arith.constant 127 : i32
    %add3A_926 = vector.broadcast %add3A_925 : i32 to vector<16xi32>
    %add3A_927 = arith.addi %sub3A_924, %add3A_926 : vector<16xi32>
    %max3A_928 = arith.constant 0 : i32
    %max3A_929 = vector.broadcast %max3A_928 : i32 to vector<16xi32>
    %max3A_930 = arith.maxsi %add3A_927, %max3A_929 : vector<16xi32>
    %shift_left3A_931 = arith.constant 23 : i32
    %shift_left3A_932 = vector.broadcast %shift_left3A_931 : i32 to vector<16xi32>
    %shift_left3A_933 = arith.shli %max3A_930, %shift_left3A_932 : vector<16xi32>
    %bitcast_convert_type3A_934 = tpu.bitcast %shift_left3A_933 : vector<16xi32> -> vector<16xf32>
    %mul3A_935 = arith.mulf %get3A_900, %bitcast_convert_type3A_934 : vector<16xf32>
    %sub3A_936 = arith.subi %get3A_909, %max3A_923 : vector<16xi32>
    %add3A_937 = arith.constant 127 : i32
    %add3A_938 = vector.broadcast %add3A_937 : i32 to vector<16xi32>
    %add3A_939 = arith.addi %sub3A_936, %add3A_938 : vector<16xi32>
    %max3A_940 = arith.constant 0 : i32
    %max3A_941 = vector.broadcast %max3A_940 : i32 to vector<16xi32>
    %max3A_942 = arith.maxsi %add3A_939, %max3A_941 : vector<16xi32>
    %shift_left3A_943 = arith.constant 23 : i32
    %shift_left3A_944 = vector.broadcast %shift_left3A_943 : i32 to vector<16xi32>
    %shift_left3A_945 = arith.shli %max3A_942, %shift_left3A_944 : vector<16xi32>
    %bitcast_convert_type3A_946 = tpu.bitcast %shift_left3A_945 : vector<16xi32> -> vector<16xf32>
    %mul3A_947 = arith.mulf %get3A_906, %bitcast_convert_type3A_946 : vector<16xf32>
    %add3A_948 = arith.addf %mul3A_935, %mul3A_947 : vector<16xf32>
    %sub3A_949 = arith.subi %select_n3A_921, %max3A_923 : vector<16xi32>
    %add3A_950 = arith.constant 127 : i32
    %add3A_951 = vector.broadcast %add3A_950 : i32 to vector<16xi32>
    %add3A_952 = arith.addi %sub3A_949, %add3A_951 : vector<16xi32>
    %max3A_953 = arith.constant 0 : i32
    %max3A_954 = vector.broadcast %max3A_953 : i32 to vector<16xi32>
    %max3A_955 = arith.maxsi %add3A_952, %max3A_954 : vector<16xi32>
    %shift_left3A_956 = arith.constant 23 : i32
    %shift_left3A_957 = vector.broadcast %shift_left3A_956 : i32 to vector<16xi32>
    %shift_left3A_958 = arith.shli %max3A_955, %shift_left3A_957 : vector<16xi32>
    %bitcast_convert_type3A_959 = tpu.bitcast %shift_left3A_958 : vector<16xi32> -> vector<16xf32>
    %mul3A_960 = arith.mulf %get3A_912, %bitcast_convert_type3A_959 : vector<16xf32>
    %add3A_961 = arith.addf %add3A_948, %mul3A_960 : vector<16xf32>
    %mul3A_962 = arith.mulf %add3A_961, %get3A_897 : vector<16xf32>
    %bitcast_convert_type3A_963 = tpu.bitcast %mul3A_962 : vector<16xf32> -> vector<16xi32>
    %shift_right_logical3A_964 = arith.constant 23 : i32
    %shift_right_logical3A_965 = vector.broadcast %shift_right_logical3A_964 : i32 to vector<16xi32>
    %shift_right_logical3A_966 = arith.shrui %bitcast_convert_type3A_963, %shift_right_logical3A_965 : vector<16xi32>
    %and3A_967 = arith.constant 8388607 : i32
    %and3A_968 = vector.broadcast %and3A_967 : i32 to vector<16xi32>
    %and3A_969 = arith.andi %bitcast_convert_type3A_963, %and3A_968 : vector<16xi32>
    %or3A_970 = arith.constant 1065353216 : i32
    %or3A_971 = vector.broadcast %or3A_970 : i32 to vector<16xi32>
    %or3A_972 = arith.ori %and3A_969, %or3A_971 : vector<16xi32>
    %bitcast_convert_type3A_973 = tpu.bitcast %or3A_972 : vector<16xi32> -> vector<16xf32>
    %sub3A_974 = arith.constant 127 : i32
    %sub3A_975 = vector.broadcast %sub3A_974 : i32 to vector<16xi32>
    %sub3A_976 = arith.subi %shift_right_logical3A_966, %sub3A_975 : vector<16xi32>
    %add3A_977 = arith.addi %max3A_923, %sub3A_976 : vector<16xi32>
    %select_n3A_978 = arith.select %lt3A_230, %bitcast_convert_type3A_973, %get3A_900 : vector<16xi1>, vector<16xf32>
    %swap3A_979 = arith.constant 114 : index
    %swap3A_980 = tpu.vector_load %arg12[%swap3A_979] {strides = array<i32>} : memref<160xf32, #tpu.memory_space<vmem>>, vector<16xf32>,
    %swap3A_981 = vector.shape_cast %swap3A_980 : vector<16xf32> to vector<16xf32>
    %swap3A_982 = vector.shape_cast %select_n3A_978 : vector<16xf32> to vector<16xf32>
    tpu.vector_store %arg12[%swap3A_979], %swap3A_982 {strides = array<i32>} : memref<160xf32, #tpu.memory_space<vmem>>, vector<16xf32>,
    %select_n3A_983 = arith.select %lt3A_230, %add3A_977, %get3A_903 : vector<16xi1>, vector<16xi32>
    %swap3A_984 = arith.constant 114 : index
    %swap3A_985 = tpu.vector_load %arg13[%swap3A_984] {strides = array<i32>} : memref<160xi32, #tpu.memory_space<vmem>>, vector<16xi32>,
    %swap3A_986 = vector.shape_cast %swap3A_985 : vector<16xi32> to vector<16xi32>
    %swap3A_987 = vector.shape_cast %select_n3A_983 : vector<16xi32> to vector<16xi32>
    tpu.vector_store %arg13[%swap3A_984], %swap3A_987 {strides = array<i32>} : memref<160xi32, #tpu.memory_space<vmem>>, vector<16xi32>,
    %get3A_988 = arith.constant 511 : i32
    %get3A_989 = arith.index_cast %get3A_988 : i32 to index
    %get3A_990 = arith.constant 112 : index
    %get3A_991 = tpu.vector_load %arg7[%get3A_989, %get3A_990] {strides = array<i32>} : memref<512x128xf32, #tpu.memory_space<vmem>>, vector<1x16xf32>,
    %get3A_992 = vector.shape_cast %get3A_991 : vector<1x16xf32> to vector<16xf32>
    %get3A_993 = arith.constant 130 : index
    %get3A_994 = tpu.vector_load %arg10[%get3A_993] {strides = array<i32>} : memref<160xf32, #tpu.memory_space<vmem>>, vector<16xf32>,
    %get3A_995 = vector.shape_cast %get3A_994 : vector<16xf32> to vector<16xf32>
    %get3A_996 = arith.constant 130 : index
    %get3A_997 = tpu.vector_load %arg11[%get3A_996] {strides = array<i32>} : memref<160xi32, #tpu.memory_space<vmem>>, vector<16xi32>,
    %get3A_998 = vector.shape_cast %get3A_997 : vector<16xi32> to vector<16xi32>
    %get3A_999 = arith.constant 129 : index
    %get3A_1000 = tpu.vector_load %arg10[%get3A_999] {strides = array<i32>} : memref<160xf32, #tpu.memory_space<vmem>>, vector<16xf32>,
    %get3A_1001 = vector.shape_cast %get3A_1000 : vector<16xf32> to vector<16xf32>
    %get3A_1002 = arith.constant 129 : index
    %get3A_1003 = tpu.vector_load %arg11[%get3A_1002] {strides = array<i32>} : memref<160xi32, #tpu.memory_space<vmem>>, vector<16xi32>,
    %get3A_1004 = vector.shape_cast %get3A_1003 : vector<16xi32> to vector<16xi32>
    %get3A_1005 = arith.constant 128 : index
    %get3A_1006 = tpu.vector_load %arg10[%get3A_1005] {strides = array<i32>} : memref<160xf32, #tpu.memory_space<vmem>>, vector<16xf32>,
    %get3A_1007 = vector.shape_cast %get3A_1006 : vector<16xf32> to vector<16xf32>
    %get3A_1008 = arith.constant 128 : index
    %get3A_1009 = tpu.vector_load %arg11[%get3A_1008] {strides = array<i32>} : memref<160xi32, #tpu.memory_space<vmem>>, vector<16xi32>,
    %get3A_1010 = vector.shape_cast %get3A_1009 : vector<16xi32> to vector<16xi32>
    %gt3A_1011 = arith.constant 0.000000e+00 : f32
    %gt3A_1012 = vector.broadcast %gt3A_1011 : f32 to vector<16xf32>
    %gt3A_1013 = arith.cmpf ogt, %get3A_222, %gt3A_1012 : vector<16xf32>
    %jit3A_1014 = arith.constant -268435456 : i32
    %broadcast_in_dim3A_1015 = vector.broadcast %jit3A_1014 : i32 to vector<16xi32>
    %select_n3A_1016 = arith.select %gt3A_1013, %get3A_1010, %broadcast_in_dim3A_1015 : vector<16xi1>, vector<16xi32>
    %max3A_1017 = arith.maxsi %get3A_998, %get3A_1004 : vector<16xi32>
    %max3A_1018 = arith.maxsi %max3A_1017, %select_n3A_1016 : vector<16xi32>
    %sub3A_1019 = arith.subi %get3A_998, %max3A_1018 : vector<16xi32>
    %add3A_1020 = arith.constant 127 : i32
    %add3A_1021 = vector.broadcast %add3A_1020 : i32 to vector<16xi32>
    %add3A_1022 = arith.addi %sub3A_1019, %add3A_1021 : vector<16xi32>
    %max3A_1023 = arith.constant 0 : i32
    %max3A_1024 = vector.broadcast %max3A_1023 : i32 to vector<16xi32>
    %max3A_1025 = arith.maxsi %add3A_1022, %max3A_1024 : vector<16xi32>
    %shift_left3A_1026 = arith.constant 23 : i32
    %shift_left3A_1027 = vector.broadcast %shift_left3A_1026 : i32 to vector<16xi32>
    %shift_left3A_1028 = arith.shli %max3A_1025, %shift_left3A_1027 : vector<16xi32>
    %bitcast_convert_type3A_1029 = tpu.bitcast %shift_left3A_1028 : vector<16xi32> -> vector<16xf32>
    %mul3A_1030 = arith.mulf %get3A_995, %bitcast_convert_type3A_1029 : vector<16xf32>
    %sub3A_1031 = arith.subi %get3A_1004, %max3A_1018 : vector<16xi32>
    %add3A_1032 = arith.constant 127 : i32
    %add3A_1033 = vector.broadcast %add3A_1032 : i32 to vector<16xi32>
    %add3A_1034 = arith.addi %sub3A_1031, %add3A_1033 : vector<16xi32>
    %max3A_1035 = arith.constant 0 : i32
    %max3A_1036 = vector.broadcast %max3A_1035 : i32 to vector<16xi32>
    %max3A_1037 = arith.maxsi %add3A_1034, %max3A_1036 : vector<16xi32>
    %shift_left3A_1038 = arith.constant 23 : i32
    %shift_left3A_1039 = vector.broadcast %shift_left3A_1038 : i32 to vector<16xi32>
    %shift_left3A_1040 = arith.shli %max3A_1037, %shift_left3A_1039 : vector<16xi32>
    %bitcast_convert_type3A_1041 = tpu.bitcast %shift_left3A_1040 : vector<16xi32> -> vector<16xf32>
    %mul3A_1042 = arith.mulf %get3A_1001, %bitcast_convert_type3A_1041 : vector<16xf32>
    %add3A_1043 = arith.addf %mul3A_1030, %mul3A_1042 : vector<16xf32>
    %sub3A_1044 = arith.subi %select_n3A_1016, %max3A_1018 : vector<16xi32>
    %add3A_1045 = arith.constant 127 : i32
    %add3A_1046 = vector.broadcast %add3A_1045 : i32 to vector<16xi32>
    %add3A_1047 = arith.addi %sub3A_1044, %add3A_1046 : vector<16xi32>
    %max3A_1048 = arith.constant 0 : i32
    %max3A_1049 = vector.broadcast %max3A_1048 : i32 to vector<16xi32>
    %max3A_1050 = arith.maxsi %add3A_1047, %max3A_1049 : vector<16xi32>
    %shift_left3A_1051 = arith.constant 23 : i32
    %shift_left3A_1052 = vector.broadcast %shift_left3A_1051 : i32 to vector<16xi32>
    %shift_left3A_1053 = arith.shli %max3A_1050, %shift_left3A_1052 : vector<16xi32>
    %bitcast_convert_type3A_1054 = tpu.bitcast %shift_left3A_1053 : vector<16xi32> -> vector<16xf32>
    %mul3A_1055 = arith.mulf %get3A_1007, %bitcast_convert_type3A_1054 : vector<16xf32>
    %add3A_1056 = arith.addf %add3A_1043, %mul3A_1055 : vector<16xf32>
    %mul3A_1057 = arith.mulf %add3A_1056, %get3A_992 : vector<16xf32>
    %bitcast_convert_type3A_1058 = tpu.bitcast %mul3A_1057 : vector<16xf32> -> vector<16xi32>
    %shift_right_logical3A_1059 = arith.constant 23 : i32
    %shift_right_logical3A_1060 = vector.broadcast %shift_right_logical3A_1059 : i32 to vector<16xi32>
    %shift_right_logical3A_1061 = arith.shrui %bitcast_convert_type3A_1058, %shift_right_logical3A_1060 : vector<16xi32>
    %and3A_1062 = arith.constant 8388607 : i32
    %and3A_1063 = vector.broadcast %and3A_1062 : i32 to vector<16xi32>
    %and3A_1064 = arith.andi %bitcast_convert_type3A_1058, %and3A_1063 : vector<16xi32>
    %or3A_1065 = arith.constant 1065353216 : i32
    %or3A_1066 = vector.broadcast %or3A_1065 : i32 to vector<16xi32>
    %or3A_1067 = arith.ori %and3A_1064, %or3A_1066 : vector<16xi32>
    %bitcast_convert_type3A_1068 = tpu.bitcast %or3A_1067 : vector<16xi32> -> vector<16xf32>
    %sub3A_1069 = arith.constant 127 : i32
    %sub3A_1070 = vector.broadcast %sub3A_1069 : i32 to vector<16xi32>
    %sub3A_1071 = arith.subi %shift_right_logical3A_1061, %sub3A_1070 : vector<16xi32>
    %add3A_1072 = arith.addi %max3A_1018, %sub3A_1071 : vector<16xi32>
    %select_n3A_1073 = arith.select %lt3A_230, %bitcast_convert_type3A_1068, %get3A_995 : vector<16xi1>, vector<16xf32>
    %swap3A_1074 = arith.constant 130 : index
    %swap3A_1075 = tpu.vector_load %arg12[%swap3A_1074] {strides = array<i32>} : memref<160xf32, #tpu.memory_space<vmem>>, vector<16xf32>,
    %swap3A_1076 = vector.shape_cast %swap3A_1075 : vector<16xf32> to vector<16xf32>
    %swap3A_1077 = vector.shape_cast %select_n3A_1073 : vector<16xf32> to vector<16xf32>
    tpu.vector_store %arg12[%swap3A_1074], %swap3A_1077 {strides = array<i32>} : memref<160xf32, #tpu.memory_space<vmem>>, vector<16xf32>,
    %select_n3A_1078 = arith.select %lt3A_230, %add3A_1072, %get3A_998 : vector<16xi1>, vector<16xi32>
    %swap3A_1079 = arith.constant 130 : index
    %swap3A_1080 = tpu.vector_load %arg13[%swap3A_1079] {strides = array<i32>} : memref<160xi32, #tpu.memory_space<vmem>>, vector<16xi32>,
    %swap3A_1081 = vector.shape_cast %swap3A_1080 : vector<16xi32> to vector<16xi32>
    %swap3A_1082 = vector.shape_cast %select_n3A_1078 : vector<16xi32> to vector<16xi32>
    tpu.vector_store %arg13[%swap3A_1079], %swap3A_1082 {strides = array<i32>} : memref<160xi32, #tpu.memory_space<vmem>>, vector<16xi32>,
    "tpu.region"() ({
      %run_scoped3A = tpu.sem_alloc : memref<!tpu.dma_semaphore, #tpu.memory_space<semaphore_mem>>
      %dma_start3A = arith.constant 0 : i32
      %dma_start3A_1083 = tpu.memref_slice %arg5[%add3A, %dma_start3A] : memref<32x160xf32, #tpu.memory_space<hbm>> -> memref<1x160xf32, #tpu.memory_space<hbm>>
      %dma_start3A_1084 = tpu.memref_squeeze %dma_start3A_1083 : memref<1x160xf32, #tpu.memory_space<hbm>> -> memref<160xf32, #tpu.memory_space<hbm>>
      %dma_start3A_1085 = arith.constant 0 : i32
      %dma_start3A_1086 = tpu.memref_slice %arg5[%add3A, %dma_start3A_1085] : memref<32x160xf32, #tpu.memory_space<hbm>> -> memref<1x160xf32, #tpu.memory_space<hbm>>
      %dma_start3A_1087 = tpu.memref_squeeze %dma_start3A_1086 : memref<1x160xf32, #tpu.memory_space<hbm>> -> memref<160xf32, #tpu.memory_space<hbm>>
      tpu.enqueue_dma source(%arg12 : memref<160xf32, #tpu.memory_space<vmem>>) target(%dma_start3A_1087 : memref<160xf32, #tpu.memory_space<hbm>>) target_semaphore(%run_scoped3A : memref<!tpu.dma_semaphore, #tpu.memory_space<semaphore_mem>>)
      %dma_wait3A = arith.constant 0 : i32
      %dma_wait3A_1088 = tpu.memref_slice %arg5[%add3A, %dma_wait3A] : memref<32x160xf32, #tpu.memory_space<hbm>> -> memref<1x160xf32, #tpu.memory_space<hbm>>
      %dma_wait3A_1089 = tpu.memref_squeeze %dma_wait3A_1088 : memref<1x160xf32, #tpu.memory_space<hbm>> -> memref<160xf32, #tpu.memory_space<hbm>>
      %dma_wait3A_1090 = arith.constant 0 : i32
      %dma_wait3A_1091 = tpu.memref_slice %arg5[%add3A, %dma_wait3A_1090] : memref<32x160xf32, #tpu.memory_space<hbm>> -> memref<1x160xf32, #tpu.memory_space<hbm>>
      %dma_wait3A_1092 = tpu.memref_squeeze %dma_wait3A_1091 : memref<1x160xf32, #tpu.memory_space<hbm>> -> memref<160xf32, #tpu.memory_space<hbm>>
      tpu.wait_dma2 semaphore(%run_scoped3A : memref<!tpu.dma_semaphore, #tpu.memory_space<semaphore_mem>>) src(%arg12 : memref<160xf32, #tpu.memory_space<vmem>>) dst(%dma_wait3A_1092 : memref<160xf32, #tpu.memory_space<hbm>>)
      tpu.yield
    }) : () -> ()
    "tpu.region"() ({
      %run_scoped3A = tpu.sem_alloc : memref<!tpu.dma_semaphore, #tpu.memory_space<semaphore_mem>>
      %dma_start3A = arith.constant 0 : i32
      %dma_start3A_1083 = tpu.memref_slice %arg6[%add3A, %dma_start3A] : memref<32x160xi32, #tpu.memory_space<hbm>> -> memref<1x160xi32, #tpu.memory_space<hbm>>
      %dma_start3A_1084 = tpu.memref_squeeze %dma_start3A_1083 : memref<1x160xi32, #tpu.memory_space<hbm>> -> memref<160xi32, #tpu.memory_space<hbm>>
      %dma_start3A_1085 = arith.constant 0 : i32
      %dma_start3A_1086 = tpu.memref_slice %arg6[%add3A, %dma_start3A_1085] : memref<32x160xi32, #tpu.memory_space<hbm>> -> memref<1x160xi32, #tpu.memory_space<hbm>>
      %dma_start3A_1087 = tpu.memref_squeeze %dma_start3A_1086 : memref<1x160xi32, #tpu.memory_space<hbm>> -> memref<160xi32, #tpu.memory_space<hbm>>
      tpu.enqueue_dma source(%arg13 : memref<160xi32, #tpu.memory_space<vmem>>) target(%dma_start3A_1087 : memref<160xi32, #tpu.memory_space<hbm>>) target_semaphore(%run_scoped3A : memref<!tpu.dma_semaphore, #tpu.memory_space<semaphore_mem>>)
      %dma_wait3A = arith.constant 0 : i32
      %dma_wait3A_1088 = tpu.memref_slice %arg6[%add3A, %dma_wait3A] : memref<32x160xi32, #tpu.memory_space<hbm>> -> memref<1x160xi32, #tpu.memory_space<hbm>>
      %dma_wait3A_1089 = tpu.memref_squeeze %dma_wait3A_1088 : memref<1x160xi32, #tpu.memory_space<hbm>> -> memref<160xi32, #tpu.memory_space<hbm>>
      %dma_wait3A_1090 = arith.constant 0 : i32
      %dma_wait3A_1091 = tpu.memref_slice %arg6[%add3A, %dma_wait3A_1090] : memref<32x160xi32, #tpu.memory_space<hbm>> -> memref<1x160xi32, #tpu.memory_space<hbm>>
      %dma_wait3A_1092 = tpu.memref_squeeze %dma_wait3A_1091 : memref<1x160xi32, #tpu.memory_space<hbm>> -> memref<160xi32, #tpu.memory_space<hbm>>
      tpu.wait_dma2 semaphore(%run_scoped3A : memref<!tpu.dma_semaphore, #tpu.memory_space<semaphore_mem>>) src(%arg13 : memref<160xi32, #tpu.memory_space<vmem>>) dst(%dma_wait3A_1092 : memref<160xi32, #tpu.memory_space<hbm>>)
      tpu.yield
    }) : () -> ()
    return
  }
}

module attributes {stable_mosaic.version = 14 : i64} {
  func.func @_gather_kernel(%arg0: i32, %arg1: memref<1x512x1024xf32, #tpu.memory_space<vmem>>, %arg2: memref<1x1x128xi32, #tpu.memory_space<vmem>>, %arg3: memref<1x512x128xf32, #tpu.memory_space<vmem>>) attributes {dimension_semantics = [#tpu.dimension_semantics<arbitrary>], iteration_bounds = array<i64: 32>, scalar_prefetch = 0 : i64, scratch_operands = 0 : i64, tpu.core_type = #tpu.core_type<tc>, window_params = [{transform_indices = @transform_0, window_bounds = array<i64: 1, 512, 1024>}, {transform_indices = @transform_1, window_bounds = array<i64: 1, 1, 128>}, {transform_indices = @transform_2, window_bounds = array<i64: 1, 512, 128>}]} {
    %get3A = arith.constant 0 : index
    %get3A_0 = arith.constant 0 : index
    %get3A_1 = arith.constant 0 : index
    %get3A_2 = vector.load %arg1[%get3A, %get3A_0, %get3A_1] : memref<1x512x1024xf32, #tpu.memory_space<vmem>>, vector<1x512x1024xf32>
    %get3A_3 = vector.shape_cast %get3A_2 : vector<1x512x1024xf32> to vector<512x1024xf32>
    %reduce_max3A = arith.constant dense<0xFF800000> : vector<512xf32>
    %reduce_max3A_4 = vector.multi_reduction <maximumf>, %get3A_3, %reduce_max3A [1] : vector<512x1024xf32> to vector<512xf32>
    %broadcast_in_dim3A = vector.shape_cast %reduce_max3A_4 : vector<512xf32> to vector<512x1xf32>
    %sub3A = vector.broadcast %broadcast_in_dim3A : vector<512x1xf32> to vector<512x1024xf32>
    %sub3A_5 = arith.subf %get3A_3, %sub3A : vector<512x1024xf32>
    %exp3A = math.exp %sub3A_5 : vector<512x1024xf32>
    %reduce_sum3A = arith.constant dense<0.000000e+00> : vector<512xf32>
    %reduce_sum3A_6 = vector.multi_reduction <add>, %exp3A, %reduce_sum3A [1] : vector<512x1024xf32> to vector<512xf32>
    %broadcast_in_dim3A_7 = vector.shape_cast %reduce_sum3A_6 : vector<512xf32> to vector<512x1xf32>
    %get3A_8 = arith.constant 0 : index
    %get3A_9 = arith.constant 0 : index
    %get3A_10 = arith.constant 0 : index
    %get3A_11 = vector.load %arg2[%get3A_8, %get3A_9, %get3A_10] : memref<1x1x128xi32, #tpu.memory_space<vmem>>, vector<1x1x128xi32>
    %get3A_12 = vector.shape_cast %get3A_11 : vector<1x1x128xi32> to vector<1x128xi32>
    %iota3A = tpu.iota {dimensions = array<i32: 0>} : vector<1024x128xi32>
    %eq3A = vector.broadcast %get3A_12 : vector<1x128xi32> to vector<1024x128xi32>
    %eq3A_13 = arith.cmpi eq, %iota3A, %eq3A : vector<1024x128xi32>
    %convert_element_type3A = arith.extui %eq3A_13 : vector<1024x128xi1> to vector<1024x128xi32>
    %convert_element_type3A_14 = arith.sitofp %convert_element_type3A : vector<1024x128xi32> to vector<1024x128xf32>
    %dot_general3A = arith.constant dense<0.000000e+00> : vector<512x128xf32>
    %dot_general3A_15 = tpu.matmul %exp3A, %convert_element_type3A_14, %dot_general3A {dimension_numbers = #tpu.dot_dimension_numbers<[1], [0], [0], [1], [0, 0, 1, 1], [], []>, transpose_lhs_hint = false} : vector<512x1024xf32>, vector<1024x128xf32>, vector<512x128xf32> -> vector<512x128xf32>
    %div3A = arith.constant 1.000000e+00 : f32
    %div3A_16 = vector.broadcast %div3A : f32 to vector<512x1xf32>
    %div3A_17 = arith.divf %div3A_16, %broadcast_in_dim3A_7 : vector<512x1xf32>
    %mul3A = vector.broadcast %div3A_17 : vector<512x1xf32> to vector<512x128xf32>
    %mul3A_18 = arith.mulf %dot_general3A_15, %mul3A : vector<512x128xf32>
    %swap3A = arith.constant 0 : index
    %swap3A_19 = arith.constant 0 : index
    %swap3A_20 = arith.constant 0 : index
    %swap3A_21 = vector.load %arg3[%swap3A, %swap3A_19, %swap3A_20] : memref<1x512x128xf32, #tpu.memory_space<vmem>>, vector<1x512x128xf32>
    %swap3A_22 = vector.shape_cast %swap3A_21 : vector<1x512x128xf32> to vector<512x128xf32>
    %swap3A_23 = vector.shape_cast %mul3A_18 : vector<512x128xf32> to vector<1x512x128xf32>
    tpu.vector_store %arg3[%swap3A, %swap3A_19, %swap3A_20], %swap3A_23 {strides = array<i32>} : memref<1x512x128xf32, #tpu.memory_space<vmem>>, vector<1x512x128xf32>,
    return
  }
  func.func @transform_0(%arg0: i32) -> (i32, i32, i32) {
    %c0_i32 = arith.constant 0 : i32
    %c0_i32_0 = arith.constant 0 : i32
    %c0_i32_1 = arith.constant 0 : i32
    return %arg0, %c0_i32, %c0_i32_0 : i32, i32, i32
  }
  func.func @transform_1(%arg0: i32) -> (i32, i32, i32) {
    %c0_i32 = arith.constant 0 : i32
    %c0_i32_0 = arith.constant 0 : i32
    %c0_i32_1 = arith.constant 0 : i32
    return %arg0, %c0_i32, %c0_i32_0 : i32, i32, i32
  }
  func.func @transform_2(%arg0: i32) -> (i32, i32, i32) {
    %c0_i32 = arith.constant 0 : i32
    %c0_i32_0 = arith.constant 0 : i32
    %c0_i32_1 = arith.constant 0 : i32
    return %arg0, %c0_i32, %c0_i32_0 : i32, i32, i32
  }
}

</mosaic_0001>

<sc_bundles>
// kernel: kernel.4.cloned.1.call-start
scs
__scs_entry_jumppad:
0x0: {  	(pc) =	sbr.rel $0x88, $3  }
0x1: {  	(tag) =	ssettag $0x0;
	lr =	simm.s32 $0x1  }
0x2: {  	[smem:$0x3F9D] =	sst lr;
	_ =	strace $0xD0000000  }
0x3: {  	_ = 	snop  }
0x4: {  	_ = 	snop  }
0x5: {  	_ = 	snop  }
0x6: {  	_ = 	snop  }
0x7: {  	_ = 	snop  }
__scs_overlays_trampoline_lowered:
0x8: {  	[smem:$0x3FAC] =	sst s0  }
0x9: {  	[smem:$0x3FAD] =	sst s1  }
0xa: {  	[smem:$0x3FAE] =	sst s2  }
0xb: {  	[smem:$0x3FAF] =	sst s3  }
0xc: {  	[smem:$0x3FB0] =	sst s4  }
0xd: {  	[smem:$0x3FB1] =	sst s5  }
0xe: {  	[smem:$0x3FB2] =	sst s6  }
0xf: {  	[smem:$0x3FB3] =	sst s7  }
0x10: {  	[smem:$0x3FB4] =	sst s8  }
0x11: {  	[smem:$0x3FB5] =	sst s9;
	s0 =	simm.s32 @!p0 $0x0  }
0x12: {  	s1 =	sld [smem:$0x3F9B];
	s0 =	simm.s32 @p0 $0x1  }
0x13: {  	[smem:$0x3FB6] =	sst s0;
	s0 =	simm.s32 @!p1 $0x0  }
0x14: {  	s2 =	sld [smem:$0x3F9A];
	s0 =	simm.s32 @p1 $0x1  }
0x15: {  	[smem:$0x3FB7] =	sst s0;
	s0 =	simm.s32 @!p2 $0x0  }
0x16: {  	s3 =	sld [smem:$0x3FDB];
	s0 =	simm.s32 @p2 $0x1  }
0x17: {  	s4 =	simm.s32 $0x1BF5;
	[smem:$0x3FB9] =	sst s0  }
0x18: {  	s0 =	sld [smem:$0x3F9C];
	_ =	swait.ge [sflag:s4], $0x0  }
0x19: {  	s7 =	sld [smem:$0x3F9D]  }
0x1a: {  	s8 =	sadd.s32 $0xFFFFE003, lr  }
0x1b: {  	s9 =	sadd.s32 $0xFFFFFEF7, lr;
	s5 =	simm.s32 $0xFFFFFFFF;
	p2 =	slt.u32 s8, $0xFFFFF086  }
0x1c: {  	p1 =	slt.u32 s9, $0xF7A;
	s5 =	simm.s32 @!p2 $0x0  }
0x1d: {  	s5 =	simm.s32 @p1 $0x1;
	p0 =	seq.s32 s7, s2  }
0x1e: {  	s7 =	smul.u32 @!p0 $0xF7A, s2;
	p2 =	seq.s32 @!p0 s5, $0x0  }
0x1f: {  	s9 =	smul.u32 $0xF7A, s1;
	s8 =	simm.s32 @!p0 $0x1BF5;
	p2 =	por !p2, p0  }
0x20: {  	[sflag:s8] =	ssyncset.s32 @!p0 $0xFFFFF086;
	s6 =	sadd.s32 @!p0 s3, s7;
	s7 =	simm.s32 @!p0 $0x108  }
0x21: {  	s3 =	sadd.s32 s3, s9;
	s6 =	sadd.s32 @!p0 $0x88, s6;
	s7 =	simm.s32 @p2 $0x1082  }
0x22: {  	[simem:s7], [sflag:s8] =	dma.local @!p0 [hbm:s6], $0xF7A  }
0x23: {  	s9 =	sor.u32 $0xD0000000, s2;
	s6 =	simm.s32 $0x108;
	_ =	swait.ge @!p0 [sflag:s8], $0x0  }
0x24: {  	s3 =	sadd.s32 $0x88, s3;
	s6 =	simm.s32 @!p1 $0x1082;
	[sflag:s4] =	ssyncset.s32 $0xFFFFF086  }
0x25: {  	[simem:s6], [sflag:s4] =	dma.local [hbm:s3], $0xF7A  }
0x26: {  	[smem:$0x3F9D] =	sst s1;
	(tag) =	ssettag s2;
	_ =	strace s9  }
0x27: {  	s1 =	sld [smem:$0x3FAD]  }
0x28: {  	s2 =	sld [smem:$0x3FAE]  }
0x29: {  	s4 =	sld [smem:$0x3FB0]  }
0x2a: {  	p0 =	seq.s32 s5, $0x0;
	s5 =	sld [smem:$0x3FB1]  }
0x2b: {  	s6 =	sld [smem:$0x3FB2]  }
0x2c: {  	s7 =	sld [smem:$0x3FB3]  }
0x2d: {  	s3 =	simm.s32 $0x108;
	s8 =	sld [smem:$0x3FB4]  }
0x2e: {  	s3 =	simm.s32 @!p0 $0x1082;
	s9 =	sld [smem:$0x3FB5]  }
0x2f: {  	lr =	sadd.s32 s0, s3;
	s0 =	sld [smem:$0x3FAC]  }
0x30: {  	s3 =	sld [smem:$0x3FAF]  }
0x31: {  	[smem:$0x3FB8] =	sst s10  }
0x32: {  	s10 =	sld [smem:$0x3FB6];
	_ =	sdelay $0x3  }
0x33: {  	p0 =	seq.s32 s10, $0x1;
	s10 =	sld [smem:$0x3FB8];
	_ =	sdelay $0x3  }
0x34: {  	[smem:$0x3FB8] =	sst s10  }
0x35: {  	s10 =	sld [smem:$0x3FB7];
	_ =	sdelay $0x3  }
0x36: {  	p1 =	seq.s32 s10, $0x1;
	s10 =	sld [smem:$0x3FB8];
	_ =	sdelay $0x3  }
0x37: {  	[smem:$0x3FB8] =	sst s10  }
0x38: {  	s10 =	sld [smem:$0x3FB9]  }
0x39: {  	_ = 	snop;
	(pc) =	sbr.ind lr, $3  }
0x3a: {  	_ = 	snop  }
0x3b: {  	_ = 	snop  }
0x3c: {  	p2 =	seq.s32 s10, $0x1;
	s10 =	sld [smem:$0x3FB8]  }
0x3d: {  	_ =	shalt  }
0x3e: {  	_ =	shalt  }
0x3f: {  	_ =	shalt  }
0x40: {  	_ =	shalt  }
0x41: {  	_ =	shalt  }
0x42: {  	_ =	shalt  }
0x43: {  	_ =	shalt  }
0x44: {  	_ =	shalt  }
0x45: {  	_ =	shalt  }
0x46: {  	_ =	shalt  }
0x47: {  	_ =	shalt  }
0x48: {  	_ =	shalt  }
0x49: {  	_ =	shalt  }
0x4a: {  	_ =	shalt  }
0x4b: {  	_ =	shalt  }
0x4c: {  	_ =	shalt  }
0x4d: {  	_ =	shalt  }
0x4e: {  	_ =	shalt  }
0x4f: {  	_ =	shalt  }
0x50: {  	_ =	shalt  }
0x51: {  	_ =	shalt  }
0x52: {  	_ =	shalt  }
0x53: {  	_ =	shalt  }
0x54: {  	_ =	shalt  }
0x55: {  	_ =	shalt  }
0x56: {  	_ =	shalt  }
0x57: {  	_ =	shalt  }
0x58: {  	_ =	shalt  }
0x59: {  	_ =	shalt  }
0x5a: {  	_ =	shalt  }
0x5b: {  	_ =	shalt  }
0x5c: {  	_ =	shalt  }
0x5d: {  	_ =	shalt  }
0x5e: {  	_ =	shalt  }
0x5f: {  	_ =	shalt  }
0x60: {  	_ =	shalt  }
0x61: {  	_ =	shalt  }
0x62: {  	_ =	shalt  }
0x63: {  	_ =	shalt  }
0x64: {  	_ =	shalt  }
0x65: {  	_ =	shalt  }
0x66: {  	_ =	shalt  }
0x67: {  	_ =	shalt  }
0x68: {  	_ =	shalt  }
0x69: {  	_ =	shalt  }
0x6a: {  	_ =	shalt  }
0x6b: {  	_ =	shalt  }
0x6c: {  	_ =	shalt  }
0x6d: {  	_ =	shalt  }
0x6e: {  	_ =	shalt  }
0x6f: {  	_ =	shalt  }
0x70: {  	_ =	shalt  }
0x71: {  	_ =	shalt  }
0x72: {  	_ =	shalt  }
0x73: {  	_ =	shalt  }
0x74: {  	_ =	shalt  }
0x75: {  	_ =	shalt  }
0x76: {  	_ =	shalt  }
0x77: {  	_ =	shalt  }
0x78: {  	_ =	shalt  }
0x79: {  	_ =	shalt  }
0x7a: {  	_ =	shalt  }
0x7b: {  	_ =	shalt  }
0x7c: {  	_ =	shalt  }
0x7d: {  	_ =	shalt  }
0x7e: {  	_ =	shalt  }
0x7f: {  	_ =	shalt  }
0x80: {  	_ =	shalt  }
0x81: {  	_ =	shalt  }
0x82: {  	_ =	shalt  }
0x83: {  	_ =	shalt  }
0x84: {  	_ =	shalt  }
0x85: {  	_ =	shalt  }
0x86: {  	_ =	shalt  }
0x87: {  	_ =	shalt  }
.Lfunc_end0:
.L_simem_size_0:
called_computation_lowered:
.L_overlay_start_0:
0x88: {  	s2 =	sld [smem:$0x3FD9]  }
0x89: {  	s3 =	sld [smem:$0x3FFE];
	_ =	sdelay $0x1  }
0x8a: {  	s1 =	srdreg.scid  }
0x8b: {  	s0 =	sand.u32 $0x1, s1  }
0x8c: {  	s16 =	sshll.u32 s0, $0xA;
	s2 =	sadd.s32 s3, s2  }
0x8d: {  	s2 =	sadd.s32 s2, s16  }
0x8e: {  	[smem:$0x3FC4] =	sst s2  }
0x8f: {  	_ = 	snop  }
0x90: {  	(tm) =	ssettm $0x1  }
0x91: {  	s17 =	sld [smem:$0x3FFB];
	_ =	sdelay $0x3  }
0x92: {  	_ =	strace s17  }
0x93: {  	s2 =	sld [smem:$0x3FFC];
	_ =	sdelay $0x3  }
0x94: {  	_ =	strace s2  }
0x95: {  	s2 =	sld [smem:$0x3FFD];
	_ =	sdelay $0x3  }
0x96: {  	_ =	strace s2  }
0x97: {  	_ =	strace $0x8FFFFFFF  }
0x98: {  	s18 =	sld [smem:$0x3FDB];
	_ =	sdelay $0x1  }
0x99: {  	s19 =	simm.s32 $_scs_section_size  }
0x9a: {  	s4 =	simm.s32 $_size__tile_overlayer_lowered;
	s5 =	simm.s32 $_tile_overlayer_lowered  }
0x9b: {  	s22 =	simm.s32 $0x1BFF;
	s21 =	sshll.u32 s5, $0x1;
	s2 =	sadd.s32 s19, s18  }
0x9c: {  	s6 =	simm.s32 $0x0;
	s20 =	sshll.u32 s4, $0x1;
	s4 =	sadd.s32 s21, s2  }
0x9d: {  	[timem:s6], [sflag:s22] =	dma.local [hbm:s4], s20  }
0x9e: {  	_ =	swait.ge [sflag:s22], s20  }
0x9f: {  	s3 =	ssub.s32 $0x0, s20;
	[sflag:s22] =	ssyncset.done $0x0  }
0xa0: {  	[sflag:s22] =	ssyncadd.s32 s3;
	_ =	sdelay $0x1  }
0xa1: {  	s23 =	simm.s32 $0x1B8B  }
0xa2: {  	_ =	swait.ge [sflag:s23], $0x1  }
0xa3: {  	[sflag:s23] =	ssyncset.done $0x0  }
0xa4: {  	s25 =	simm.s32 $0x1B8E;
	s24 =	sld [smem:$0x3FFE];
	[sflag:s23] =	ssyncadd.s32 $0xFFFFFFFF  }
0xa5: {  	s26 =	simm.s32 $execute0_lowered;
	[smem:$0x3FD2] =	sst s25  }
0xa6: {  	s4 =	sshll.u32 s26, $0x1;
	_ =	strace $0x80000046;
	[dreg:$0x1] =	wrdreg $0xFFFFFFFF  }
0xa7: {  	s28 =	simm.s32 $_size_execute0_lowered;
	s2 =	sadd.s32 s2, s4;
	[dreg:$0x0] =	wrdreg $0x0  }
0xa8: {  	s4 =	sshll.u32 s28, $0x1;
	[dreg:$0x2] =	wrdreg s2  }
0xa9: {  	[dreg:$0x3] =	wrdreg s4  }
0xaa: {  	[dreg:$0x4] =	wrdreg $0xC0  }
0xab: {  	_ =	task [dreg:s6], $0x5FFFF  }
0xac: {  	[dreg:$0x1] =	wrdreg $0xFFFFFFFF  }
0xad: {  	[dreg:$0x0] =	wrdreg $0x60  }
0xae: {  	[dreg:$0x2] =	wrdreg s24  }
0xaf: {  	[dreg:$0x3] =	wrdreg $0x9  }
0xb0: {  	_ =	task.clear_ibuf [dreg:s6], $0x4FFFF;
	_ =	strace $0x90000046  }
0xb1: {  	s29 =	simm.s32 $0x9;
	_ =	strace $0x80000048  }
0xb2: {  	_ =	swait.ge [sflag:s29], $0x1  }
0xb3: {  	[sflag:s29] =	ssyncadd.s32 $0xFFFFFFFF  }
0xb4: {  	_ =	strace $0x90000048  }
0xb5: {  	_ =	sfence  }
0xb6: {  	s30 =	sld [smem:$0x0];
	_ =	sdelay $0x2  }
0xb7: {  	s31 =	sshll.u32 s1, $0xD;
	s1 =	sshrl.u32 s1, $0x2  }
0xb8: {  	s3 =	sand.u32 $0x4000, s31;
	s1 =	sadd.s32 s1, s30  }
0xb9: {  	s0 =	sor.u32 s3, s0;
	s1 =	sshll.u32 s1, $0x11  }
0xba: {  	s0 =	sor.u32 s1, s0  }
0xbb: {  	s0 =	sadd.s32 $0x8F2B, s0  }
0xbc: {  	[sflag:s0] =	ssyncadd.remote.s32 $0x1  }
0xbd: {  	_ =	sfence.sel $0xFFFF  }
0xbe: {  	[dreg:$0x0] =	wrdreg $0xFFFFFFFF;
	(pc) =	sbr.abs _section_cstart, $3  }
0xbf: {  	[dreg:$0x1] =	wrdreg $0xFFFFFFFF  }
0xc0: {  	_ =	task.clear_ibuf [dreg:s6], $0x2FFFF;
	_ =	strace $0x9FFFFFFF  }
0xc1: {  	(tm) =	ssettm $0x7FFFFFFF  }
tec
execute0_lowered:
.L_overlay_start_1:
0x0: {  	(tag) =	ssettag $0x1  }
0x1: {  	s4 =	rddreg [dreg:$0x0]  }
0x2: {  	s0 =	rddreg [dreg:$0x1];
	s3 =	srdreg.scid  }
0x3: {  	s1 =	stileid.u32;
	s2 =	simm.s32 $0x0;
	s9 =	simm.s32 $0x1  }
0x4: {  	s10 =	simm.s32 $0x80;
	s11 =	simm.s32 $0x400;
	s12 =	simm.s32 $0x10000  }
0x5: {  	s13 =	simm.s32 $0x10100;
	s14 =	simm.s32 $0x10380;
	s15 =	simm.s32 $0x10480  }
0x6: {  	s16 =	simm.s32 $0x0;
	s3 =	sand.u32 $0x1, s3;
	s5 =	sshll.u32 s1, $0x1  }
0x7: {  	[smem:$0x7FF] =	sst s2;
	s6 =	sshrl.u32 s1, $0x2;
	s5 =	sor.u32 s3, s5  }
0x8: {  	_ =	strace $0x80000047;
	s8 =	sshll.u32 s6, $0xA;
	s7 =	sshll.u32 s5, $0x7  }
0x9: {  	s6 =	sshll.u32 s6, $0xB;
	s3 =	ssub.s32 $0x2, s3;
	s7 =	sand.u32 $0x380, s7  }
0xa: {  	s5 =	sshll.u32 s5, $0xD;
	s31 =	sshrl.u32 s3, $0x1;
	s8 =	sor.u32 s8, s7  }
0xb: {  	s5 =	sadd.s32 s5, s4;
	s6 =	sor.u32 s6, s7;
	s8 =	sshrl.u32 s8, $0x3  }
0xc: {  	s6 =	sshrl.u32 s6, $0x3;
	s30 =	sadd.s32 s8, s4;
	s8 =	ssub.s32 s3, s31  }
0xd: {  	s3 =	sadd.s32 $0x400, s5;
	s4 =	sadd.s32 s4, s6;
	s5 =	sadd.s32 $0x40400, s30  }
0xe: {  	v0 =	vimm.f32 $1.000000000e+00;
	v1 =	vimm.s32 $0xF0000000;
	vm0 =	vmmov $0x3;
	s6 =	sadd.s32 $0x40600, s4;
	s7 =	sadd.s32 $0x40A00, s4;
	s8 =	smax.u32 s8, $0x1  }
.LBB2_1:
0xf: {  	[tilespmem:s2], [sflag:$0x1] =	stream.linear.gather [hbm4b:s3+s2], $0x10000, $0x38;
	[tilespmem:$0x10580] =	vst v63  }
0x10: {  	_ =	swait.ge [sflag:s9], $0x10000  }
0x11: {  	[sflag:s9] =	ssyncset.done $0x0  }
0x12: {  	[sflag:s9] =	ssyncadd.s32 $0xFFFF0000  }
0x13: {  	[tilespmem:s12], [sflag:$0x1] =	stream.strided.gather [hbm4b:s4+s10], $0x100, s11, s10, $0x38;
	[tilespmem:$0x10580] =	vst v63  }
0x14: {  	_ =	swait.ge [sflag:s9], $0x100  }
0x15: {  	[sflag:s9] =	ssyncset.done $0x0  }
0x16: {  	[sflag:s9] =	ssyncadd.s32 $0xFFFFFF00  }
0x17: {  	[tilespmem:s13], [sflag:$0x1] =	stream.linear.gather [hbm4b:s5+s2], $0x80, $0x38;
	[tilespmem:$0x10580] =	vst v63  }
0x18: {  	_ =	swait.ge [sflag:s9], $0x80  }
0x19: {  	[sflag:s9] =	ssyncset.done $0x0  }
0x1a: {  	[sflag:s9] =	ssyncadd.s32 $0xFFFFFF80  }
0x1b: {  	[tilespmem:$0x10180] =	vst v0  }
0x1c: {  	[tilespmem:$0x10280] =	vst v1  }
0x1d: {  	[tilespmem:$0x10380] =	vst v0  }
0x1e: {  	[tilespmem:$0x10480] =	vst v1  }
0x1f: {  	[tilespmem:$0x10190] =	vst v0  }
0x20: {  	[tilespmem:$0x10290] =	vst v1  }
0x21: {  	[tilespmem:$0x10390] =	vst v0  }
0x22: {  	[tilespmem:$0x10490] =	vst v1  }
0x23: {  	[tilespmem:$0x101A0] =	vst v0  }
0x24: {  	[tilespmem:$0x102A0] =	vst v1  }
0x25: {  	[tilespmem:$0x103A0] =	vst v0  }
0x26: {  	[tilespmem:$0x104A0] =	vst v1  }
0x27: {  	[tilespmem:$0x101B0] =	vst v0  }
0x28: {  	[tilespmem:$0x102B0] =	vst v1  }
0x29: {  	[tilespmem:$0x103B0] =	vst v0  }
0x2a: {  	[tilespmem:$0x104B0] =	vst v1  }
0x2b: {  	[tilespmem:$0x101C0] =	vst v0  }
0x2c: {  	[tilespmem:$0x102C0] =	vst v1  }
0x2d: {  	[tilespmem:$0x103C0] =	vst v0  }
0x2e: {  	[tilespmem:$0x104C0] =	vst v1  }
0x2f: {  	[tilespmem:$0x101D0] =	vst v0  }
0x30: {  	[tilespmem:$0x102D0] =	vst v1  }
0x31: {  	[tilespmem:$0x103D0] =	vst v0  }
0x32: {  	[tilespmem:$0x104D0] =	vst v1  }
0x33: {  	[tilespmem:$0x101E0] =	vst v0  }
0x34: {  	[tilespmem:$0x102E0] =	vst v1  }
0x35: {  	[tilespmem:$0x103E0] =	vst v0  }
0x36: {  	[tilespmem:$0x104E0] =	vst v1;
	v2 =	vld [tilespmem:$0x0]  }
0x37: {  	[tilespmem:$0x101F0] =	vst v0;
	v3 =	vld [tilespmem:$0x10000]  }
0x38: {  	[tilespmem:$0x102F0] =	vst v1;
	v4 =	vld [tilespmem:$0x10010]  }
0x39: {  	[tilespmem:$0x103F0] =	vst v0;
	v5 =	vld [tilespmem:$0x10030]  }
0x3a: {  	[tilespmem:$0x104F0] =	vst v1;
	v7 =	vld [tilespmem:$0x10060]  }
0x3b: {  	[tilespmem:$0x10200] =	vst v0;
	v10 =	vld [tilespmem:$0x10080]  }
0x3c: {  	[tilespmem:$0x10300] =	vst v1;
	v9 =	vld [tilespmem:$0x10070]  }
0x3d: {  	[tilespmem:$0x10400] =	vst v0;
	v11 =	vld [tilespmem:$0x10050]  }
0x3e: {  	v6 =	vld [tilespmem:$0x10040];
	[tilespmem:$0x10500] =	vst v1  }
0x3f: {  	v63 =	vld [tilespmem:$0x10020];
	[tilespmem:$0x10210] =	vst v0  }
0x40: {  	[tilespmem:$0x10310] =	vst v1;
	v8 =	vand.u32 $0x7FFFFF, v2;
	v2 =	vshrl.u32 v2, $0x17;
	vm1 =	vgt.f32 v10, $0.0e+00  }
0x41: {  	[tilespmem:$0x10410] =	vst v0;
	vm2 =	vgt.f32 v9, $0.0e+00;
	vm3 =	vgt.f32 v7, $0.0e+00;
	v8 =	vor.u32 $0x3F800000, v8  }
0x42: {  	[tilespmem:$0x10510] =	vst v1;
	vm4 =	vgt.f32 v11, $0.0e+00;
	v2 =	vadd.s32 $0xFFFFFF81, v2;
	v8 =	vnsel vm0, $0x3F800000, v8  }
0x43: {  	vm5 =	vgt.f32 v6, $0.0e+00;
	vm6 =	vgt.f32 v5, $0.0e+00;
	v2 =	vnsel vm0, $0xF0000000, v2;
	[tilespmem:$0x10182] =	vst v8  }
0x44: {  	s17 =	simm.s32 $0x2;
	s18 =	simm.s32 $0x170;
	vm7 =	vgt.f32 v63, $0.0e+00;
	vm8 =	vgt.f32 v4, $0.0e+00;
	vm9 =	vgt.f32 v3, $0.0e+00;
	[tilespmem:$0x10282] =	vst v2;
	v2 =	vld [tilespmem:$0x10100]  }
.LBB2_2:
0x45: {  	v3 =	vld [tilespmem:$0x10282]  }
0x46: {  	v4 =	vld [tilespmem:$0x10281]  }
0x47: {  	v5 =	vld [tilespmem:$0x10280];
	_ =	sdelay $0x3  }
0x48: {  	vm10 =	vgt.s32 v3, v4  }
0x49: {  	v5 =	vnsel vm9, $0xF0000000, v5;
	v6 =	vsel vm10, v3, v4  }
0x4a: {  	vm10 =	vgt.s32 v6, v5  }
0x4b: {  	v7 =	vld [tilespmem:$0x10182];
	v6 =	vsel vm10, v6, v5  }
0x4c: {  	v8 =	vld [tilespmem:$0x10181];
	v9 =	vsub.s32 v3, v6;
	v4 =	vsub.s32 v4, v6  }
0x4d: {  	v10 =	vld [tilespmem:$0x10180];
	v9 =	vadd.s32 $0x7F, v9;
	v4 =	vadd.s32 $0x7F, v4  }
0x4e: {  	v19 =	vld [tilespmem:$0x10292];
	v5 =	vsub.s32 v5, v6;
	vm10 =	vgt.s32 v9, $0x0;
	vm11 =	vgt.s32 v4, $0x0  }
0x4f: {  	v20 =	vld [tilespmem:$0x10291];
	v5 =	vadd.s32 $0x7F, v5;
	v9 =	vnsel vm10, $0x0, v9;
	v4 =	vnsel vm11, $0x0, v4  }
0x50: {  	v21 =	vld [tilespmem:$0x10290];
	vm10 =	vgt.s32 v5, $0x0;
	v9 =	vshll.u32 v9, $0x17;
	v4 =	vshll.u32 v4, $0x17  }
0x51: {  	v5 =	vnsel vm10, $0x0, v5;
	v9 =	vmul.f32 v9, v7;
	v4 =	vmul.f32 v4, v8  }
0x52: {  	v11 =	vld [tilespmem:s18+$0xFFFFFF10];
	v5 =	vshll.u32 v5, $0x17  }
0x53: {  	v5 =	vmul.f32 v5, v10;
	v4 =	vadd.f32 v4, v9  }
0x54: {  	vm11 =	vgt.s32 v19, v20  }
0x55: {  	v24 =	vsel vm11, v19, v20;
	v10 =	vnsel vm8, $0xF0000000, v21;
	v4 =	vadd.f32 v4, v5  }
0x56: {  	s19 =	sadd.s32 $0xFFFFFFFF, s17;
	vm11 =	vgt.s32 v24, v10  }
0x57: {  	v22 =	vmov s19;
	v4 =	vmul.f32 v4, v11;
	v11 =	vsel vm11, v24, v10  }
0x58: {  	v25 =	vld [tilespmem:$0x10192];
	vm10 =	vlt.s32 v22, v2;
	v12 =	vsub.s32 v19, v11;
	v9 =	vsub.s32 v20, v11  }
0x59: {  	v26 =	vld [tilespmem:$0x10191];
	v10 =	vsub.s32 v10, v11;
	v23 =	vshrl.u32 v4, $0x17;
	v4 =	vand.u32 $0x7FFFFF, v4  }
0x5a: {  	v28 =	vld [tilespmem:$0x10190];
	v27 =	vadd.s32 $0x7F, v12;
	v9 =	vadd.s32 $0x7F, v9;
	v31 =	vadd.s32 $0x7F, v10  }
0x5b: {  	v35 =	vld [tilespmem:$0x102A2];
	v5 =	vadd.s32 v23, v6;
	v4 =	vor.u32 $0x3F800000, v4;
	vm11 =	vgt.s32 v27, $0x0  }
0x5c: {  	v37 =	vld [tilespmem:$0x102A1];
	vm12 =	vgt.s32 v9, $0x0;
	v5 =	vadd.s32 $0xFFFFFF81, v5;
	v4 =	vsel vm10, v4, v7  }
0x5d: {  	v38 =	vld [tilespmem:$0x102A0];
	v29 =	vnsel vm11, $0x0, v27;
	v30 =	vnsel vm12, $0x0, v9;
	v3 =	vsel vm10, v5, v3  }
0x5e: {  	vm11 =	vgt.s32 v31, $0x0;
	v32 =	vshll.u32 v30, $0x17;
	[tilespmem:$0x10482] =	vst v3;
	v3 =	vshll.u32 v29, $0x17  }
0x5f: {  	[tilespmem:$0x10382] =	vst v4;
	v34 =	vnsel vm11, $0x0, v31;
	v4 =	vmul.f32 v32, v26;
	v3 =	vmul.f32 v3, v25  }
0x60: {  	v7 =	vshll.u32 v34, $0x17;
	v33 =	vld [tilespmem:s18+$0xFFFFFF20]  }
0x61: {  	vm11 =	vgt.s32 v35, v37;
	v36 =	vmul.f32 v7, v28;
	v3 =	vadd.f32 v4, v3  }
0x62: {  	v40 =	vnsel vm7, $0xF0000000, v38;
	v41 =	vsel vm11, v35, v37  }
0x63: {  	vm11 =	vgt.s32 v41, v40;
	v3 =	vadd.f32 v3, v36  }
0x64: {  	v10 =	vsel vm11, v41, v40  }
0x65: {  	v42 =	vld [tilespmem:$0x101A2];
	v44 =	vsub.s32 v35, v10;
	v7 =	vsub.s32 v37, v10;
	v3 =	vmul.f32 v3, v33  }
0x66: {  	v43 =	vld [tilespmem:$0x101A1];
	v5 =	vsub.s32 v40, v10;
	v45 =	vadd.s32 $0x7F, v44;
	v7 =	vadd.s32 $0x7F, v7  }
0x67: {  	v46 =	vld [tilespmem:$0x101A0];
	v5 =	vadd.s32 $0x7F, v5;
	v39 =	vshrl.u32 v3, $0x17;
	v3 =	vand.u32 $0x7FFFFF, v3  }
0x68: {  	v49 =	vld [tilespmem:$0x102B2];
	vm11 =	vgt.s32 v45, $0x0;
	vm12 =	vgt.s32 v7, $0x0;
	v3 =	vor.u32 $0x3F800000, v3  }
0x69: {  	v51 =	vld [tilespmem:$0x102B1];
	v7 =	vnsel vm12, $0x0, v7;
	v4 =	vadd.s32 v39, v11;
	v3 =	vsel vm10, v3, v25  }
0x6a: {  	v52 =	vld [tilespmem:$0x102B0];
	v47 =	vshll.u32 v7, $0x17;
	v4 =	vadd.s32 $0xFFFFFF81, v4;
	[tilespmem:$0x10392] =	vst v3;
	v3 =	vnsel vm11, $0x0, v45  }
0x6b: {  	v4 =	vsel vm10, v4, v19;
	vm11 =	vgt.s32 v5, $0x0;
	v3 =	vshll.u32 v3, $0x17  }
0x6c: {  	[tilespmem:$0x10492] =	vst v4;
	v4 =	vmul.f32 v47, v43;
	v5 =	vnsel vm11, $0x0, v5;
	v3 =	vmul.f32 v3, v42  }
0x6d: {  	v48 =	vld [tilespmem:s18+$0xFFFFFF30];
	v5 =	vshll.u32 v5, $0x17  }
0x6e: {  	vm11 =	vgt.s32 v49, v51;
	v50 =	vmul.f32 v5, v46;
	v3 =	vadd.f32 v4, v3  }
0x6f: {  	v54 =	vnsel vm6, $0xF0000000, v52;
	v55 =	vsel vm11, v49, v51  }
0x70: {  	vm11 =	vgt.s32 v55, v54;
	v3 =	vadd.f32 v3, v50  }
0x71: {  	v8 =	vsel vm11, v55, v54  }
0x72: {  	v56 =	vld [tilespmem:$0x101B2];
	v58 =	vsub.s32 v49, v8;
	v5 =	vsub.s32 v51, v8;
	v3 =	vmul.f32 v3, v48  }
0x73: {  	v57 =	vld [tilespmem:$0x101B1];
	v7 =	vsub.s32 v54, v8;
	v59 =	vadd.s32 $0x7F, v58;
	v5 =	vadd.s32 $0x7F, v5  }
0x74: {  	v60 =	vld [tilespmem:$0x101B0];
	v7 =	vadd.s32 $0x7F, v7;
	v53 =	vshrl.u32 v3, $0x17;
	v3 =	vand.u32 $0x7FFFFF, v3  }
0x75: {  	v63 =	vld [tilespmem:$0x102C2];
	vm11 =	vgt.s32 v59, $0x0;
	vm12 =	vgt.s32 v5, $0x0;
	v3 =	vor.u32 $0x3F800000, v3  }
0x76: {  	v17 =	vld [tilespmem:$0x102C1];
	v5 =	vnsel vm12, $0x0, v5;
	v4 =	vadd.s32 v53, v10;
	v3 =	vsel vm10, v3, v42  }
0x77: {  	v18 =	vld [tilespmem:$0x102C0];
	v61 =	vshll.u32 v5, $0x17;
	v4 =	vadd.s32 $0xFFFFFF81, v4;
	[tilespmem:$0x103A2] =	vst v3;
	v3 =	vnsel vm11, $0x0, v59  }
0x78: {  	v4 =	vsel vm10, v4, v35;
	vm11 =	vgt.s32 v7, $0x0;
	v3 =	vshll.u32 v3, $0x17  }
0x79: {  	[tilespmem:$0x104A2] =	vst v4;
	v4 =	vmul.f32 v61, v57;
	v7 =	vnsel vm11, $0x0, v7;
	v3 =	vmul.f32 v3, v56  }
0x7a: {  	v62 =	vld [tilespmem:s18+$0xFFFFFF40];
	v7 =	vshll.u32 v7, $0x17  }
0x7b: {  	vm11 =	vgt.s32 v63, v17;
	v16 =	vmul.f32 v7, v60;
	v3 =	vadd.f32 v4, v3  }
0x7c: {  	v20 =	vnsel vm5, $0xF0000000, v18;
	v21 =	vsel vm11, v63, v17  }
0x7d: {  	vm11 =	vgt.s32 v21, v20;
	v3 =	vadd.f32 v3, v16  }
0x7e: {  	v11 =	vsel vm11, v21, v20  }
0x7f: {  	v22 =	vld [tilespmem:$0x101C2];
	v24 =	vsub.s32 v63, v11;
	v7 =	vsub.s32 v17, v11;
	v3 =	vmul.f32 v3, v62  }
0x80: {  	v23 =	vld [tilespmem:$0x101C1];
	v5 =	vsub.s32 v20, v11;
	v25 =	vadd.s32 $0x7F, v24;
	v7 =	vadd.s32 $0x7F, v7  }
0x81: {  	v30 =	vld [tilespmem:$0x102D2];
	v5 =	vadd.s32 $0x7F, v5;
	v19 =	vshrl.u32 v3, $0x17;
	v3 =	vand.u32 $0x7FFFFF, v3  }
0x82: {  	v26 =	vld [tilespmem:$0x101C0];
	vm11 =	vgt.s32 v25, $0x0;
	vm12 =	vgt.s32 v7, $0x0;
	v3 =	vor.u32 $0x3F800000, v3  }
0x83: {  	v32 =	vld [tilespmem:$0x102D1];
	v27 =	vnsel vm12, $0x0, v7;
	v4 =	vadd.s32 v19, v8;
	v3 =	vsel vm10, v3, v56  }
0x84: {  	v33 =	vld [tilespmem:$0x102D0];
	v28 =	vshll.u32 v27, $0x17;
	v4 =	vadd.s32 $0xFFFFFF81, v4;
	[tilespmem:$0x103B2] =	vst v3;
	v3 =	vnsel vm11, $0x0, v25  }
0x85: {  	v4 =	vsel vm10, v4, v49;
	vm11 =	vgt.s32 v5, $0x0;
	v3 =	vshll.u32 v3, $0x17  }
0x86: {  	[tilespmem:$0x104B2] =	vst v4;
	v4 =	vmul.f32 v28, v23;
	v5 =	vnsel vm11, $0x0, v5;
	v3 =	vmul.f32 v3, v22  }
0x87: {  	v29 =	vld [tilespmem:s18+$0xFFFFFF50];
	v5 =	vshll.u32 v5, $0x17  }
0x88: {  	vm11 =	vgt.s32 v30, v32;
	v31 =	vmul.f32 v5, v26;
	v3 =	vadd.f32 v4, v3  }
0x89: {  	v35 =	vnsel vm4, $0xF0000000, v33;
	v36 =	vsel vm11, v30, v32  }
0x8a: {  	vm11 =	vgt.s32 v36, v35;
	v3 =	vadd.f32 v3, v31  }
0x8b: {  	v10 =	vsel vm11, v36, v35  }
0x8c: {  	v38 =	vld [tilespmem:$0x101D1];
	v39 =	vsub.s32 v30, v10;
	v5 =	vsub.s32 v32, v10;
	v3 =	vmul.f32 v3, v29  }
0x8d: {  	v41 =	vld [tilespmem:$0x101D0];
	v6 =	vsub.s32 v35, v10;
	v40 =	vadd.s32 $0x7F, v39;
	v5 =	vadd.s32 $0x7F, v5  }
0x8e: {  	v37 =	vld [tilespmem:$0x101D2];
	v6 =	vadd.s32 $0x7F, v6;
	v34 =	vshrl.u32 v3, $0x17;
	v3 =	vand.u32 $0x7FFFFF, v3  }
0x8f: {  	v44 =	vld [tilespmem:$0x102E2];
	vm11 =	vgt.s32 v40, $0x0;
	vm12 =	vgt.s32 v5, $0x0;
	v3 =	vor.u32 $0x3F800000, v3  }
0x90: {  	v46 =	vld [tilespmem:$0x102E1];
	v5 =	vnsel vm12, $0x0, v5;
	v4 =	vadd.s32 v34, v11;
	v3 =	vsel vm10, v3, v22  }
0x91: {  	v47 =	vld [tilespmem:$0x102E0];
	v42 =	vshll.u32 v5, $0x17;
	v4 =	vadd.s32 $0xFFFFFF81, v4;
	[tilespmem:$0x103C2] =	vst v3;
	v3 =	vnsel vm11, $0x0, v40  }
0x92: {  	v4 =	vsel vm10, v4, v63;
	vm11 =	vgt.s32 v6, $0x0;
	v3 =	vshll.u32 v3, $0x17  }
0x93: {  	[tilespmem:$0x104C2] =	vst v4;
	v4 =	vmul.f32 v42, v38;
	v6 =	vnsel vm11, $0x0, v6;
	v3 =	vmul.f32 v3, v37  }
0x94: {  	v43 =	vld [tilespmem:s18+$0xFFFFFF60];
	v6 =	vshll.u32 v6, $0x17  }
0x95: {  	vm11 =	vgt.s32 v44, v46;
	v45 =	vmul.f32 v6, v41;
	v3 =	vadd.f32 v4, v3  }
0x96: {  	v49 =	vnsel vm3, $0xF0000000, v47;
	v50 =	vsel vm11, v44, v46  }
0x97: {  	vm11 =	vgt.s32 v50, v49;
	v3 =	vadd.f32 v3, v45  }
0x98: {  	v9 =	vsel vm11, v50, v49  }
0x99: {  	v52 =	vld [tilespmem:$0x101E1];
	v53 =	vsub.s32 v44, v9;
	v6 =	vsub.s32 v46, v9;
	v3 =	vmul.f32 v3, v43  }
0x9a: {  	v55 =	vld [tilespmem:$0x101E0];
	v5 =	vsub.s32 v49, v9;
	v54 =	vadd.s32 $0x7F, v53;
	v6 =	vadd.s32 $0x7F, v6  }
0x9b: {  	v51 =	vld [tilespmem:$0x101E2];
	v5 =	vadd.s32 $0x7F, v5;
	v48 =	vshrl.u32 v3, $0x17;
	v3 =	vand.u32 $0x7FFFFF, v3  }
0x9c: {  	v58 =	vld [tilespmem:$0x102F2];
	vm11 =	vgt.s32 v54, $0x0;
	vm12 =	vgt.s32 v6, $0x0;
	v3 =	vor.u32 $0x3F800000, v3  }
0x9d: {  	v60 =	vld [tilespmem:$0x102F1];
	v6 =	vnsel vm12, $0x0, v6;
	v4 =	vadd.s32 v48, v10;
	v3 =	vsel vm10, v3, v37  }
0x9e: {  	v61 =	vld [tilespmem:$0x102F0];
	v56 =	vshll.u32 v6, $0x17;
	v4 =	vadd.s32 $0xFFFFFF81, v4;
	[tilespmem:$0x103D2] =	vst v3;
	v3 =	vnsel vm11, $0x0, v54  }
0x9f: {  	v4 =	vsel vm10, v4, v30;
	vm11 =	vgt.s32 v5, $0x0;
	v3 =	vshll.u32 v3, $0x17  }
0xa0: {  	[tilespmem:$0x104D2] =	vst v4;
	v4 =	vmul.f32 v56, v52;
	v5 =	vnsel vm11, $0x0, v5;
	v3 =	vmul.f32 v3, v51  }
0xa1: {  	v57 =	vld [tilespmem:s18+$0xFFFFFF70];
	v5 =	vshll.u32 v5, $0x17  }
0xa2: {  	vm11 =	vgt.s32 v58, v60;
	v59 =	vmul.f32 v5, v55;
	v3 =	vadd.f32 v4, v3  }
0xa3: {  	v63 =	vnsel vm2, $0xF0000000, v61;
	v15 =	vsel vm11, v58, v60  }
0xa4: {  	vm11 =	vgt.s32 v15, v63;
	v3 =	vadd.f32 v3, v59  }
0xa5: {  	v11 =	vsel vm11, v15, v63  }
0xa6: {  	v17 =	vld [tilespmem:$0x101F1];
	v18 =	vsub.s32 v58, v11;
	v5 =	vsub.s32 v60, v11;
	v3 =	vmul.f32 v3, v57  }
0xa7: {  	v20 =	vld [tilespmem:$0x101F0];
	v6 =	vsub.s32 v63, v11;
	v19 =	vadd.s32 $0x7F, v18;
	v5 =	vadd.s32 $0x7F, v5  }
0xa8: {  	v16 =	vld [tilespmem:$0x101F2];
	v6 =	vadd.s32 $0x7F, v6;
	v62 =	vshrl.u32 v3, $0x17;
	v3 =	vand.u32 $0x7FFFFF, v3  }
0xa9: {  	v25 =	vld [tilespmem:$0x10301];
	vm11 =	vgt.s32 v19, $0x0;
	vm12 =	vgt.s32 v5, $0x0;
	v3 =	vor.u32 $0x3F800000, v3  }
0xaa: {  	v23 =	vld [tilespmem:$0x10302];
	v5 =	vnsel vm12, $0x0, v5;
	v4 =	vadd.s32 v62, v9;
	v3 =	vsel vm10, v3, v51  }
0xab: {  	v26 =	vld [tilespmem:$0x10300];
	v21 =	vshll.u32 v5, $0x17;
	v4 =	vadd.s32 $0xFFFFFF81, v4;
	[tilespmem:$0x103E2] =	vst v3;
	v3 =	vnsel vm11, $0x0, v19  }
0xac: {  	v4 =	vsel vm10, v4, v44;
	vm11 =	vgt.s32 v6, $0x0;
	v3 =	vshll.u32 v3, $0x17  }
0xad: {  	[tilespmem:$0x104E2] =	vst v4;
	v4 =	vmul.f32 v21, v17;
	v6 =	vnsel vm11, $0x0, v6;
	v3 =	vmul.f32 v3, v16  }
0xae: {  	v22 =	vld [tilespmem:s18+$0xFFFFFF80];
	v6 =	vshll.u32 v6, $0x17  }
0xaf: {  	vm11 =	vgt.s32 v23, v25;
	v24 =	vmul.f32 v6, v20;
	v3 =	vadd.f32 v4, v3  }
0xb0: {  	v28 =	vnsel vm1, $0xF0000000, v26;
	v29 =	vsel vm11, v23, v25  }
0xb1: {  	vm11 =	vgt.s32 v29, v28;
	v3 =	vadd.f32 v3, v24  }
0xb2: {  	v10 =	vsel vm11, v29, v28  }
0xb3: {  	v32 =	vsub.s32 v23, v10;
	v6 =	vsub.s32 v25, v10;
	v3 =	vmul.f32 v3, v22  }
0xb4: {  	v31 =	vld [tilespmem:$0x10201];
	v5 =	vsub.s32 v28, v10;
	v33 =	vadd.s32 $0x7F, v32;
	v6 =	vadd.s32 $0x7F, v6  }
0xb5: {  	v30 =	vld [tilespmem:$0x10202];
	v5 =	vadd.s32 $0x7F, v5;
	v27 =	vshrl.u32 v3, $0x17;
	v3 =	vand.u32 $0x7FFFFF, v3  }
0xb6: {  	v39 =	vld [tilespmem:$0x10481];
	vm11 =	vgt.s32 v33, $0x0;
	vm12 =	vgt.s32 v6, $0x0;
	v3 =	vor.u32 $0x3F800000, v3  }
0xb7: {  	v34 =	vld [tilespmem:$0x10200];
	v6 =	vnsel vm12, $0x0, v6;
	v4 =	vadd.s32 v27, v11;
	v3 =	vsel vm10, v3, v16  }
0xb8: {  	v37 =	vld [tilespmem:$0x10482];
	v35 =	vshll.u32 v6, $0x17;
	v4 =	vadd.s32 $0xFFFFFF81, v4;
	[tilespmem:$0x103F2] =	vst v3;
	v3 =	vnsel vm11, $0x0, v33  }
0xb9: {  	v40 =	vld [tilespmem:$0x10480];
	v4 =	vsel vm10, v4, v58;
	vm11 =	vgt.s32 v5, $0x0;
	v3 =	vshll.u32 v3, $0x17  }
0xba: {  	[tilespmem:$0x104F2] =	vst v4;
	v4 =	vmul.f32 v35, v31;
	v5 =	vnsel vm11, $0x0, v5;
	v3 =	vmul.f32 v3, v30  }
0xbb: {  	v36 =	vld [tilespmem:s18+$0xFFFFFF80];
	v5 =	vshll.u32 v5, $0x17  }
0xbc: {  	v38 =	vmul.f32 v5, v34;
	v3 =	vadd.f32 v4, v3  }
0xbd: {  	vm11 =	vgt.s32 v37, v39  }
0xbe: {  	v42 =	vnsel vm9, $0xF0000000, v40;
	v43 =	vsel vm11, v37, v39;
	v3 =	vadd.f32 v3, v38  }
0xbf: {  	vm11 =	vgt.s32 v43, v42  }
0xc0: {  	v45 =	vld [tilespmem:$0x10381];
	v9 =	vsel vm11, v43, v42;
	v3 =	vmul.f32 v3, v36  }
0xc1: {  	v53 =	vld [tilespmem:$0x10491];
	v46 =	vsub.s32 v37, v9;
	v5 =	vsub.s32 v39, v9  }
0xc2: {  	v54 =	vld [tilespmem:$0x10490];
	v6 =	vsub.s32 v42, v9;
	v47 =	vadd.s32 $0x7F, v46;
	v41 =	vshrl.u32 v3, $0x17  }
0xc3: {  	v44 =	vld [tilespmem:$0x10382];
	v5 =	vadd.s32 $0x7F, v5;
	v3 =	vand.u32 $0x7FFFFF, v3;
	v4 =	vadd.s32 v41, v10  }
0xc4: {  	v51 =	vld [tilespmem:$0x10492];
	vm11 =	vgt.s32 v5, $0x0;
	v3 =	vor.u32 $0x3F800000, v3;
	v4 =	vadd.s32 $0xFFFFFF81, v4  }
0xc5: {  	v48 =	vld [tilespmem:$0x10380];
	v3 =	vsel vm10, v3, v30;
	v4 =	vsel vm10, v4, v23;
	vm10 =	vgt.s32 v47, $0x0  }
0xc6: {  	v6 =	vadd.s32 $0x7F, v6;
	v5 =	vnsel vm11, $0x0, v5;
	[tilespmem:$0x10402] =	vst v3;
	v3 =	vnsel vm10, $0x0, v47  }
0xc7: {  	v49 =	vshll.u32 v5, $0x17;
	vm10 =	vgt.s32 v6, $0x0;
	v3 =	vshll.u32 v3, $0x17  }
0xc8: {  	[tilespmem:$0x10502] =	vst v4;
	v4 =	vmul.f32 v49, v45;
	v6 =	vnsel vm10, $0x0, v6;
	v3 =	vmul.f32 v3, v44  }
0xc9: {  	v57 =	vnsel vm8, $0xF0000000, v54;
	vm11 =	vgt.s32 v51, v53;
	v50 =	vld [tilespmem:s18+$0xFFFFFF90];
	v6 =	vshll.u32 v6, $0x17  }
0xca: {  	v58 =	vsel vm11, v51, v53;
	v52 =	vmul.f32 v6, v48;
	v3 =	vadd.f32 v4, v3  }
0xcb: {  	vm11 =	vgt.s32 v58, v57  }
0xcc: {  	v11 =	vsel vm11, v58, v57;
	v3 =	vadd.f32 v3, v52  }
0xcd: {  	v55 =	vmov s17;
	v61 =	vsub.s32 v51, v11  }
0xce: {  	v60 =	vld [tilespmem:$0x10391];
	v5 =	vsub.s32 v57, v11;
	v62 =	vadd.s32 $0x7F, v61;
	v3 =	vmul.f32 v3, v50  }
0xcf: {  	v63 =	vld [tilespmem:$0x10390];
	v5 =	vadd.s32 $0x7F, v5;
	vm11 =	vgt.s32 v62, $0x0;
	v6 =	vsub.s32 v53, v11  }
0xd0: {  	v59 =	vld [tilespmem:$0x10392];
	v6 =	vadd.s32 $0x7F, v6;
	v56 =	vshrl.u32 v3, $0x17;
	v3 =	vand.u32 $0x7FFFFF, v3  }
0xd1: {  	v18 =	vld [tilespmem:$0x104A1];
	vm10 =	vlt.s32 v55, v2;
	vm12 =	vgt.s32 v6, $0x0;
	v3 =	vor.u32 $0x3F800000, v3  }
0xd2: {  	v16 =	vld [tilespmem:$0x104A2];
	v6 =	vnsel vm12, $0x0, v6;
	v4 =	vadd.s32 v56, v9;
	v3 =	vsel vm10, v3, v44  }
0xd3: {  	v19 =	vld [tilespmem:$0x104A0];
	v14 =	vshll.u32 v6, $0x17;
	v4 =	vadd.s32 $0xFFFFFF81, v4;
	[tilespmem:$0x10182] =	vst v3;
	v3 =	vnsel vm11, $0x0, v62  }
0xd4: {  	v4 =	vsel vm10, v4, v37;
	vm11 =	vgt.s32 v5, $0x0;
	v3 =	vshll.u32 v3, $0x17  }
0xd5: {  	[tilespmem:$0x10282] =	vst v4;
	v4 =	vmul.f32 v14, v60;
	v5 =	vnsel vm11, $0x0, v5;
	v3 =	vmul.f32 v3, v59  }
0xd6: {  	v15 =	vld [tilespmem:s18+$0xFFFFFFA0];
	v5 =	vshll.u32 v5, $0x17  }
0xd7: {  	vm11 =	vgt.s32 v16, v18;
	v17 =	vmul.f32 v5, v63;
	v3 =	vadd.f32 v4, v3  }
0xd8: {  	v21 =	vnsel vm7, $0xF0000000, v19;
	v22 =	vsel vm11, v16, v18  }
0xd9: {  	vm11 =	vgt.s32 v22, v21;
	v3 =	vadd.f32 v3, v17  }
0xda: {  	v10 =	vsel vm11, v22, v21  }
0xdb: {  	v24 =	vld [tilespmem:$0x103A1];
	v25 =	vsub.s32 v16, v10;
	v5 =	vsub.s32 v18, v10;
	v3 =	vmul.f32 v3, v15  }
0xdc: {  	v32 =	vld [tilespmem:$0x104B1];
	v6 =	vsub.s32 v21, v10;
	v26 =	vadd.s32 $0x7F, v25;
	v5 =	vadd.s32 $0x7F, v5  }
0xdd: {  	v23 =	vld [tilespmem:$0x103A2];
	v6 =	vadd.s32 $0x7F, v6;
	v20 =	vshrl.u32 v3, $0x17;
	v3 =	vand.u32 $0x7FFFFF, v3  }
0xde: {  	v27 =	vld [tilespmem:$0x103A0];
	vm11 =	vgt.s32 v26, $0x0;
	vm12 =	vgt.s32 v5, $0x0;
	v3 =	vor.u32 $0x3F800000, v3  }
0xdf: {  	v30 =	vld [tilespmem:$0x104B2];
	v5 =	vnsel vm12, $0x0, v5;
	v4 =	vadd.s32 v20, v11;
	v3 =	vsel vm10, v3, v59  }
0xe0: {  	v33 =	vld [tilespmem:$0x104B0];
	v28 =	vshll.u32 v5, $0x17;
	v4 =	vadd.s32 $0xFFFFFF81, v4;
	[tilespmem:$0x10192] =	vst v3;
	v3 =	vnsel vm11, $0x0, v26  }
0xe1: {  	v4 =	vsel vm10, v4, v51;
	vm11 =	vgt.s32 v6, $0x0;
	v3 =	vshll.u32 v3, $0x17  }
0xe2: {  	[tilespmem:$0x10292] =	vst v4;
	v4 =	vmul.f32 v28, v24;
	v6 =	vnsel vm11, $0x0, v6;
	v3 =	vmul.f32 v3, v23  }
0xe3: {  	v29 =	vld [tilespmem:s18+$0xFFFFFFB0];
	v6 =	vshll.u32 v6, $0x17  }
0xe4: {  	vm11 =	vgt.s32 v30, v32;
	v31 =	vmul.f32 v6, v27;
	v3 =	vadd.f32 v4, v3  }
0xe5: {  	v35 =	vnsel vm6, $0xF0000000, v33;
	v36 =	vsel vm11, v30, v32  }
0xe6: {  	vm11 =	vgt.s32 v36, v35;
	v3 =	vadd.f32 v3, v31  }
0xe7: {  	v9 =	vsel vm11, v36, v35  }
0xe8: {  	v38 =	vld [tilespmem:$0x103B1];
	v39 =	vsub.s32 v30, v9;
	v6 =	vsub.s32 v32, v9;
	v3 =	vmul.f32 v3, v29  }
0xe9: {  	v46 =	vld [tilespmem:$0x104C1];
	v5 =	vsub.s32 v35, v9;
	v40 =	vadd.s32 $0x7F, v39;
	v6 =	vadd.s32 $0x7F, v6  }
0xea: {  	v37 =	vld [tilespmem:$0x103B2];
	v5 =	vadd.s32 $0x7F, v5;
	v34 =	vshrl.u32 v3, $0x17;
	v3 =	vand.u32 $0x7FFFFF, v3  }
0xeb: {  	v41 =	vld [tilespmem:$0x103B0];
	vm11 =	vgt.s32 v40, $0x0;
	vm12 =	vgt.s32 v6, $0x0;
	v3 =	vor.u32 $0x3F800000, v3  }
0xec: {  	v44 =	vld [tilespmem:$0x104C2];
	v6 =	vnsel vm12, $0x0, v6;
	v4 =	vadd.s32 v34, v10;
	v3 =	vsel vm10, v3, v23  }
0xed: {  	v47 =	vld [tilespmem:$0x104C0];
	v42 =	vshll.u32 v6, $0x17;
	v4 =	vadd.s32 $0xFFFFFF81, v4;
	[tilespmem:$0x101A2] =	vst v3;
	v3 =	vnsel vm11, $0x0, v40  }
0xee: {  	v4 =	vsel vm10, v4, v16;
	vm11 =	vgt.s32 v5, $0x0;
	v3 =	vshll.u32 v3, $0x17  }
0xef: {  	[tilespmem:$0x102A2] =	vst v4;
	v4 =	vmul.f32 v42, v38;
	v5 =	vnsel vm11, $0x0, v5;
	v3 =	vmul.f32 v3, v37  }
0xf0: {  	v43 =	vld [tilespmem:s18+$0xFFFFFFC0];
	v5 =	vshll.u32 v5, $0x17  }
0xf1: {  	vm11 =	vgt.s32 v44, v46;
	v45 =	vmul.f32 v5, v41;
	v3 =	vadd.f32 v4, v3  }
0xf2: {  	v49 =	vnsel vm5, $0xF0000000, v47;
	v50 =	vsel vm11, v44, v46  }
0xf3: {  	vm11 =	vgt.s32 v50, v49;
	v3 =	vadd.f32 v3, v45  }
0xf4: {  	v11 =	vsel vm11, v50, v49  }
0xf5: {  	v58 =	vld [tilespmem:$0x104D2];
	v53 =	vsub.s32 v44, v11;
	v5 =	vsub.s32 v46, v11;
	v3 =	vmul.f32 v3, v43  }
0xf6: {  	v52 =	vld [tilespmem:$0x103C1];
	v6 =	vsub.s32 v49, v11;
	v54 =	vadd.s32 $0x7F, v53;
	v5 =	vadd.s32 $0x7F, v5  }
0xf7: {  	v51 =	vld [tilespmem:$0x103C2];
	v6 =	vadd.s32 $0x7F, v6;
	v48 =	vshrl.u32 v3, $0x17;
	v3 =	vand.u32 $0x7FFFFF, v3  }
0xf8: {  	v55 =	vld [tilespmem:$0x103C0];
	vm11 =	vgt.s32 v54, $0x0;
	vm12 =	vgt.s32 v5, $0x0;
	v3 =	vor.u32 $0x3F800000, v3  }
0xf9: {  	v60 =	vld [tilespmem:$0x104D1];
	v5 =	vnsel vm12, $0x0, v5;
	v4 =	vadd.s32 v48, v9;
	v3 =	vsel vm10, v3, v37  }
0xfa: {  	v61 =	vld [tilespmem:$0x104D0];
	v56 =	vshll.u32 v5, $0x17;
	v4 =	vadd.s32 $0xFFFFFF81, v4;
	[tilespmem:$0x101B2] =	vst v3;
	v3 =	vnsel vm11, $0x0, v54  }
0xfb: {  	v4 =	vsel vm10, v4, v30;
	vm11 =	vgt.s32 v6, $0x0;
	v3 =	vshll.u32 v3, $0x17  }
0xfc: {  	[tilespmem:$0x102B2] =	vst v4;
	v4 =	vmul.f32 v56, v52;
	v6 =	vnsel vm11, $0x0, v6;
	v3 =	vmul.f32 v3, v51  }
0xfd: {  	v57 =	vld [tilespmem:s18+$0xFFFFFFD0];
	v6 =	vshll.u32 v6, $0x17  }
0xfe: {  	vm11 =	vgt.s32 v58, v60;
	v59 =	vmul.f32 v6, v55;
	v3 =	vadd.f32 v4, v3  }
0xff: {  	v63 =	vnsel vm4, $0xF0000000, v61;
	v16 =	vsel vm11, v58, v60  }
0x100: {  	vm11 =	vgt.s32 v16, v63;
	v3 =	vadd.f32 v3, v59  }
0x101: {  	v10 =	vsel vm11, v16, v63  }
0x102: {  	v18 =	vld [tilespmem:$0x103D1];
	v19 =	vsub.s32 v58, v10;
	v6 =	vsub.s32 v60, v10;
	v3 =	vmul.f32 v3, v57  }
0x103: {  	v21 =	vld [tilespmem:$0x103D0];
	v5 =	vsub.s32 v63, v10;
	v20 =	vadd.s32 $0x7F, v19;
	v6 =	vadd.s32 $0x7F, v6  }
0x104: {  	v17 =	vld [tilespmem:$0x103D2];
	v5 =	vadd.s32 $0x7F, v5;
	v62 =	vshrl.u32 v3, $0x17;
	v3 =	vand.u32 $0x7FFFFF, v3  }
0x105: {  	v26 =	vld [tilespmem:$0x104E1];
	vm11 =	vgt.s32 v20, $0x0;
	vm12 =	vgt.s32 v6, $0x0;
	v3 =	vor.u32 $0x3F800000, v3  }
0x106: {  	v24 =	vld [tilespmem:$0x104E2];
	v6 =	vnsel vm12, $0x0, v6;
	v4 =	vadd.s32 v62, v11;
	v3 =	vsel vm10, v3, v51  }
0x107: {  	v27 =	vld [tilespmem:$0x104E0];
	v22 =	vshll.u32 v6, $0x17;
	v4 =	vadd.s32 $0xFFFFFF81, v4;
	[tilespmem:$0x101C2] =	vst v3;
	v3 =	vnsel vm11, $0x0, v20  }
0x108: {  	v4 =	vsel vm10, v4, v44;
	vm11 =	vgt.s32 v5, $0x0;
	v3 =	vshll.u32 v3, $0x17  }
0x109: {  	[tilespmem:$0x102C2] =	vst v4;
	v4 =	vmul.f32 v22, v18;
	v5 =	vnsel vm11, $0x0, v5;
	v3 =	vmul.f32 v3, v17  }
0x10a: {  	v23 =	vld [tilespmem:s18+$0xFFFFFFE0];
	v5 =	vshll.u32 v5, $0x17  }
0x10b: {  	vm11 =	vgt.s32 v24, v26;
	v25 =	vmul.f32 v5, v21;
	v3 =	vadd.f32 v4, v3  }
0x10c: {  	v29 =	vnsel vm3, $0xF0000000, v27;
	v30 =	vsel vm11, v24, v26  }
0x10d: {  	vm11 =	vgt.s32 v30, v29;
	v3 =	vadd.f32 v3, v25  }
0x10e: {  	v9 =	vsel vm11, v30, v29  }
0x10f: {  	v33 =	vsub.s32 v24, v9;
	v5 =	vsub.s32 v26, v9;
	v3 =	vmul.f32 v3, v23  }
0x110: {  	v32 =	vld [tilespmem:$0x103E1];
	v6 =	vsub.s32 v29, v9;
	v34 =	vadd.s32 $0x7F, v33;
	v5 =	vadd.s32 $0x7F, v5  }
0x111: {  	v31 =	vld [tilespmem:$0x103E2];
	v6 =	vadd.s32 $0x7F, v6;
	v28 =	vshrl.u32 v3, $0x17;
	v3 =	vand.u32 $0x7FFFFF, v3  }
0x112: {  	vm11 =	vgt.s32 v34, $0x0;
	vm12 =	vgt.s32 v5, $0x0;
	v3 =	vor.u32 $0x3F800000, v3  }
0x113: {  	v35 =	vld [tilespmem:$0x103E0];
	v5 =	vnsel vm12, $0x0, v5;
	v4 =	vadd.s32 v28, v10;
	v3 =	vsel vm10, v3, v17  }
0x114: {  	v40 =	vld [tilespmem:$0x104F1];
	v36 =	vshll.u32 v5, $0x17;
	v4 =	vadd.s32 $0xFFFFFF81, v4;
	[tilespmem:$0x101D2] =	vst v3;
	v3 =	vnsel vm11, $0x0, v34  }
0x115: {  	v38 =	vld [tilespmem:$0x104F2];
	v4 =	vsel vm10, v4, v58;
	vm11 =	vgt.s32 v6, $0x0;
	v3 =	vshll.u32 v3, $0x17  }
0x116: {  	v41 =	vld [tilespmem:$0x104F0];
	[tilespmem:$0x102D2] =	vst v4;
	v4 =	vmul.f32 v36, v32;
	v6 =	vnsel vm11, $0x0, v6;
	v3 =	vmul.f32 v3, v31  }
0x117: {  	v37 =	vld [tilespmem:s18+$0xFFFFFFF0];
	v6 =	vshll.u32 v6, $0x17  }
0x118: {  	v39 =	vmul.f32 v6, v35;
	v3 =	vadd.f32 v4, v3;
	_ =	sdelay $0x1  }
0x119: {  	v3 =	vadd.f32 v3, v39  }
0x11a: {  	vm11 =	vgt.s32 v38, v40  }
0x11b: {  	v43 =	vnsel vm2, $0xF0000000, v41;
	v44 =	vsel vm11, v38, v40;
	v3 =	vmul.f32 v3, v37  }
0x11c: {  	vm11 =	vgt.s32 v44, v43  }
0x11d: {  	v11 =	vsel vm11, v44, v43;
	v42 =	vshrl.u32 v3, $0x17;
	v3 =	vand.u32 $0x7FFFFF, v3  }
0x11e: {  	v46 =	vld [tilespmem:$0x103F1];
	v47 =	vsub.s32 v38, v11;
	v4 =	vadd.s32 v42, v9;
	v3 =	vor.u32 $0x3F800000, v3  }
0x11f: {  	v45 =	vld [tilespmem:$0x103F2];
	v6 =	vsub.s32 v40, v11;
	v4 =	vadd.s32 $0xFFFFFF81, v4;
	v3 =	vsel vm10, v3, v31  }
0x120: {  	v50 =	vld [tilespmem:$0x10502];
	v48 =	vadd.s32 $0x7F, v47;
	v6 =	vadd.s32 $0x7F, v6;
	[tilespmem:$0x101E2] =	vst v3;
	v3 =	vsel vm10, v4, v24  }
0x121: {  	v5 =	vsub.s32 v43, v11;
	vm11 =	vgt.s32 v48, $0x0;
	vm12 =	vgt.s32 v6, $0x0;
	[tilespmem:$0x102E2] =	vst v3;
	v3 =	vld [tilespmem:$0x103F0]  }
0x122: {  	v51 =	vld [tilespmem:$0x10501];
	v5 =	vadd.s32 $0x7F, v5;
	v6 =	vnsel vm12, $0x0, v6;
	v4 =	vnsel vm11, $0x0, v48  }
0x123: {  	v13 =	vld [tilespmem:$0x10500];
	v6 =	vshll.u32 v6, $0x17;
	vm11 =	vgt.s32 v5, $0x0;
	v4 =	vshll.u32 v4, $0x17  }
0x124: {  	v6 =	vmul.f32 v6, v46;
	v5 =	vnsel vm11, $0x0, v5;
	v4 =	vmul.f32 v4, v45  }
0x125: {  	v49 =	vld [tilespmem:s18+$0x0];
	v5 =	vshll.u32 v5, $0x17  }
0x126: {  	v4 =	vadd.f32 v6, v4;
	v3 =	vmul.f32 v5, v3  }
0x127: {  	vm11 =	vgt.s32 v50, v51  }
0x128: {  	v52 =	vnsel vm1, $0xF0000000, v13;
	v53 =	vsel vm11, v50, v51;
	v3 =	vadd.f32 v4, v3  }
0x129: {  	vm11 =	vgt.s32 v53, v52  }
0x12a: {  	v5 =	vsel vm11, v53, v52;
	v3 =	vmul.f32 v3, v49  }
0x12b: {  	v56 =	vsub.s32 v50, v5;
	v10 =	vsub.s32 v51, v5  }
0x12c: {  	v55 =	vld [tilespmem:$0x10402];
	v58 =	vadd.s32 $0x7F, v10;
	v4 =	vsub.s32 v52, v5;
	v54 =	vshrl.u32 v3, $0x17  }
0x12d: {  	v57 =	vld [tilespmem:$0x10401];
	v3 =	vand.u32 $0x7FFFFF, v3;
	v6 =	vadd.s32 v54, v11;
	v11 =	vadd.s32 $0x7F, v56  }
0x12e: {  	v4 =	vadd.s32 $0x7F, v4;
	v3 =	vor.u32 $0x3F800000, v3;
	vm11 =	vgt.s32 v11, $0x0  }
0x12f: {  	v59 =	vld [tilespmem:$0x10400];
	v6 =	vadd.s32 $0xFFFFFF81, v6;
	v11 =	vnsel vm11, $0x0, v11;
	vm11 =	vgt.s32 v58, $0x0  }
0x130: {  	v3 =	vsel vm10, v3, v45;
	v6 =	vsel vm10, v6, v38;
	v60 =	vnsel vm11, $0x0, v58  }
0x131: {  	[tilespmem:$0x101F2] =	vst v3;
	v3 =	vshll.u32 v11, $0x17;
	vm11 =	vgt.s32 v4, $0x0;
	v8 =	vshll.u32 v60, $0x17  }
0x132: {  	[tilespmem:$0x102F2] =	vst v6;
	v3 =	vmul.f32 v3, v55;
	v4 =	vnsel vm11, $0x0, v4;
	v61 =	vmul.f32 v8, v57  }
0x133: {  	v62 =	vld [tilespmem:s18+$0x0];
	v4 =	vshll.u32 v4, $0x17  }
0x134: {  	v4 =	vmul.f32 v4, v59;
	v3 =	vadd.f32 v61, v3;
	_ =	sdelay $0x1  }
0x135: {  	v3 =	vadd.f32 v3, v4;
	_ =	sdelay $0x1  }
0x136: {  	v3 =	vmul.f32 v3, v62  }
0x137: {  	p0 =	sne.s32 s17, $0x1FE  }
.Ltmp0:
0x138: {  	v63 =	vshrl.u32 v3, $0x17;
	v3 =	vand.u32 $0x7FFFFF, v3;
	(pc) =	sbr.rel @p0 .LBB2_2-.Ltmp0, $4  }
0x139: {  	v3 =	vor.u32 $0x3F800000, v3;
	v4 =	vadd.s32 v63, v5  }
0x13a: {  	v4 =	vadd.s32 $0xFFFFFF81, v4;
	v3 =	vsel vm10, v3, v55  }
0x13b: {  	[tilespmem:$0x10202] =	vst v3;
	v3 =	vsel vm10, v4, v50  }
0x13c: {  	s17 =	sadd.s32 $0x2, s17;
	s18 =	sadd.s32 $0x100, s18;
	[tilespmem:$0x10302] =	vst v3  }
0x13d: {  	v4 =	vld [tilespmem:$0x10282]  }
0x13e: {  	v3 =	vld [tilespmem:$0x10281]  }
0x13f: {  	v5 =	vld [tilespmem:$0x10280]  }
0x140: {  	v43 =	vld [tilespmem:$0x10292]  }
0x141: {  	v11 =	vld [tilespmem:$0x10291]  }
0x142: {  	v12 =	vld [tilespmem:$0x10290]  }
0x143: {  	v16 =	vld [tilespmem:$0x102A2]  }
0x144: {  	v50 =	vld [tilespmem:$0x102A0]  }
0x145: {  	v36 =	vld [tilespmem:$0x102C0]  }
0x146: {  	v17 =	vld [tilespmem:$0x102A1];
	_ =	sdelay $0x1  }
0x147: {  	vm10 =	vgt.s32 v4, v3  }
0x148: {  	v6 =	vnsel vm9, $0xF0000000, v5;
	vm13 =	vgt.s32 v43, v11;
	v44 =	vnsel vm8, $0xF0000000, v12  }
0x149: {  	v52 =	vnsel vm7, $0xF0000000, v50;
	v39 =	vnsel vm5, $0xF0000000, v36;
	v42 =	vsel vm10, v4, v3  }
0x14a: {  	v45 =	vsel vm13, v43, v11;
	vm13 =	vgt.s32 v16, v17;
	vm9 =	vgt.s32 v42, v6  }
0x14b: {  	vm8 =	vgt.s32 v45, v44;
	v53 =	vsel vm13, v16, v17;
	v9 =	vsel vm9, v42, v6  }
0x14c: {  	v12 =	vsel vm8, v45, v44;
	vm8 =	vgt.s32 v2, $0x1FF;
	vm7 =	vgt.s32 v53, v52  }
0x14d: {  	v10 =	vsub.s32 v4, v9;
	v3 =	vsub.s32 v3, v9;
	v6 =	vsub.s32 v6, v9  }
0x14e: {  	v7 =	vld [tilespmem:$0x10182];
	v14 =	vsub.s32 v43, v12;
	v11 =	vsub.s32 v11, v12;
	v10 =	vadd.s32 $0x7F, v10  }
0x14f: {  	v8 =	vld [tilespmem:$0x10181];
	v3 =	vadd.s32 $0x7F, v3;
	v6 =	vadd.s32 $0x7F, v6;
	v48 =	vadd.s32 $0x7F, v14  }
0x150: {  	v13 =	vld [tilespmem:$0x10180];
	v11 =	vadd.s32 $0x7F, v11;
	vm14 =	vgt.s32 v10, $0x0;
	vm15 =	vgt.s32 v3, $0x0  }
0x151: {  	vm12 =	vgt.s32 v6, $0x0;
	v10 =	vnsel vm14, $0x0, v10;
	v3 =	vnsel vm15, $0x0, v3  }
0x152: {  	v47 =	vld [tilespmem:$0x10191];
	v6 =	vnsel vm12, $0x0, v6;
	vm14 =	vgt.s32 v48, $0x0;
	vm15 =	vgt.s32 v11, $0x0  }
0x153: {  	v46 =	vld [tilespmem:$0x10192];
	v10 =	vshll.u32 v10, $0x17;
	v3 =	vshll.u32 v3, $0x17;
	v6 =	vshll.u32 v6, $0x17  }
0x154: {  	v15 =	vld [tilespmem:$0xFF80];
	v10 =	vmul.f32 v10, v7;
	v3 =	vmul.f32 v3, v8;
	v8 =	vsub.s32 v44, v12  }
0x155: {  	v49 =	vld [tilespmem:$0x10190];
	v11 =	vnsel vm15, $0x0, v11;
	v6 =	vmul.f32 v6, v13;
	v8 =	vadd.s32 $0x7F, v8  }
0x156: {  	v61 =	vld [tilespmem:$0x102B0];
	v11 =	vshll.u32 v11, $0x17;
	v3 =	vadd.f32 v3, v10;
	vm12 =	vgt.s32 v8, $0x0  }
0x157: {  	v34 =	vld [tilespmem:$0x102C2];
	v10 =	vmul.f32 v11, v47;
	v11 =	vsel vm7, v53, v52;
	v8 =	vnsel vm12, $0x0, v8  }
0x158: {  	v35 =	vld [tilespmem:$0x102C1];
	v57 =	vsub.s32 v16, v11;
	v58 =	vsub.s32 v17, v11;
	v3 =	vadd.f32 v3, v6  }
0x159: {  	v6 =	vnsel vm14, $0x0, v48;
	v8 =	vshll.u32 v8, $0x17;
	v14 =	vadd.s32 $0x7F, v57  }
0x15a: {  	v54 =	vld [tilespmem:$0x101A2];
	v60 =	vadd.s32 $0x7F, v58;
	v6 =	vshll.u32 v6, $0x17;
	v8 =	vmul.f32 v8, v49  }
0x15b: {  	vm14 =	vgt.s32 v14, $0x0;
	vm15 =	vgt.s32 v60, $0x0;
	v6 =	vmul.f32 v6, v46  }
0x15c: {  	v51 =	vld [tilespmem:$0xFF90];
	v3 =	vmul.f32 v3, v15;
	v14 =	vnsel vm14, $0x0, v14;
	v15 =	vnsel vm6, $0xF0000000, v61  }
0x15d: {  	v59 =	vld [tilespmem:$0x102B1];
	vm14 =	vgt.s32 v34, v35;
	v14 =	vshll.u32 v14, $0x17;
	v6 =	vadd.f32 v10, v6  }
0x15e: {  	v40 =	vsel vm14, v34, v35;
	v2 =	vshrl.u32 v3, $0x17;
	v3 =	vand.u32 $0x7FFFFF, v3;
	v10 =	vld [tilespmem:$0x102B2]  }
0x15f: {  	v14 =	vmul.f32 v14, v54;
	vm5 =	vgt.s32 v40, v39;
	v6 =	vadd.f32 v6, v8  }
0x160: {  	v18 =	vld [tilespmem:$0x101A0];
	v3 =	vor.u32 $0x3F800000, v3;
	v2 =	vadd.s32 v2, v9;
	v8 =	vsub.s32 v52, v11  }
0x161: {  	v2 =	vadd.s32 $0xFFFFFF81, v2;
	v8 =	vadd.s32 $0x7F, v8;
	v6 =	vmul.f32 v6, v51  }
0x162: {  	v3 =	vsel vm8, v3, v7;
	v2 =	vsel vm8, v2, v4;
	vm9 =	vgt.s32 v8, $0x0  }
0x163: {  	v55 =	vld [tilespmem:$0x101A1];
	v8 =	vnsel vm9, $0x0, v8;
	vm10 =	vgt.s32 v10, v59;
	v56 =	vshrl.u32 v6, $0x17  }
0x164: {  	v6 =	vand.u32 $0x7FFFFF, v6;
	v8 =	vshll.u32 v8, $0x17;
	v19 =	vsel vm10, v10, v59  }
0x165: {  	v4 =	vadd.s32 v56, v12;
	v12 =	vnsel vm15, $0x0, v60;
	v8 =	vmul.f32 v8, v18  }
0x166: {  	vm6 =	vgt.s32 v19, v15;
	v6 =	vor.u32 $0x3F800000, v6;
	v12 =	vshll.u32 v12, $0x17  }
0x167: {  	v62 =	vld [tilespmem:$0xFFA0];
	v30 =	vadd.s32 $0xFFFFFF81, v4;
	v19 =	vsel vm6, v19, v15;
	v4 =	vsel vm8, v6, v46  }
0x168: {  	v63 =	vld [tilespmem:$0x101B2];
	v7 =	vmul.f32 v12, v55;
	v21 =	vsub.s32 v10, v19;
	v17 =	vsub.s32 v59, v19  }
0x169: {  	v20 =	vld [tilespmem:$0x101B1];
	v15 =	vsub.s32 v15, v19;
	v32 =	vadd.s32 $0x7F, v21;
	v33 =	vadd.s32 $0x7F, v17  }
0x16a: {  	v31 =	vld [tilespmem:$0x101B0];
	v15 =	vadd.s32 $0x7F, v15;
	v7 =	vadd.f32 v7, v14;
	vm11 =	vgt.s32 v32, $0x0  }
0x16b: {  	vm12 =	vgt.s32 v33, $0x0;
	vm13 =	vgt.s32 v15, $0x0;
	v6 =	vnsel vm11, $0x0, v32  }
0x16c: {  	v13 =	vnsel vm12, $0x0, v33;
	v15 =	vnsel vm13, $0x0, v15;
	v7 =	vadd.f32 v7, v8  }
0x16d: {  	v6 =	vshll.u32 v6, $0x17;
	v13 =	vshll.u32 v13, $0x17;
	v15 =	vshll.u32 v15, $0x17  }
0x16e: {  	v38 =	vld [tilespmem:$0xFFB0];
	v22 =	vmul.f32 v6, v63;
	v13 =	vmul.f32 v13, v20;
	v6 =	vsel vm8, v30, v43  }
0x16f: {  	v41 =	vld [tilespmem:$0x101C2];
	v8 =	vmul.f32 v15, v31;
	v43 =	vsel vm5, v40, v39;
	v7 =	vmul.f32 v7, v62  }
0x170: {  	v23 =	vld [tilespmem:$0x101C0];
	v45 =	vsub.s32 v34, v43;
	v12 =	vsub.s32 v35, v43;
	v15 =	vsub.s32 v39, v43  }
0x171: {  	v42 =	vld [tilespmem:$0x101C1];
	v13 =	vadd.f32 v13, v22;
	v9 =	vadd.s32 $0x7F, v45;
	v12 =	vadd.s32 $0x7F, v12  }
0x172: {  	v47 =	vld [tilespmem:$0x102D0];
	v15 =	vadd.s32 $0x7F, v15;
	v37 =	vand.u32 $0x7FFFFF, v7;
	v7 =	vshrl.u32 v7, $0x17  }
0x173: {  	v57 =	vld [tilespmem:$0x102E0];
	vm15 =	vgt.s32 v9, $0x0;
	vm9 =	vgt.s32 v12, $0x0;
	vm10 =	vgt.s32 v15, $0x0  }
0x174: {  	v46 =	vld [tilespmem:$0x102D1];
	v5 =	vor.u32 $0x3F800000, v37;
	v7 =	vadd.s32 v7, v11;
	v9 =	vnsel vm15, $0x0, v9  }
0x175: {  	v12 =	vnsel vm9, $0x0, v12;
	v44 =	vadd.s32 $0xFFFFFF81, v7;
	v7 =	vsel vm8, v5, v54;
	v5 =	vld [tilespmem:$0x102D2]  }
0x176: {  	v8 =	vadd.f32 v13, v8;
	v9 =	vshll.u32 v9, $0x17;
	v12 =	vshll.u32 v12, $0x17  }
0x177: {  	v49 =	vnsel vm10, $0x0, v15;
	v9 =	vmul.f32 v9, v41;
	v11 =	vmul.f32 v12, v42  }
0x178: {  	v25 =	vld [tilespmem:$0xFFC0];
	v50 =	vnsel vm4, $0xF0000000, v47;
	v18 =	vmul.f32 v8, v38;
	v12 =	vshll.u32 v49, $0x17  }
0x179: {  	v61 =	vnsel vm3, $0xF0000000, v57;
	v52 =	vmul.f32 v12, v23;
	v9 =	vadd.f32 v11, v9  }
0x17a: {  	v8 =	vsel vm8, v44, v16;
	v48 =	vshrl.u32 v18, $0x17;
	vm11 =	vgt.s32 v5, v46  }
0x17b: {  	v27 =	vld [tilespmem:$0x102E1];
	v18 =	vand.u32 $0x7FFFFF, v18;
	v11 =	vadd.f32 v9, v52;
	v51 =	vsel vm11, v5, v46  }
0x17c: {  	v18 =	vor.u32 $0x3F800000, v18;
	v19 =	vadd.s32 v48, v19;
	v9 =	vld [tilespmem:$0x102E2];
	vm4 =	vgt.s32 v51, v50  }
0x17d: {  	v31 =	vld [tilespmem:$0x102F0];
	v19 =	vadd.s32 $0xFFFFFF81, v19;
	v11 =	vmul.f32 v11, v25;
	v16 =	vsel vm4, v51, v50  }
0x17e: {  	v14 =	vsel vm8, v18, v63;
	v59 =	vsel vm8, v19, v10;
	v24 =	vsub.s32 v5, v16  }
0x17f: {  	v22 =	vsub.s32 v46, v16;
	v15 =	vsub.s32 v50, v16;
	v60 =	vshrl.u32 v11, $0x17  }
0x180: {  	v11 =	vand.u32 $0x7FFFFF, v11;
	v55 =	vadd.s32 $0x7F, v24;
	v22 =	vadd.s32 $0x7F, v22  }
0x181: {  	v53 =	vld [tilespmem:$0x101D2];
	v15 =	vadd.s32 $0x7F, v15;
	vm15 =	vgt.s32 v9, v27;
	v11 =	vor.u32 $0x3F800000, v11  }
0x182: {  	v54 =	vld [tilespmem:$0x101D1];
	v13 =	vadd.s32 v60, v43;
	v24 =	vnsel vm2, $0xF0000000, v31;
	vm12 =	vgt.s32 v55, $0x0  }
0x183: {  	v56 =	vld [tilespmem:$0x101D0];
	vm13 =	vgt.s32 v22, $0x0;
	vm14 =	vgt.s32 v15, $0x0;
	v62 =	vsel vm15, v9, v27  }
0x184: {  	v13 =	vadd.s32 $0xFFFFFF81, v13;
	v11 =	vsel vm8, v11, v41;
	v26 =	vnsel vm12, $0x0, v55  }
0x185: {  	v29 =	vld [tilespmem:$0x102F1];
	v22 =	vnsel vm13, $0x0, v22;
	v15 =	vnsel vm14, $0x0, v15;
	vm3 =	vgt.s32 v62, v61  }
0x186: {  	v58 =	vld [tilespmem:$0xFFD0];
	v26 =	vshll.u32 v26, $0x17;
	v22 =	vshll.u32 v22, $0x17;
	v15 =	vshll.u32 v15, $0x17  }
0x187: {  	v10 =	vld [tilespmem:$0x102F2];
	v63 =	vsel vm3, v62, v61;
	v26 =	vmul.f32 v26, v53;
	v22 =	vmul.f32 v22, v54  }
0x188: {  	v32 =	vld [tilespmem:$0x101E1];
	v13 =	vsel vm8, v13, v34;
	v15 =	vmul.f32 v15, v56;
	v23 =	vsub.s32 v9, v63  }
0x189: {  	v19 =	vld [tilespmem:$0x101E2];
	v33 =	vsub.s32 v27, v63;
	v23 =	vadd.s32 $0x7F, v23;
	v22 =	vadd.f32 v22, v26  }
0x18a: {  	v38 =	vsub.s32 v61, v63;
	vm3 =	vgt.s32 v23, $0x0;
	v26 =	vadd.s32 $0x7F, v33  }
0x18b: {  	v34 =	vnsel vm3, $0x0, v23;
	vm3 =	vgt.s32 v26, $0x0;
	v15 =	vadd.f32 v22, v15  }
0x18c: {  	v17 =	vshll.u32 v34, $0x17;
	v35 =	vnsel vm3, $0x0, v26;
	vm3 =	vgt.s32 v10, v29  }
0x18d: {  	v23 =	vshll.u32 v35, $0x17;
	v36 =	vsel vm3, v10, v29;
	v15 =	vmul.f32 v15, v58  }
0x18e: {  	v17 =	vmul.f32 v17, v19;
	v23 =	vmul.f32 v23, v32;
	vm2 =	vgt.s32 v36, v24  }
0x18f: {  	v28 =	vld [tilespmem:$0x10301];
	v26 =	vsel vm2, v36, v24;
	v30 =	vshrl.u32 v15, $0x17;
	v15 =	vand.u32 $0x7FFFFF, v15  }
0x190: {  	v17 =	vadd.f32 v23, v17;
	v21 =	vsub.s32 v29, v26;
	v29 =	vld [tilespmem:$0x10300];
	v15 =	vor.u32 $0x3F800000, v15  }
0x191: {  	v40 =	vld [tilespmem:$0x10302];
	v41 =	vsub.s32 v10, v26;
	v12 =	vsel vm8, v15, v53;
	v15 =	vadd.s32 $0x7F, v38  }
0x192: {  	v16 =	vadd.s32 v30, v16;
	v21 =	vadd.s32 $0x7F, v21;
	v30 =	vld [tilespmem:$0x101E0];
	vm2 =	vgt.s32 v15, $0x0  }
0x193: {  	v39 =	vld [tilespmem:$0x101F1];
	v24 =	vsub.s32 v24, v26;
	v15 =	vnsel vm2, $0x0, v15;
	vm2 =	vgt.s32 v21, $0x0  }
0x194: {  	v37 =	vld [tilespmem:$0x101F2];
	v27 =	vadd.s32 $0x7F, v41;
	v24 =	vadd.s32 $0x7F, v24;
	v21 =	vnsel vm2, $0x0, v21  }
0x195: {  	v31 =	vld [tilespmem:$0x101F0];
	vm2 =	vgt.s32 v27, $0x0;
	v15 =	vshll.u32 v15, $0x17;
	v43 =	vnsel vm1, $0xF0000000, v29  }
0x196: {  	v27 =	vnsel vm2, $0x0, v27;
	v21 =	vshll.u32 v21, $0x17;
	vm2 =	vgt.s32 v24, $0x0  }
0x197: {  	v45 =	vld [tilespmem:$0xFFE0];
	v15 =	vmul.f32 v15, v30;
	v24 =	vnsel vm2, $0x0, v24;
	vm2 =	vgt.s32 v40, v28  }
0x198: {  	v21 =	vmul.f32 v21, v39;
	v42 =	vshll.u32 v27, $0x17;
	v44 =	vsel vm2, v40, v28  }
0x199: {  	v22 =	vmul.f32 v42, v37;
	v24 =	vshll.u32 v24, $0x17;
	vm1 =	vgt.s32 v44, v43  }
0x19a: {  	v47 =	vld [tilespmem:$0x10202];
	[tilespmem:$0x10382] =	vst v3;
	v3 =	vadd.f32 v17, v15;
	v46 =	vmul.f32 v24, v31;
	v29 =	vsel vm1, v44, v43  }
0x19b: {  	v48 =	vld [tilespmem:$0x10201];
	v21 =	vadd.f32 v21, v22;
	v49 =	vsub.s32 v40, v29;
	v28 =	vsub.s32 v28, v29  }
0x19c: {  	[tilespmem:$0x10482] =	vst v2;
	v3 =	vmul.f32 v3, v45;
	v17 =	vadd.s32 $0x7F, v49;
	v51 =	vadd.s32 $0x7F, v28  }
0x19d: {  	[tilespmem:$0x10392] =	vst v4;
	v52 =	vld [tilespmem:$0x10200];
	v27 =	vsub.s32 v43, v29;
	vm1 =	vgt.s32 v17, $0x0;
	vm2 =	vgt.s32 v51, $0x0  }
0x19e: {  	[tilespmem:$0x10492] =	vst v6;
	v50 =	vld [tilespmem:$0xFFF0];
	v55 =	vadd.s32 $0x7F, v27;
	v53 =	vnsel vm1, $0x0, v17;
	v54 =	vnsel vm2, $0x0, v51  }
0x19f: {  	[tilespmem:$0x103A2] =	vst v7;
	vm1 =	vgt.s32 v55, $0x0;
	v6 =	vshll.u32 v53, $0x17;
	v56 =	vshll.u32 v54, $0x17  }
0x1a0: {  	[tilespmem:$0x104A2] =	vst v8;
	v57 =	vnsel vm1, $0x0, v55;
	v7 =	vmul.f32 v56, v48;
	v6 =	vmul.f32 v6, v47  }
0x1a1: {  	[tilespmem:$0x103B2] =	vst v14;
	v58 =	vld [tilespmem:$0xFFF0];
	v2 =	vadd.f32 v21, v46;
	v60 =	vshrl.u32 v3, $0x17;
	v8 =	vshll.u32 v57, $0x17  }
0x1a2: {  	[tilespmem:$0x104B2] =	vst v59;
	v3 =	vand.u32 $0x7FFFFF, v3;
	v4 =	vmul.f32 v8, v52;
	v6 =	vadd.f32 v7, v6  }
0x1a3: {  	[tilespmem:$0x103C2] =	vst v11;
	v59 =	vadd.s32 $0xFFFFFF81, v16;
	v3 =	vor.u32 $0x3F800000, v3;
	v2 =	vmul.f32 v2, v50  }
0x1a4: {  	[tilespmem:$0x104C2] =	vst v13;
	v5 =	vsel vm8, v59, v5;
	v3 =	vsel vm8, v3, v19;
	v4 =	vadd.f32 v6, v4  }
0x1a5: {  	[tilespmem:$0x103D2] =	vst v12;
	v61 =	vshrl.u32 v2, $0x17;
	v2 =	vand.u32 $0x7FFFFF, v2;
	v7 =	vadd.s32 v60, v63  }
0x1a6: {  	[tilespmem:$0x104D2] =	vst v5;
	v2 =	vor.u32 $0x3F800000, v2;
	v62 =	vadd.s32 $0xFFFFFF81, v7;
	v4 =	vmul.f32 v4, v58  }
0x1a7: {  	[tilespmem:$0x103E2] =	vst v3;
	v2 =	vsel vm8, v2, v37;
	v6 =	vadd.s32 v61, v26;
	v3 =	vsel vm8, v62, v9  }
0x1a8: {  	v63 =	vadd.s32 $0xFFFFFF81, v6;
	[tilespmem:$0x104E2] =	vst v3;
	v3 =	vshrl.u32 v4, $0x17;
	v4 =	vand.u32 $0x7FFFFF, v4  }
0x1a9: {  	[tilespmem:$0x103F2] =	vst v2;
	v2 =	vsel vm8, v63, v10;
	v4 =	vor.u32 $0x3F800000, v4;
	v3 =	vadd.s32 v3, v29  }
0x1aa: {  	[tilespmem:$0x104F2] =	vst v2;
	v2 =	vadd.s32 $0xFFFFFF81, v3;
	v3 =	vsel vm8, v4, v47  }
0x1ab: {  	[tilespmem:$0x10402] =	vst v3;
	v2 =	vsel vm8, v2, v40  }
0x1ac: {  	[tilespmem:$0x10502] =	vst v2  }
0x1ad: {  	[hbm4b:s6+s10] =	stream.strided.scatter [tilespmem:s14], [sflag:$0x1], $0x100, s11, s10, $0x38;
	[tilespmem:$0x10580] =	vst v63  }
0x1ae: {  	s16 =	sadd.s32 $0x1, s16;
	_ =	swait.ge [sflag:s9], $0x100  }
0x1af: {  	p0 =	sne.s32 s16, s8;
	[sflag:s9] =	ssyncset.done $0x0  }
.Ltmp1:
0x1b0: {  	[sflag:s9] =	ssyncadd.s32 $0xFFFFFF00;
	(pc) =	sbr.rel @p0 .LBB2_1-.Ltmp1, $4  }
0x1b1: {  	[hbm4b:s7+s10] =	stream.strided.scatter [tilespmem:s15], [sflag:$0x1], $0x100, s11, s10, $0x38;
	[tilespmem:$0x10580] =	vst v63  }
0x1b2: {  	_ =	swait.ge [sflag:s9], $0x100  }
0x1b3: {  	[sflag:s9] =	ssyncset.done $0x0  }
0x1b4: {  	[sflag:s9] =	ssyncadd.s32 $0xFFFFFF00  }
0x1b5: {  	_ =	sfence.sel $0x180000  }
0x1b6: {  	[bflag:$0x0] =	sbarrier.arrive $0xFFFF  }
0x1b7: {  	p0 =	sne.s32 s1, $0x0;
	_ =	strace $0x90000047  }
0x1b8: {  	s0 =	sadd.s32 @!p0 $0x100000, s0;
	[bflag:$0x2] =	sbarrier.arrive $0xFFFF  }
0x1b9: {  	[sflag:s0] =	ssyncadd.tile.s32 @!p0 $0x1;
	_ =	shalt  }
.Lfunc_end2:
_tile_overlayer_lowered:
.L_overlay_start_2:
0x1ba: {  	(tag) =	ssettag $0x2  }
0x1bb: {  	s0 =	rddreg [dreg:$0x0];
	s2 =	stileid.u32  }
0x1bc: {  	s1 =	rddreg [dreg:$0x1];
	p0 =	sne.s32 s2, $0x0  }
0x1bd: {  	s3 =	rddreg [dreg:$0x2];
	[bflag:$0x3] =	sbarrier.arrive $0xFFFF;
	s2 =	simm.s32 @!p0 $0x1C01  }
0x1be: {  	[timem:s3], [sflag:s2] =	dma.local @!p0 [hbm:s0], s1  }
0x1bf: {  	s0 =	simm.s32 @!p0 $0x1  }
0x1c0: {  	_ =	swait.ge @!p0 [sflag:s0], s1  }
0x1c1: {  	s1 =	ssub.s32 @!p0 $0x0, s1;
	[sflag:s0] =	ssyncset.done @!p0 $0x0  }
0x1c2: {  	[sflag:s0] =	ssyncadd.s32 @!p0 s1  }
0x1c3: {  	[bflag:$0x3] =	sbarrier.arrive $0xFFFF  }
0x1c4: {  	_ =	shalt  }

</sc_bundles>
